<compile_context>
chip_gen: v7x
topology: tpu7x:2x2x1
jax: 0.10.2.dev20260603
libtpu: 0.0.44.dev20260713+nightly
codegen_flags: <defaults>
</compile_context>

<pallas_src>
import functools

import jax
import jax.numpy as jnp
from jax import lax
from jax.experimental import pallas as pl
from jax.experimental.pallas import tpu as pltpu
from jax.experimental.pallas import tpu_sc as plsc

A0 = 0.529177249
SIG2 = [0.5515909**2, 1.8886297**2, 1.3225029**2, 1.2316629**2,
        2.1884933**2, 1.7750372**2, 1.3677907**2, 1.3820058**2]
NM, NA, NS = 128, 64, 8
G = 8
T = G * NA
STEPS = NM // G
NT = NM * NA
DF = 512
TB = 256


def _dot2(a, b):
    bh = b.astype(jnp.bfloat16).astype(jnp.float32)
    return jnp.dot(a, bh) + jnp.dot(a, b - bh)


def _dot2a(a, b):
    ah = a.astype(jnp.bfloat16).astype(jnp.float32)
    return jnp.dot(ah, b) + jnp.dot(a - ah, b)


def _celu(x):
    return jnp.maximum(x, 0.0) + 0.1 * (jnp.exp(jnp.minimum(x * 10.0, 0.0)) - 1.0)


def _softplus(x):
    return jnp.maximum(x, 0.0) + jnp.log(1.0 + jnp.exp(-jnp.abs(x)))


def _erf(x):
    t = 1.0 / (1.0 + 0.3275911 * x)
    p = t * (0.254829592 + t * (-0.284496736 + t * (1.421413741
              + t * (-1.453152027 + t * 1.061405429))))
    return 1.0 - p * jnp.exp(-x * x)


def _body_a(spc_ref, spr_ref, cc_ref, cr_ref, nq_ref, s2c_ref,
            w16a_ref, w16q_ref,
            c0a_ref, c0q_ref, c0qr_ref, c0er_ref, c1_ref, c2_ref, c3_ref,
            cb0_ref, cb1_ref, cb2_ref, cb3_ref,
            ft_ref, coul_ref, q_ref, rk_ref, cnt_ref,
            nbr_ref, jbd_ref, carry_ref):
    pid = pl.program_id(0)

    @pl.when(pid == 0)
    def _init():
        nbr_ref[...] = jnp.zeros((2, T // 2, T // 2), jnp.float32)
        jbd_ref[...] = jnp.zeros((2, T // 2, T // 2), jnp.float32)
        carry_ref[...] = jnp.zeros((1, NS), jnp.float32)

    sp_c = spc_ref[0]
    sp_r = spr_ref[0]
    onehot = (sp_c == jax.lax.broadcasted_iota(jnp.int32, (T, NS), 1)
              ).astype(jnp.float32)
    sig2_c = jnp.dot(onehot, s2c_ref[...])
    sig2_r = jnp.full((1, T), SIG2[0], jnp.float32)
    for e in range(1, NS):
        sig2_r = jnp.where(sp_r == e, jnp.float32(SIG2[e]), sig2_r)

    ii = jax.lax.broadcasted_iota(jnp.int32, (NA, NA), 0)
    jj = jax.lax.broadcasted_iota(jnp.int32, (NA, NA), 1)
    offm = jnp.where(ii == jj, 0.0, 1.0).astype(jnp.float32)

    for g in range(G):
        hf, og = divmod(g, G // 2)
        sl = pl.ds(g * NA, NA)
        sh = pl.ds(og * NA, NA)
        d2 = jnp.full((NA, NA), 1e-16, jnp.float32)
        for ax in range(3):
            col = cc_ref[0, sl, ax:ax + 1]
            row = cr_ref[0, ax:ax + 1, sl]
            dif = col - row
            d2 = d2 + dif * dif
        dist = jnp.sqrt(d2) * jnp.float32(1.0 / A0)
        nbr_ref[hf, sh, sh] = jnp.exp(-dist) * offm
        s2 = sig2_c[g * NA:(g + 1) * NA, :] + sig2_r[:, g * NA:(g + 1) * NA]
        x = dist * jax.lax.rsqrt(2.0 * s2)
        jbd_ref[hf, sh, sh] = _erf(x) / dist * offm

    ti = jax.lax.broadcasted_iota(jnp.int32, (T, T), 0)
    tj = jax.lax.broadcasted_iota(jnp.int32, (T, T), 1)
    stri = jnp.where(tj < ti, 1.0, 0.0).astype(jnp.float32)
    carry = carry_ref[...]
    rank_tot = jnp.dot(stri, onehot) + carry
    rk_ref[0] = jnp.sum(rank_tot * onehot, axis=1,
                        keepdims=True).astype(jnp.int32)
    carry_new = carry + jnp.sum(onehot, axis=0, keepdims=True)
    carry_ref[...] = carry_new
    oe = jax.lax.broadcasted_iota(jnp.int32, (NS, 16), 0)
    oj = jax.lax.broadcasted_iota(jnp.int32, (NS, 16), 1)
    mlt = jnp.where(oe < oj, 1.0, 0.0).astype(jnp.float32)
    cnt_ref[...] = _dot2a(carry_new, mlt).astype(jnp.int32)

    gi = jax.lax.broadcasted_iota(jnp.int32, (G, T), 0)
    gt = jax.lax.broadcasted_iota(jnp.int32, (G, T), 1)
    seg = jnp.where(gt // NA == gi, 1.0, 0.0).astype(jnp.float32)
    si = jax.lax.broadcasted_iota(jnp.int32, (T, G), 0)
    sj = jax.lax.broadcasted_iota(jnp.int32, (T, G), 1)
    segT = jnp.where(si // NA == sj, 1.0, 0.0).astype(jnp.float32)

    base16 = jnp.concatenate([cc_ref[0], onehot], axis=1)
    phi_aev = jnp.tanh(jnp.dot(base16, w16a_ref[...]))
    H = T // 2
    aev = jnp.tanh(jnp.concatenate(
        [jnp.dot(nbr_ref[0], phi_aev[:H]),
         jnp.dot(nbr_ref[1], phi_aev[H:])], axis=0))

    c1 = c1_ref[...]; c2 = c2_ref[...]; c3 = c3_ref[...]
    cb1 = cb1_ref[...]; cb2 = cb2_ref[...]; cb3 = cb3_ref[...]
    nq = nq_ref[0]

    def chi_tail(pre):
        h = _celu(pre)
        h = _celu(jnp.dot(h, c1) + cb1)
        h = _celu(jnp.dot(h, c2) + cb2)
        return _softplus(jnp.dot(h, c3) + cb3)

    def equil(chi):
        sums = _dot2(seg, chi)
        k_net = 1.0 + jnp.abs(nq) / sums
        k_p = jnp.where(nq > 0, k_net, 1.0)
        k_n = jnp.where(nq < 0, k_net, 1.0)
        ktab = jnp.concatenate(
            [k_n, k_p * (sums * jnp.float32(1.0 / NA))], axis=1)
        kexp = _dot2(segT, ktab)
        return -kexp[:, 0:1] * chi + kexp[:, 1:2]

    def esp_of(q):
        return jnp.concatenate(
            [jnp.dot(jbd_ref[0], q[:H]),
             jnp.dot(jbd_ref[1], q[H:])], axis=0)

    h_aev = jnp.dot(aev, c0a_ref[...]) + cb0_ref[...]

    chi1 = chi_tail(h_aev)
    q1 = equil(chi1)
    esp1 = esp_of(q1)

    phi_qr = jnp.tanh(jnp.dot(base16, w16q_ref[...]))
    wphi = q1 * phi_qr
    qraev = jnp.tanh(jnp.concatenate(
        [jnp.dot(nbr_ref[0], wphi[:H]),
         jnp.dot(nbr_ref[1], wphi[H:])], axis=0))

    pre2 = (h_aev + jnp.dot(qraev, c0q_ref[...])
            + q1 * c0qr_ref[...] + esp1 * c0er_ref[...])
    chi2 = chi_tail(pre2)
    q2 = equil(chi2)
    esp2 = esp_of(q2)

    molid = (G * pid + jax.lax.broadcasted_iota(jnp.int32, (T, 1), 0) // NA
             ).astype(jnp.float32)
    ft = jnp.concatenate(
        [aev, qraev, q2, esp2, molid,
         jnp.zeros((T, DF - 451), jnp.float32)], axis=1)
    lo_b = jax.lax.bitcast_convert_type(
        ft[:, :256].astype(jnp.bfloat16).astype(jnp.float32), jnp.int32)
    hi_b = jax.lax.bitcast_convert_type(
        ft[:, 256:].astype(jnp.bfloat16).astype(jnp.float32), jnp.int32)
    ft_ref[0] = ((lo_b & jnp.int32(-65536))
                 | jax.lax.shift_right_logical(hi_b, 16))

    coul_ref[0] = 0.5 * jnp.dot(seg, q2 * esp2)
    q_ref[0] = q2


def _run_a(species, coordinates, net_charge, params):
    sp_col = species.reshape(STEPS, T, 1)
    sp_row = species.reshape(STEPS, 1, T)
    cf = coordinates.reshape(STEPS, T, 3)
    coords_c = jnp.pad(cf, ((0, 0), (0, 0), (0, 5)))
    coords_r = jnp.pad(cf.transpose(0, 2, 1), ((0, 0), (0, 5), (0, 0)))
    netq = net_charge.reshape(STEPS, G, 1)
    sig2 = jnp.asarray(SIG2, jnp.float32).reshape(NS, 1)

    p = params
    w16a = jnp.concatenate(
        [jnp.pad(p['W_aev'][:3], ((0, 5), (0, 0))), p['W_aev'][3:]], axis=0)
    w16q = jnp.concatenate(
        [jnp.pad(p['W_qr'][:3], ((0, 5), (0, 0))), p['W_qr'][3:]], axis=0)
    c0 = p['chi_W0']
    c0a, c0q = c0[:384], c0[384:448]
    c0qr, c0er = c0[448:449], c0[449:450]

    def bs(a):
        nd = a.ndim
        return pl.BlockSpec(a.shape, lambda i, _n=nd: (0,) * _n)

    ins = [sp_col, sp_row, coords_c, coords_r, netq, sig2,
           w16a, w16q,
           c0a, c0q, c0qr, c0er, p['chi_W1'], p['chi_W2'], p['chi_W3'],
           p['chi_b0'].reshape(1, -1), p['chi_b1'].reshape(1, -1),
           p['chi_b2'].reshape(1, -1), p['chi_b3'].reshape(1, -1)]

    specs = [pl.BlockSpec((1, T, 1), lambda i: (i, 0, 0)),
             pl.BlockSpec((1, 1, T), lambda i: (i, 0, 0)),
             pl.BlockSpec((1, T, 8), lambda i: (i, 0, 0)),
             pl.BlockSpec((1, 8, T), lambda i: (i, 0, 0)),
             pl.BlockSpec((1, G, 1), lambda i: (i, 0, 0))]
    specs += [bs(a) for a in ins[5:]]

    out_shapes = (jax.ShapeDtypeStruct((STEPS, T, 256), jnp.int32),
                  jax.ShapeDtypeStruct((STEPS, G, 1), jnp.float32),
                  jax.ShapeDtypeStruct((STEPS, T, 1), jnp.float32),
                  jax.ShapeDtypeStruct((STEPS, T, 1), jnp.int32),
                  jax.ShapeDtypeStruct((1, 16), jnp.int32))
    out_specs = (pl.BlockSpec((1, T, 256), lambda i: (i, 0, 0)),
                 pl.BlockSpec((1, G, 1), lambda i: (i, 0, 0)),
                 pl.BlockSpec((1, T, 1), lambda i: (i, 0, 0)),
                 pl.BlockSpec((1, T, 1), lambda i: (i, 0, 0)),
                 pl.BlockSpec((1, 16), lambda i: (0, 0)))

    return pl.pallas_call(
        _body_a,
        grid=(STEPS,),
        in_specs=specs,
        out_specs=out_specs,
        out_shape=out_shapes,
        scratch_shapes=[pltpu.VMEM((2, T // 2, T // 2), jnp.float32),
                        pltpu.VMEM((2, T // 2, T // 2), jnp.float32),
                        pltpu.VMEM((1, NS), jnp.float32)],
    )(*ins)


def _sc_dispatch(feats, species_flat, rank_i, offs16):
    mesh = plsc.VectorSubcoreMesh(core_axis_name="c", subcore_axis_name="s")
    NB, RB = 4, 64

    @functools.partial(
        pl.kernel, mesh=mesh,
        out_type=jax.ShapeDtypeStruct((NT, 256), jnp.int32),
        compiler_params=pltpu.CompilerParams(needs_layout_passes=False),
        scratch_types=[
            pltpu.VMEM((TB,), jnp.int32),
            pltpu.VMEM((TB,), jnp.int32),
            pltpu.VMEM((16,), jnp.int32),
            pltpu.VMEM((NB, RB), jnp.int32),
            pltpu.VMEM((3, RB, 256), jnp.int32),
            pltpu.SemaphoreType.DMA,
            pltpu.SemaphoreType.DMA,
        ])
    def k(ft_hbm, sp_hbm, rk_hbm, off_hbm, out_hbm,
          sp_v, rk_v, off_v, dest_v, rows_v, sem_i, sem_o):
        wid = lax.axis_index("s") * 2 + lax.axis_index("c")
        base = wid * TB
        ih, oh = {}, {}

        def start_in(b):
            ih[b] = pltpu.async_copy(
                ft_hbm.at[pl.ds(base + b * RB, RB)], rows_v.at[b % 3], sem_i)

        for b in range(3):
            start_in(b)
        pltpu.sync_copy(sp_hbm.at[pl.ds(base, TB)], sp_v)
        pltpu.sync_copy(rk_hbm.at[pl.ds(base, TB)], rk_v)
        pltpu.sync_copy(off_hbm, off_v)
        for j in range(16):
            s = sp_v[pl.ds(j * 16, 16)]
            r = rk_v[pl.ds(j * 16, 16)]
            o = plsc.load_gather(off_v, [s])
            dest_v[j // 4, pl.ds((j % 4) * 16, 16)] = o + r
        for b in range(NB):
            ih[b].wait()
            oh[b] = pltpu.async_copy(
                rows_v.at[b % 3], out_hbm.at[dest_v.at[b]], sem_o)
            if b + 3 < NB:
                oh[b].wait()
                start_in(b + 3)
        for b in range(NB):
            if not (b + 3 < NB):
                oh[b].wait()

    return k(feats, species_flat, rank_i, offs16)


def _body_b(sf_ref, cnt_ref, coul_ref,
            w0_ref, w1_ref, w2_ref, w3_ref,
            b0_ref, b1_ref, b2_ref, b3_ref,
            out_ref):
    b = pl.program_id(0)

    @pl.when(b == 0)
    def _init():
        out_ref[...] = coul_ref[...]

    pk = sf_ref[...]
    f_lo = jax.lax.bitcast_convert_type(
        pk & jnp.int32(-65536), jnp.float32)
    f_hi = jax.lax.bitcast_convert_type(
        jax.lax.shift_left(pk, 16), jnp.float32)
    molid = f_hi[:, 194:195]

    offs = cnt_ref[...].astype(jnp.float32)[:, 0:NS + 1]
    glob = (TB * b + jax.lax.broadcasted_iota(jnp.int32, (TB, 1), 0)
            ).astype(jnp.float32)
    lo_f = jnp.float32(TB) * b.astype(jnp.float32)
    hi_f = lo_f + jnp.float32(TB - 1)
    off8 = offs[:, 0:NS]
    e_lo = (jnp.sum(jnp.where(off8 <= lo_f, 1.0, 0.0)) - 1.0).astype(jnp.int32)
    e_hi = (jnp.sum(jnp.where(off8 <= hi_f, 1.0, 0.0)) - 1.0).astype(jnp.int32)

    def expert(i, acc):
        e = e_lo + i
        seg_lo = jnp.sum(jnp.where(
            jax.lax.broadcasted_iota(jnp.int32, (1, NS + 1), 1) == e,
            offs, 0.0))
        seg_hi = jnp.sum(jnp.where(
            jax.lax.broadcasted_iota(jnp.int32, (1, NS + 1), 1) == e + 1,
            offs, 0.0))
        msk = jnp.logical_and(glob >= seg_lo, glob < seg_hi)
        h = _celu(jnp.dot(f_lo, w0_ref[e, pl.ds(0, 256)])
                  + jnp.dot(f_hi, w0_ref[e, pl.ds(256, 256)]) + b0_ref[e])
        h = _celu(jnp.dot(h, w1_ref[e]) + b1_ref[e])
        h = _celu(jnp.dot(h, w2_ref[e]) + b2_ref[e])
        o = jnp.dot(h, w3_ref[e]) + b3_ref[e]
        return acc + jnp.where(msk, o, 0.0)

    en = jax.lax.fori_loop(0, e_hi - e_lo + 1, expert,
                           jnp.zeros((TB, 1), jnp.float32))
    mi = jax.lax.broadcasted_iota(jnp.int32, (TB, NM), 1).astype(jnp.float32)
    oh = jnp.where(molid == mi, 1.0, 0.0).astype(jnp.float32)
    out_ref[...] += jnp.sum(en * oh, axis=0, keepdims=True)


def _run_b(sorted_feats, offs, coul, params):
    p = params
    w0 = jnp.concatenate(
        [p['ani_W0'], jnp.zeros((NS, DF - 450, p['ani_W0'].shape[2]),
                                jnp.float32)], axis=1)

    def bs(a):
        nd = a.ndim
        return pl.BlockSpec(a.shape, lambda i, _n=nd: (0,) * _n)

    ins = [sorted_feats, offs, coul,
           w0, p['ani_W1'], p['ani_W2'], p['ani_W3'],
           p['ani_b0'][:, None, :], p['ani_b1'][:, None, :],
           p['ani_b2'][:, None, :], p['ani_b3'][:, None, :]]
    specs = [pl.BlockSpec((TB, 256), lambda i: (i, 0))]
    specs += [bs(a) for a in ins[1:]]

    out = pl.pallas_call(
        _body_b,
        grid=(NT // TB,),
        in_specs=specs,
        out_specs=pl.BlockSpec((1, NM), lambda i: (0, 0)),
        out_shape=jax.ShapeDtypeStruct((1, NM), jnp.float32),
    )(*ins)
    return out


def kernel(species, coordinates, net_charge, params):
    feats, coul, q2, rank_f, offs = _run_a(
        species, coordinates, net_charge, params)
    feats2d = feats.reshape(NT, 256)
    rank_i = rank_f.reshape(NT)
    offs16 = offs.reshape(16)
    sorted_feats = _sc_dispatch(feats2d, species.reshape(NT), rank_i, offs16)
    mol_e = _run_b(sorted_feats, offs, coul.reshape(1, NM), params)
    return species, mol_e.reshape(NM), q2.reshape(NM, NA)

# --- scband reference (transcript-rebuilt; emitter-appended) ---
"""Pipeline reference for scband-jrnn-21878563406025 (READ-ONLY COPY).

The authoritative reference and input builder live on the scoring server;
editing this copy changes nothing except your own understanding.
"""

import jax, jax.numpy as jnp
import numpy as np

A0 = 0.529177249
SIGMA = jnp.array([0.5515909, 1.8886297, 1.3225029, 1.2316629, 2.1884933, 1.7750372, 1.3677907, 1.3820058], dtype=jnp.float32)
N_MOL, N_ATOM = 128, 64
AEV_LEN, RAD_LEN = 384, 64
N_SPECIES = 8
D_IN = AEV_LEN + RAD_LEN + 2
HID = [256, 192, 160]

def nonzero_batch_dmat(coords, eps=1e-16):
    diff = coords[:, None, :, :] - coords[:, :, None, :]
    d = jnp.sqrt(jnp.sum(diff * diff, -1) + eps)
    return d / A0

def esperf(pair_mask, distances, charges, species):
    sig = SIGMA[species]
    s2 = sig[:, None, :] ** 2 + sig[:, :, None] ** 2
    s2 = jnp.where(s2 < 1e-08, 1e-08, s2)
    j_ij = jax.scipy.special.erf(distances / jnp.sqrt(2.0 * s2)) / distances
    esp_mat = charges[:, :, None] * j_ij
    diag = (1.0 - jnp.eye(distances.shape[1]))[None]
    return jnp.sum(esp_mat * pair_mask * diag, axis=-2)

def neighbor_kernel(distances):
    n = distances.shape[1]
    return jnp.exp(-distances) * (1.0 - jnp.eye(n))[None]

def compute_aev(species, coordinates, W_aev, distances):
    base = jnp.concatenate([coordinates, jax.nn.one_hot(species, N_SPECIES, dtype=jnp.float32)], axis=-1)
    phi = jnp.tanh(base @ W_aev)
    return jnp.tanh(jnp.einsum('bij,bjk->bik', neighbor_kernel(distances), phi))

def compute_radial_qaev(species, coordinates, charges, W_qr, distances):
    base = jnp.concatenate([coordinates, jax.nn.one_hot(species, N_SPECIES, dtype=jnp.float32)], axis=-1)
    phi = jnp.tanh(base @ W_qr)
    w = neighbor_kernel(distances) * charges[:, None, :]
    return jnp.tanh(jnp.einsum('bij,bjk->bik', w, phi))

def mlp(x, Ws, bs):
    h = x
    for i in range(3):
        h = jax.nn.celu(h @ Ws[i] + bs[i], alpha=0.1)
    return h @ Ws[3] + bs[3]

def mlp_experts(x, Ws, bs):
    h = jax.nn.celu(jnp.einsum('td,edh->eth', x, Ws[0]) + bs[0][:, None, :], alpha=0.1)
    for i in (1, 2):
        h = jax.nn.celu(jnp.einsum('etd,edh->eth', h, Ws[i]) + bs[i][:, None, :], alpha=0.1)
    return jnp.einsum('etd,edh->eth', h, Ws[3]) + bs[3][:, None, :]

def forward(species, coordinates, net_charge, params):
    N, n = species.shape
    distances = nonzero_batch_dmat(coordinates)
    padding_mask = (species != -1).astype(jnp.float32)
    pair_mask = padding_mask[:, None, :] * padding_mask[:, :, None]
    num_atoms = padding_mask.sum(axis=1)
    species_flat = species.reshape(-1)
    aev = compute_aev(species, coordinates, params['W_aev'], distances).reshape(N * n, AEV_LEN)
    pred_charges = jnp.zeros((N * n,), dtype=jnp.float32)
    esp = jnp.zeros((N, n), dtype=jnp.float32)
    chi_W = [params['chi_W%d' % i] for i in range(4)]
    chi_b = [params['chi_b%d' % i] for i in range(4)]
    qraev = None
    for _ in range(2):
        qraev = compute_radial_qaev(species, coordinates, pred_charges.reshape(N, n), params['W_qr'], distances)
        feats = jnp.concatenate([aev, qraev.reshape(N * n, RAD_LEN), pred_charges[:, None], esp.reshape(-1)[:, None]], axis=1)
        chi = jax.nn.softplus(mlp(feats, chi_W, chi_b)).reshape(-1)
        chi = chi * padding_mask.reshape(-1)
        chi_copy = chi.reshape(N, n)
        k_net = 1.0 + jnp.abs(net_charge) / chi_copy.sum(axis=-1)
        chi_mean = chi_copy.sum(axis=-1) / num_atoms
        k_p = jnp.where(net_charge > 0, k_net, 1.0)
        k_n = jnp.where(net_charge < 0, k_net, 1.0)
        iter_charges = -k_n[:, None] * chi_copy + (k_p * chi_mean)[:, None]
        iter_charges = iter_charges * padding_mask
        pred_charges = iter_charges.reshape(-1)
        esp = esperf(pair_mask, distances, pred_charges.reshape(N, n), species)
    feats = jnp.concatenate([aev, qraev.reshape(N * n, RAD_LEN), pred_charges[:, None], esp.reshape(-1)[:, None]], axis=1)
    ani_W = [params['ani_W%d' % i] for i in range(4)]
    ani_b = [params['ani_b%d' % i] for i in range(4)]
    expert_out = mlp_experts(feats, ani_W, ani_b)[..., 0]
    sel = species_flat[None, :] == jnp.arange(N_SPECIES)[:, None]
    atomic_energies = jnp.sum(jnp.where(sel, expert_out, 0.0), axis=0)
    atomic_energies = atomic_energies * padding_mask.reshape(-1)
    mol_energy = atomic_energies.reshape(N, n).sum(axis=1)
    coulomb = 0.5 * jnp.sum(pred_charges.reshape(N, n) * esp, axis=-1)
    return species, mol_energy + coulomb, pred_charges.reshape(N, n)

def setup_inputs(seed: int = 0):
    key = jax.random.key(seed)
    ks = jax.random.split(key, 24)
    species = jax.random.randint(ks[0], (N_MOL, N_ATOM), 0, N_SPECIES)
    coordinates = jax.random.normal(ks[1], (N_MOL, N_ATOM, 3), dtype=jnp.float32) * 3.0
    net_charge = jax.random.normal(ks[2], (N_MOL,), dtype=jnp.float32)
    params = {}
    params['W_aev'] = jax.random.normal(ks[3], (3 + N_SPECIES, AEV_LEN), dtype=jnp.float32) / np.sqrt(3.0 + N_SPECIES)
    params['W_qr'] = jax.random.normal(ks[4], (3 + N_SPECIES, RAD_LEN), dtype=jnp.float32) / np.sqrt(3.0 + N_SPECIES)
    dims = [D_IN] + HID + [1]
    for i in range(4):
        params['chi_W%d' % i] = jax.random.normal(ks[5 + i], (dims[i], dims[i + 1]), dtype=jnp.float32) / np.sqrt(dims[i])
        params['chi_b%d' % i] = jnp.zeros((dims[i + 1],), dtype=jnp.float32)
        params['ani_W%d' % i] = jax.random.normal(ks[9 + i], (N_SPECIES, dims[i], dims[i + 1]), dtype=jnp.float32) / np.sqrt(dims[i])
        params['ani_b%d' % i] = jnp.zeros((N_SPECIES, dims[i + 1]), dtype=jnp.float32)
    return {'species': species, 'coordinates': coordinates, 'net_charge': net_charge, 'params': params}

def reference(species, coordinates, net_charge, params):
    return forward(species, coordinates, net_charge, params)

if __name__ == "__main__":
    import jax
    _d = setup_inputs()
    print(jax.jit(kernel)(*tuple(_d.values())))

</pallas_src>

<mosaic_0001>
#map = affine_map<(d0, d1) -> (0, 0)>
#map1 = affine_map<(d0, d1) -> (0)>
module attributes {stable_mosaic.version = 14 : i64} {
  func.func @k(%arg0: i32, %arg1: i32, %arg2: memref<8192x256xi32, #tpu.memory_space<hbm>>, %arg3: memref<8192xi32, #tpu.memory_space<hbm>>, %arg4: memref<8192xi32, #tpu.memory_space<hbm>>, %arg5: memref<16xi32, #tpu.memory_space<hbm>>, %arg6: memref<8192x256xi32, #tpu.memory_space<hbm>>, %arg7: memref<256xi32, #tpu.memory_space<vmem>>, %arg8: memref<256xi32, #tpu.memory_space<vmem>>, %arg9: memref<16xi32, #tpu.memory_space<vmem>>, %arg10: memref<4x64xi32, #tpu.memory_space<vmem>>, %arg11: memref<3x64x256xi32, #tpu.memory_space<vmem>>, %arg12: memref<!tpu.dma_semaphore, #tpu.memory_space<semaphore_mem>>, %arg13: memref<!tpu.dma_semaphore, #tpu.memory_space<semaphore_mem>>) attributes {dimension_semantics = [#tpu.dimension_semantics<core_parallel>, #tpu.dimension_semantics<subcore_parallel>], iteration_bounds = array<i64: 2, 16>, scalar_prefetch = 0 : i64, scratch_operands = 7 : i64, tpu.core_type = #tpu.core_type<sc_vector_subcore>, window_params = [{transform_indices = #map}, {transform_indices = #map1}, {transform_indices = #map1}, {transform_indices = #map1}, {transform_indices = #map}]} {
    %mul3A = arith.constant 2 : i32
    %mul3A_0 = arith.muli %arg1, %mul3A : i32
    %add3A = arith.addi %mul3A_0, %arg0 : i32
    %mul3A_1 = arith.constant 256 : i32
    %mul3A_2 = arith.muli %add3A, %mul3A_1 : i32
    %add3A_3 = arith.constant 0 : i32
    %add3A_4 = arith.addi %mul3A_2, %add3A_3 : i32
    %dma_start3A = arith.constant 0 : i32
    %dma_start3A_5 = arith.constant 0 : i32
    %dma_start3A_6 = arith.constant 0 : i32
    %dma_start3A_7 = tpu.memref_slice %arg11[%dma_start3A, %dma_start3A_5, %dma_start3A_6] : memref<3x64x256xi32, #tpu.memory_space<vmem>> -> memref<1x64x256xi32, #tpu.memory_space<vmem>>
    %dma_start3A_8 = tpu.memref_squeeze %dma_start3A_7 : memref<1x64x256xi32, #tpu.memory_space<vmem>> -> memref<64x256xi32, #tpu.memory_space<vmem>>
    %dma_start3A_9 = arith.constant 0 : i32
    %dma_start3A_10 = tpu.memref_slice %arg2[%add3A_4, %dma_start3A_9] : memref<8192x256xi32, #tpu.memory_space<hbm>> -> memref<64x256xi32, #tpu.memory_space<hbm>>
    %dma_start3A_11 = arith.constant 0 : i32
    %dma_start3A_12 = arith.constant 0 : i32
    %dma_start3A_13 = tpu.memref_slice %arg11[%dma_start3A, %dma_start3A_11, %dma_start3A_12] : memref<3x64x256xi32, #tpu.memory_space<vmem>> -> memref<1x64x256xi32, #tpu.memory_space<vmem>>
    %dma_start3A_14 = tpu.memref_squeeze %dma_start3A_13 : memref<1x64x256xi32, #tpu.memory_space<vmem>> -> memref<64x256xi32, #tpu.memory_space<vmem>>
    %dma_start3A_15 = arith.constant 0 : i32
    %dma_start3A_16 = tpu.memref_slice %arg2[%add3A_4, %dma_start3A_15] : memref<8192x256xi32, #tpu.memory_space<hbm>> -> memref<64x256xi32, #tpu.memory_space<hbm>>
    tpu.enqueue_dma source(%dma_start3A_16 : memref<64x256xi32, #tpu.memory_space<hbm>>) target(%dma_start3A_14 : memref<64x256xi32, #tpu.memory_space<vmem>>) target_semaphore(%arg12 : memref<!tpu.dma_semaphore, #tpu.memory_space<semaphore_mem>>)
    %add3A_17 = arith.constant 64 : i32
    %add3A_18 = arith.addi %mul3A_2, %add3A_17 : i32
    %dma_start3A_19 = arith.constant 1 : i32
    %dma_start3A_20 = arith.constant 0 : i32
    %dma_start3A_21 = arith.constant 0 : i32
    %dma_start3A_22 = tpu.memref_slice %arg11[%dma_start3A_19, %dma_start3A_20, %dma_start3A_21] : memref<3x64x256xi32, #tpu.memory_space<vmem>> -> memref<1x64x256xi32, #tpu.memory_space<vmem>>
    %dma_start3A_23 = tpu.memref_squeeze %dma_start3A_22 : memref<1x64x256xi32, #tpu.memory_space<vmem>> -> memref<64x256xi32, #tpu.memory_space<vmem>>
    %dma_start3A_24 = arith.constant 0 : i32
    %dma_start3A_25 = tpu.memref_slice %arg2[%add3A_18, %dma_start3A_24] : memref<8192x256xi32, #tpu.memory_space<hbm>> -> memref<64x256xi32, #tpu.memory_space<hbm>>
    %dma_start3A_26 = arith.constant 0 : i32
    %dma_start3A_27 = arith.constant 0 : i32
    %dma_start3A_28 = tpu.memref_slice %arg11[%dma_start3A_19, %dma_start3A_26, %dma_start3A_27] : memref<3x64x256xi32, #tpu.memory_space<vmem>> -> memref<1x64x256xi32, #tpu.memory_space<vmem>>
    %dma_start3A_29 = tpu.memref_squeeze %dma_start3A_28 : memref<1x64x256xi32, #tpu.memory_space<vmem>> -> memref<64x256xi32, #tpu.memory_space<vmem>>
    %dma_start3A_30 = arith.constant 0 : i32
    %dma_start3A_31 = tpu.memref_slice %arg2[%add3A_18, %dma_start3A_30] : memref<8192x256xi32, #tpu.memory_space<hbm>> -> memref<64x256xi32, #tpu.memory_space<hbm>>
    tpu.enqueue_dma source(%dma_start3A_31 : memref<64x256xi32, #tpu.memory_space<hbm>>) target(%dma_start3A_29 : memref<64x256xi32, #tpu.memory_space<vmem>>) target_semaphore(%arg12 : memref<!tpu.dma_semaphore, #tpu.memory_space<semaphore_mem>>)
    %add3A_32 = arith.constant 128 : i32
    %add3A_33 = arith.addi %mul3A_2, %add3A_32 : i32
    %dma_start3A_34 = arith.constant 2 : i32
    %dma_start3A_35 = arith.constant 0 : i32
    %dma_start3A_36 = arith.constant 0 : i32
    %dma_start3A_37 = tpu.memref_slice %arg11[%dma_start3A_34, %dma_start3A_35, %dma_start3A_36] : memref<3x64x256xi32, #tpu.memory_space<vmem>> -> memref<1x64x256xi32, #tpu.memory_space<vmem>>
    %dma_start3A_38 = tpu.memref_squeeze %dma_start3A_37 : memref<1x64x256xi32, #tpu.memory_space<vmem>> -> memref<64x256xi32, #tpu.memory_space<vmem>>
    %dma_start3A_39 = arith.constant 0 : i32
    %dma_start3A_40 = tpu.memref_slice %arg2[%add3A_33, %dma_start3A_39] : memref<8192x256xi32, #tpu.memory_space<hbm>> -> memref<64x256xi32, #tpu.memory_space<hbm>>
    %dma_start3A_41 = arith.constant 0 : i32
    %dma_start3A_42 = arith.constant 0 : i32
    %dma_start3A_43 = tpu.memref_slice %arg11[%dma_start3A_34, %dma_start3A_41, %dma_start3A_42] : memref<3x64x256xi32, #tpu.memory_space<vmem>> -> memref<1x64x256xi32, #tpu.memory_space<vmem>>
    %dma_start3A_44 = tpu.memref_squeeze %dma_start3A_43 : memref<1x64x256xi32, #tpu.memory_space<vmem>> -> memref<64x256xi32, #tpu.memory_space<vmem>>
    %dma_start3A_45 = arith.constant 0 : i32
    %dma_start3A_46 = tpu.memref_slice %arg2[%add3A_33, %dma_start3A_45] : memref<8192x256xi32, #tpu.memory_space<hbm>> -> memref<64x256xi32, #tpu.memory_space<hbm>>
    tpu.enqueue_dma source(%dma_start3A_46 : memref<64x256xi32, #tpu.memory_space<hbm>>) target(%dma_start3A_44 : memref<64x256xi32, #tpu.memory_space<vmem>>) target_semaphore(%arg12 : memref<!tpu.dma_semaphore, #tpu.memory_space<semaphore_mem>>)
    "tpu.region"() ({
      %run_scoped3A = tpu.sem_alloc : memref<!tpu.dma_semaphore, #tpu.memory_space<semaphore_mem>>
      %dma_start3A_366 = tpu.memref_slice %arg3[%mul3A_2] : memref<8192xi32, #tpu.memory_space<hbm>> -> memref<256xi32, #tpu.memory_space<hbm>>
      %dma_start3A_367 = tpu.memref_slice %arg3[%mul3A_2] : memref<8192xi32, #tpu.memory_space<hbm>> -> memref<256xi32, #tpu.memory_space<hbm>>
      tpu.enqueue_dma source(%dma_start3A_367 : memref<256xi32, #tpu.memory_space<hbm>>) target(%arg7 : memref<256xi32, #tpu.memory_space<vmem>>) target_semaphore(%run_scoped3A : memref<!tpu.dma_semaphore, #tpu.memory_space<semaphore_mem>>)
      %dma_wait3A_368 = tpu.memref_slice %arg3[%mul3A_2] : memref<8192xi32, #tpu.memory_space<hbm>> -> memref<256xi32, #tpu.memory_space<hbm>>
      %dma_wait3A_369 = tpu.memref_slice %arg3[%mul3A_2] : memref<8192xi32, #tpu.memory_space<hbm>> -> memref<256xi32, #tpu.memory_space<hbm>>
      tpu.wait_dma2 semaphore(%run_scoped3A : memref<!tpu.dma_semaphore, #tpu.memory_space<semaphore_mem>>) src(%dma_wait3A_369 : memref<256xi32, #tpu.memory_space<hbm>>) dst(%arg7 : memref<256xi32, #tpu.memory_space<vmem>>)
      tpu.yield
    }) : () -> ()
    "tpu.region"() ({
      %run_scoped3A = tpu.sem_alloc : memref<!tpu.dma_semaphore, #tpu.memory_space<semaphore_mem>>
      %dma_start3A_366 = tpu.memref_slice %arg4[%mul3A_2] : memref<8192xi32, #tpu.memory_space<hbm>> -> memref<256xi32, #tpu.memory_space<hbm>>
      %dma_start3A_367 = tpu.memref_slice %arg4[%mul3A_2] : memref<8192xi32, #tpu.memory_space<hbm>> -> memref<256xi32, #tpu.memory_space<hbm>>
      tpu.enqueue_dma source(%dma_start3A_367 : memref<256xi32, #tpu.memory_space<hbm>>) target(%arg8 : memref<256xi32, #tpu.memory_space<vmem>>) target_semaphore(%run_scoped3A : memref<!tpu.dma_semaphore, #tpu.memory_space<semaphore_mem>>)
      %dma_wait3A_368 = tpu.memref_slice %arg4[%mul3A_2] : memref<8192xi32, #tpu.memory_space<hbm>> -> memref<256xi32, #tpu.memory_space<hbm>>
      %dma_wait3A_369 = tpu.memref_slice %arg4[%mul3A_2] : memref<8192xi32, #tpu.memory_space<hbm>> -> memref<256xi32, #tpu.memory_space<hbm>>
      tpu.wait_dma2 semaphore(%run_scoped3A : memref<!tpu.dma_semaphore, #tpu.memory_space<semaphore_mem>>) src(%dma_wait3A_369 : memref<256xi32, #tpu.memory_space<hbm>>) dst(%arg8 : memref<256xi32, #tpu.memory_space<vmem>>)
      tpu.yield
    }) : () -> ()
    "tpu.region"() ({
      %run_scoped3A = tpu.sem_alloc : memref<!tpu.dma_semaphore, #tpu.memory_space<semaphore_mem>>
      tpu.enqueue_dma source(%arg5 : memref<16xi32, #tpu.memory_space<hbm>>) target(%arg9 : memref<16xi32, #tpu.memory_space<vmem>>) target_semaphore(%run_scoped3A : memref<!tpu.dma_semaphore, #tpu.memory_space<semaphore_mem>>)
      tpu.wait_dma2 semaphore(%run_scoped3A : memref<!tpu.dma_semaphore, #tpu.memory_space<semaphore_mem>>) src(%arg5 : memref<16xi32, #tpu.memory_space<hbm>>) dst(%arg9 : memref<16xi32, #tpu.memory_space<vmem>>)
      tpu.yield
    }) : () -> ()
    %get3A = arith.constant 0 : index
    %get3A_47 = tpu.vector_load %arg7[%get3A] {strides = array<i32>} : memref<256xi32, #tpu.memory_space<vmem>>, vector<16xi32>,
    %get3A_48 = arith.constant 0 : index
    %get3A_49 = tpu.vector_load %arg8[%get3A_48] {strides = array<i32>} : memref<256xi32, #tpu.memory_space<vmem>>, vector<16xi32>,
    %gather3A = tpu.vector_load_idx %arg9[%get3A_47] : memref<16xi32, #tpu.memory_space<vmem>>[vector<16xi32>], vector<16xi32>,
    %add3A_50 = arith.addi %gather3A, %get3A_49 : vector<16xi32>
    %swap3A = arith.constant 0 : i32
    %swap3A_51 = arith.index_cast %swap3A : i32 to index
    %swap3A_52 = arith.constant 0 : index
    %swap3A_53 = tpu.vector_load %arg10[%swap3A_51, %swap3A_52] {strides = array<i32>} : memref<4x64xi32, #tpu.memory_space<vmem>>, vector<16xi32>,
    tpu.vector_store %arg10[%swap3A_51, %swap3A_52], %add3A_50 {strides = array<i32>} : memref<4x64xi32, #tpu.memory_space<vmem>>, vector<16xi32>,
    %get3A_54 = arith.constant 16 : index
    %get3A_55 = tpu.vector_load %arg7[%get3A_54] {strides = array<i32>} : memref<256xi32, #tpu.memory_space<vmem>>, vector<16xi32>,
    %get3A_56 = arith.constant 16 : index
    %get3A_57 = tpu.vector_load %arg8[%get3A_56] {strides = array<i32>} : memref<256xi32, #tpu.memory_space<vmem>>, vector<16xi32>,
    %gather3A_58 = tpu.vector_load_idx %arg9[%get3A_55] : memref<16xi32, #tpu.memory_space<vmem>>[vector<16xi32>], vector<16xi32>,
    %add3A_59 = arith.addi %gather3A_58, %get3A_57 : vector<16xi32>
    %swap3A_60 = arith.constant 0 : i32
    %swap3A_61 = arith.index_cast %swap3A_60 : i32 to index
    %swap3A_62 = arith.constant 16 : index
    %swap3A_63 = tpu.vector_load %arg10[%swap3A_61, %swap3A_62] {strides = array<i32>} : memref<4x64xi32, #tpu.memory_space<vmem>>, vector<16xi32>,
    tpu.vector_store %arg10[%swap3A_61, %swap3A_62], %add3A_59 {strides = array<i32>} : memref<4x64xi32, #tpu.memory_space<vmem>>, vector<16xi32>,
    %get3A_64 = arith.constant 32 : index
    %get3A_65 = tpu.vector_load %arg7[%get3A_64] {strides = array<i32>} : memref<256xi32, #tpu.memory_space<vmem>>, vector<16xi32>,
    %get3A_66 = arith.constant 32 : index
    %get3A_67 = tpu.vector_load %arg8[%get3A_66] {strides = array<i32>} : memref<256xi32, #tpu.memory_space<vmem>>, vector<16xi32>,
    %gather3A_68 = tpu.vector_load_idx %arg9[%get3A_65] : memref<16xi32, #tpu.memory_space<vmem>>[vector<16xi32>], vector<16xi32>,
    %add3A_69 = arith.addi %gather3A_68, %get3A_67 : vector<16xi32>
    %swap3A_70 = arith.constant 0 : i32
    %swap3A_71 = arith.index_cast %swap3A_70 : i32 to index
    %swap3A_72 = arith.constant 32 : index
    %swap3A_73 = tpu.vector_load %arg10[%swap3A_71, %swap3A_72] {strides = array<i32>} : memref<4x64xi32, #tpu.memory_space<vmem>>, vector<16xi32>,
    tpu.vector_store %arg10[%swap3A_71, %swap3A_72], %add3A_69 {strides = array<i32>} : memref<4x64xi32, #tpu.memory_space<vmem>>, vector<16xi32>,
    %get3A_74 = arith.constant 48 : index
    %get3A_75 = tpu.vector_load %arg7[%get3A_74] {strides = array<i32>} : memref<256xi32, #tpu.memory_space<vmem>>, vector<16xi32>,
    %get3A_76 = arith.constant 48 : index
    %get3A_77 = tpu.vector_load %arg8[%get3A_76] {strides = array<i32>} : memref<256xi32, #tpu.memory_space<vmem>>, vector<16xi32>,
    %gather3A_78 = tpu.vector_load_idx %arg9[%get3A_75] : memref<16xi32, #tpu.memory_space<vmem>>[vector<16xi32>], vector<16xi32>,
    %add3A_79 = arith.addi %gather3A_78, %get3A_77 : vector<16xi32>
    %swap3A_80 = arith.constant 0 : i32
    %swap3A_81 = arith.index_cast %swap3A_80 : i32 to index
    %swap3A_82 = arith.constant 48 : index
    %swap3A_83 = tpu.vector_load %arg10[%swap3A_81, %swap3A_82] {strides = array<i32>} : memref<4x64xi32, #tpu.memory_space<vmem>>, vector<16xi32>,
    tpu.vector_store %arg10[%swap3A_81, %swap3A_82], %add3A_79 {strides = array<i32>} : memref<4x64xi32, #tpu.memory_space<vmem>>, vector<16xi32>,
    %get3A_84 = arith.constant 64 : index
    %get3A_85 = tpu.vector_load %arg7[%get3A_84] {strides = array<i32>} : memref<256xi32, #tpu.memory_space<vmem>>, vector<16xi32>,
    %get3A_86 = arith.constant 64 : index
    %get3A_87 = tpu.vector_load %arg8[%get3A_86] {strides = array<i32>} : memref<256xi32, #tpu.memory_space<vmem>>, vector<16xi32>,
    %gather3A_88 = tpu.vector_load_idx %arg9[%get3A_85] : memref<16xi32, #tpu.memory_space<vmem>>[vector<16xi32>], vector<16xi32>,
    %add3A_89 = arith.addi %gather3A_88, %get3A_87 : vector<16xi32>
    %swap3A_90 = arith.constant 1 : i32
    %swap3A_91 = arith.index_cast %swap3A_90 : i32 to index
    %swap3A_92 = arith.constant 0 : index
    %swap3A_93 = tpu.vector_load %arg10[%swap3A_91, %swap3A_92] {strides = array<i32>} : memref<4x64xi32, #tpu.memory_space<vmem>>, vector<16xi32>,
    tpu.vector_store %arg10[%swap3A_91, %swap3A_92], %add3A_89 {strides = array<i32>} : memref<4x64xi32, #tpu.memory_space<vmem>>, vector<16xi32>,
    %get3A_94 = arith.constant 80 : index
    %get3A_95 = tpu.vector_load %arg7[%get3A_94] {strides = array<i32>} : memref<256xi32, #tpu.memory_space<vmem>>, vector<16xi32>,
    %get3A_96 = arith.constant 80 : index
    %get3A_97 = tpu.vector_load %arg8[%get3A_96] {strides = array<i32>} : memref<256xi32, #tpu.memory_space<vmem>>, vector<16xi32>,
    %gather3A_98 = tpu.vector_load_idx %arg9[%get3A_95] : memref<16xi32, #tpu.memory_space<vmem>>[vector<16xi32>], vector<16xi32>,
    %add3A_99 = arith.addi %gather3A_98, %get3A_97 : vector<16xi32>
    %swap3A_100 = arith.constant 1 : i32
    %swap3A_101 = arith.index_cast %swap3A_100 : i32 to index
    %swap3A_102 = arith.constant 16 : index
    %swap3A_103 = tpu.vector_load %arg10[%swap3A_101, %swap3A_102] {strides = array<i32>} : memref<4x64xi32, #tpu.memory_space<vmem>>, vector<16xi32>,
    tpu.vector_store %arg10[%swap3A_101, %swap3A_102], %add3A_99 {strides = array<i32>} : memref<4x64xi32, #tpu.memory_space<vmem>>, vector<16xi32>,
    %get3A_104 = arith.constant 96 : index
    %get3A_105 = tpu.vector_load %arg7[%get3A_104] {strides = array<i32>} : memref<256xi32, #tpu.memory_space<vmem>>, vector<16xi32>,
    %get3A_106 = arith.constant 96 : index
    %get3A_107 = tpu.vector_load %arg8[%get3A_106] {strides = array<i32>} : memref<256xi32, #tpu.memory_space<vmem>>, vector<16xi32>,
    %gather3A_108 = tpu.vector_load_idx %arg9[%get3A_105] : memref<16xi32, #tpu.memory_space<vmem>>[vector<16xi32>], vector<16xi32>,
    %add3A_109 = arith.addi %gather3A_108, %get3A_107 : vector<16xi32>
    %swap3A_110 = arith.constant 1 : i32
    %swap3A_111 = arith.index_cast %swap3A_110 : i32 to index
    %swap3A_112 = arith.constant 32 : index
    %swap3A_113 = tpu.vector_load %arg10[%swap3A_111, %swap3A_112] {strides = array<i32>} : memref<4x64xi32, #tpu.memory_space<vmem>>, vector<16xi32>,
    tpu.vector_store %arg10[%swap3A_111, %swap3A_112], %add3A_109 {strides = array<i32>} : memref<4x64xi32, #tpu.memory_space<vmem>>, vector<16xi32>,
    %get3A_114 = arith.constant 112 : index
    %get3A_115 = tpu.vector_load %arg7[%get3A_114] {strides = array<i32>} : memref<256xi32, #tpu.memory_space<vmem>>, vector<16xi32>,
    %get3A_116 = arith.constant 112 : index
    %get3A_117 = tpu.vector_load %arg8[%get3A_116] {strides = array<i32>} : memref<256xi32, #tpu.memory_space<vmem>>, vector<16xi32>,
    %gather3A_118 = tpu.vector_load_idx %arg9[%get3A_115] : memref<16xi32, #tpu.memory_space<vmem>>[vector<16xi32>], vector<16xi32>,
    %add3A_119 = arith.addi %gather3A_118, %get3A_117 : vector<16xi32>
    %swap3A_120 = arith.constant 1 : i32
    %swap3A_121 = arith.index_cast %swap3A_120 : i32 to index
    %swap3A_122 = arith.constant 48 : index
    %swap3A_123 = tpu.vector_load %arg10[%swap3A_121, %swap3A_122] {strides = array<i32>} : memref<4x64xi32, #tpu.memory_space<vmem>>, vector<16xi32>,
    tpu.vector_store %arg10[%swap3A_121, %swap3A_122], %add3A_119 {strides = array<i32>} : memref<4x64xi32, #tpu.memory_space<vmem>>, vector<16xi32>,
    %get3A_124 = arith.constant 128 : index
    %get3A_125 = tpu.vector_load %arg7[%get3A_124] {strides = array<i32>} : memref<256xi32, #tpu.memory_space<vmem>>, vector<16xi32>,
    %get3A_126 = arith.constant 128 : index
    %get3A_127 = tpu.vector_load %arg8[%get3A_126] {strides = array<i32>} : memref<256xi32, #tpu.memory_space<vmem>>, vector<16xi32>,
    %gather3A_128 = tpu.vector_load_idx %arg9[%get3A_125] : memref<16xi32, #tpu.memory_space<vmem>>[vector<16xi32>], vector<16xi32>,
    %add3A_129 = arith.addi %gather3A_128, %get3A_127 : vector<16xi32>
    %swap3A_130 = arith.constant 2 : i32
    %swap3A_131 = arith.index_cast %swap3A_130 : i32 to index
    %swap3A_132 = arith.constant 0 : index
    %swap3A_133 = tpu.vector_load %arg10[%swap3A_131, %swap3A_132] {strides = array<i32>} : memref<4x64xi32, #tpu.memory_space<vmem>>, vector<16xi32>,
    tpu.vector_store %arg10[%swap3A_131, %swap3A_132], %add3A_129 {strides = array<i32>} : memref<4x64xi32, #tpu.memory_space<vmem>>, vector<16xi32>,
    %get3A_134 = arith.constant 144 : index
    %get3A_135 = tpu.vector_load %arg7[%get3A_134] {strides = array<i32>} : memref<256xi32, #tpu.memory_space<vmem>>, vector<16xi32>,
    %get3A_136 = arith.constant 144 : index
    %get3A_137 = tpu.vector_load %arg8[%get3A_136] {strides = array<i32>} : memref<256xi32, #tpu.memory_space<vmem>>, vector<16xi32>,
    %gather3A_138 = tpu.vector_load_idx %arg9[%get3A_135] : memref<16xi32, #tpu.memory_space<vmem>>[vector<16xi32>], vector<16xi32>,
    %add3A_139 = arith.addi %gather3A_138, %get3A_137 : vector<16xi32>
    %swap3A_140 = arith.constant 2 : i32
    %swap3A_141 = arith.index_cast %swap3A_140 : i32 to index
    %swap3A_142 = arith.constant 16 : index
    %swap3A_143 = tpu.vector_load %arg10[%swap3A_141, %swap3A_142] {strides = array<i32>} : memref<4x64xi32, #tpu.memory_space<vmem>>, vector<16xi32>,
    tpu.vector_store %arg10[%swap3A_141, %swap3A_142], %add3A_139 {strides = array<i32>} : memref<4x64xi32, #tpu.memory_space<vmem>>, vector<16xi32>,
    %get3A_144 = arith.constant 160 : index
    %get3A_145 = tpu.vector_load %arg7[%get3A_144] {strides = array<i32>} : memref<256xi32, #tpu.memory_space<vmem>>, vector<16xi32>,
    %get3A_146 = arith.constant 160 : index
    %get3A_147 = tpu.vector_load %arg8[%get3A_146] {strides = array<i32>} : memref<256xi32, #tpu.memory_space<vmem>>, vector<16xi32>,
    %gather3A_148 = tpu.vector_load_idx %arg9[%get3A_145] : memref<16xi32, #tpu.memory_space<vmem>>[vector<16xi32>], vector<16xi32>,
    %add3A_149 = arith.addi %gather3A_148, %get3A_147 : vector<16xi32>
    %swap3A_150 = arith.constant 2 : i32
    %swap3A_151 = arith.index_cast %swap3A_150 : i32 to index
    %swap3A_152 = arith.constant 32 : index
    %swap3A_153 = tpu.vector_load %arg10[%swap3A_151, %swap3A_152] {strides = array<i32>} : memref<4x64xi32, #tpu.memory_space<vmem>>, vector<16xi32>,
    tpu.vector_store %arg10[%swap3A_151, %swap3A_152], %add3A_149 {strides = array<i32>} : memref<4x64xi32, #tpu.memory_space<vmem>>, vector<16xi32>,
    %get3A_154 = arith.constant 176 : index
    %get3A_155 = tpu.vector_load %arg7[%get3A_154] {strides = array<i32>} : memref<256xi32, #tpu.memory_space<vmem>>, vector<16xi32>,
    %get3A_156 = arith.constant 176 : index
    %get3A_157 = tpu.vector_load %arg8[%get3A_156] {strides = array<i32>} : memref<256xi32, #tpu.memory_space<vmem>>, vector<16xi32>,
    %gather3A_158 = tpu.vector_load_idx %arg9[%get3A_155] : memref<16xi32, #tpu.memory_space<vmem>>[vector<16xi32>], vector<16xi32>,
    %add3A_159 = arith.addi %gather3A_158, %get3A_157 : vector<16xi32>
    %swap3A_160 = arith.constant 2 : i32
    %swap3A_161 = arith.index_cast %swap3A_160 : i32 to index
    %swap3A_162 = arith.constant 48 : index
    %swap3A_163 = tpu.vector_load %arg10[%swap3A_161, %swap3A_162] {strides = array<i32>} : memref<4x64xi32, #tpu.memory_space<vmem>>, vector<16xi32>,
    tpu.vector_store %arg10[%swap3A_161, %swap3A_162], %add3A_159 {strides = array<i32>} : memref<4x64xi32, #tpu.memory_space<vmem>>, vector<16xi32>,
    %get3A_164 = arith.constant 192 : index
    %get3A_165 = tpu.vector_load %arg7[%get3A_164] {strides = array<i32>} : memref<256xi32, #tpu.memory_space<vmem>>, vector<16xi32>,
    %get3A_166 = arith.constant 192 : index
    %get3A_167 = tpu.vector_load %arg8[%get3A_166] {strides = array<i32>} : memref<256xi32, #tpu.memory_space<vmem>>, vector<16xi32>,
    %gather3A_168 = tpu.vector_load_idx %arg9[%get3A_165] : memref<16xi32, #tpu.memory_space<vmem>>[vector<16xi32>], vector<16xi32>,
    %add3A_169 = arith.addi %gather3A_168, %get3A_167 : vector<16xi32>
    %swap3A_170 = arith.constant 3 : i32
    %swap3A_171 = arith.index_cast %swap3A_170 : i32 to index
    %swap3A_172 = arith.constant 0 : index
    %swap3A_173 = tpu.vector_load %arg10[%swap3A_171, %swap3A_172] {strides = array<i32>} : memref<4x64xi32, #tpu.memory_space<vmem>>, vector<16xi32>,
    tpu.vector_store %arg10[%swap3A_171, %swap3A_172], %add3A_169 {strides = array<i32>} : memref<4x64xi32, #tpu.memory_space<vmem>>, vector<16xi32>,
    %get3A_174 = arith.constant 208 : index
    %get3A_175 = tpu.vector_load %arg7[%get3A_174] {strides = array<i32>} : memref<256xi32, #tpu.memory_space<vmem>>, vector<16xi32>,
    %get3A_176 = arith.constant 208 : index
    %get3A_177 = tpu.vector_load %arg8[%get3A_176] {strides = array<i32>} : memref<256xi32, #tpu.memory_space<vmem>>, vector<16xi32>,
    %gather3A_178 = tpu.vector_load_idx %arg9[%get3A_175] : memref<16xi32, #tpu.memory_space<vmem>>[vector<16xi32>], vector<16xi32>,
    %add3A_179 = arith.addi %gather3A_178, %get3A_177 : vector<16xi32>
    %swap3A_180 = arith.constant 3 : i32
    %swap3A_181 = arith.index_cast %swap3A_180 : i32 to index
    %swap3A_182 = arith.constant 16 : index
    %swap3A_183 = tpu.vector_load %arg10[%swap3A_181, %swap3A_182] {strides = array<i32>} : memref<4x64xi32, #tpu.memory_space<vmem>>, vector<16xi32>,
    tpu.vector_store %arg10[%swap3A_181, %swap3A_182], %add3A_179 {strides = array<i32>} : memref<4x64xi32, #tpu.memory_space<vmem>>, vector<16xi32>,
    %get3A_184 = arith.constant 224 : index
    %get3A_185 = tpu.vector_load %arg7[%get3A_184] {strides = array<i32>} : memref<256xi32, #tpu.memory_space<vmem>>, vector<16xi32>,
    %get3A_186 = arith.constant 224 : index
    %get3A_187 = tpu.vector_load %arg8[%get3A_186] {strides = array<i32>} : memref<256xi32, #tpu.memory_space<vmem>>, vector<16xi32>,
    %gather3A_188 = tpu.vector_load_idx %arg9[%get3A_185] : memref<16xi32, #tpu.memory_space<vmem>>[vector<16xi32>], vector<16xi32>,
    %add3A_189 = arith.addi %gather3A_188, %get3A_187 : vector<16xi32>
    %swap3A_190 = arith.constant 3 : i32
    %swap3A_191 = arith.index_cast %swap3A_190 : i32 to index
    %swap3A_192 = arith.constant 32 : index
    %swap3A_193 = tpu.vector_load %arg10[%swap3A_191, %swap3A_192] {strides = array<i32>} : memref<4x64xi32, #tpu.memory_space<vmem>>, vector<16xi32>,
    tpu.vector_store %arg10[%swap3A_191, %swap3A_192], %add3A_189 {strides = array<i32>} : memref<4x64xi32, #tpu.memory_space<vmem>>, vector<16xi32>,
    %get3A_194 = arith.constant 240 : index
    %get3A_195 = tpu.vector_load %arg7[%get3A_194] {strides = array<i32>} : memref<256xi32, #tpu.memory_space<vmem>>, vector<16xi32>,
    %get3A_196 = arith.constant 240 : index
    %get3A_197 = tpu.vector_load %arg8[%get3A_196] {strides = array<i32>} : memref<256xi32, #tpu.memory_space<vmem>>, vector<16xi32>,
    %gather3A_198 = tpu.vector_load_idx %arg9[%get3A_195] : memref<16xi32, #tpu.memory_space<vmem>>[vector<16xi32>], vector<16xi32>,
    %add3A_199 = arith.addi %gather3A_198, %get3A_197 : vector<16xi32>
    %swap3A_200 = arith.constant 3 : i32
    %swap3A_201 = arith.index_cast %swap3A_200 : i32 to index
    %swap3A_202 = arith.constant 48 : index
    %swap3A_203 = tpu.vector_load %arg10[%swap3A_201, %swap3A_202] {strides = array<i32>} : memref<4x64xi32, #tpu.memory_space<vmem>>, vector<16xi32>,
    tpu.vector_store %arg10[%swap3A_201, %swap3A_202], %add3A_199 {strides = array<i32>} : memref<4x64xi32, #tpu.memory_space<vmem>>, vector<16xi32>,
    %dma_wait3A = arith.constant 0 : i32
    %dma_wait3A_204 = arith.constant 0 : i32
    %dma_wait3A_205 = arith.constant 0 : i32
    %dma_wait3A_206 = tpu.memref_slice %arg11[%dma_wait3A, %dma_wait3A_204, %dma_wait3A_205] : memref<3x64x256xi32, #tpu.memory_space<vmem>> -> memref<1x64x256xi32, #tpu.memory_space<vmem>>
    %dma_wait3A_207 = tpu.memref_squeeze %dma_wait3A_206 : memref<1x64x256xi32, #tpu.memory_space<vmem>> -> memref<64x256xi32, #tpu.memory_space<vmem>>
    %dma_wait3A_208 = arith.constant 0 : i32
    %dma_wait3A_209 = tpu.memref_slice %arg2[%add3A_4, %dma_wait3A_208] : memref<8192x256xi32, #tpu.memory_space<hbm>> -> memref<64x256xi32, #tpu.memory_space<hbm>>
    %dma_wait3A_210 = arith.constant 0 : i32
    %dma_wait3A_211 = arith.constant 0 : i32
    %dma_wait3A_212 = tpu.memref_slice %arg11[%dma_wait3A, %dma_wait3A_210, %dma_wait3A_211] : memref<3x64x256xi32, #tpu.memory_space<vmem>> -> memref<1x64x256xi32, #tpu.memory_space<vmem>>
    %dma_wait3A_213 = tpu.memref_squeeze %dma_wait3A_212 : memref<1x64x256xi32, #tpu.memory_space<vmem>> -> memref<64x256xi32, #tpu.memory_space<vmem>>
    %dma_wait3A_214 = arith.constant 0 : i32
    %dma_wait3A_215 = tpu.memref_slice %arg2[%add3A_4, %dma_wait3A_214] : memref<8192x256xi32, #tpu.memory_space<hbm>> -> memref<64x256xi32, #tpu.memory_space<hbm>>
    tpu.wait_dma2 semaphore(%arg12 : memref<!tpu.dma_semaphore, #tpu.memory_space<semaphore_mem>>) src(%dma_wait3A_215 : memref<64x256xi32, #tpu.memory_space<hbm>>) dst(%dma_wait3A_213 : memref<64x256xi32, #tpu.memory_space<vmem>>)
    %dma_start3A_216 = arith.constant 0 : i32
    %dma_start3A_217 = arith.constant 0 : i32
    %dma_start3A_218 = arith.constant 0 : i32
    %dma_start3A_219 = arith.constant 0 : i32
    %dma_start3A_220 = tpu.memref_slice %arg11[%dma_start3A_216, %dma_start3A_218, %dma_start3A_219] : memref<3x64x256xi32, #tpu.memory_space<vmem>> -> memref<1x64x256xi32, #tpu.memory_space<vmem>>
    %dma_start3A_221 = tpu.memref_squeeze %dma_start3A_220 : memref<1x64x256xi32, #tpu.memory_space<vmem>> -> memref<64x256xi32, #tpu.memory_space<vmem>>
    %dma_start3A_222 = arith.constant 0 : i32
    %dma_start3A_223 = tpu.memref_slice %arg10[%dma_start3A_217, %dma_start3A_222] : memref<4x64xi32, #tpu.memory_space<vmem>> -> memref<1x64xi32, #tpu.memory_space<vmem>>
    %dma_start3A_224 = tpu.memref_squeeze %dma_start3A_223 : memref<1x64xi32, #tpu.memory_space<vmem>> -> memref<64xi32, #tpu.memory_space<vmem>>
    %dma_start3A_225 = arith.constant 0 : i32
    %dma_start3A_226 = arith.constant 0 : i32
    %dma_start3A_227 = tpu.memref_slice %arg6[%dma_start3A_225, %dma_start3A_226] : memref<8192x256xi32, #tpu.memory_space<hbm>> -> memref<8192x256xi32, #tpu.memory_space<hbm>>
    tpu.enqueue_indirect_dma source(%dma_start3A_221 : memref<64x256xi32, #tpu.memory_space<vmem>>) target(%dma_start3A_227 : memref<8192x256xi32, #tpu.memory_space<hbm>>) offsets(%dma_start3A_224 : memref<64xi32, #tpu.memory_space<vmem>>) semaphore(%arg13 : memref<!tpu.dma_semaphore, #tpu.memory_space<semaphore_mem>>)
    %dma_wait3A_228 = arith.constant 0 : i32
    %dma_wait3A_229 = arith.constant 0 : i32
    %dma_wait3A_230 = arith.constant 0 : i32
    %dma_wait3A_231 = arith.constant 0 : i32
    %dma_wait3A_232 = tpu.memref_slice %arg11[%dma_wait3A_228, %dma_wait3A_230, %dma_wait3A_231] : memref<3x64x256xi32, #tpu.memory_space<vmem>> -> memref<1x64x256xi32, #tpu.memory_space<vmem>>
    %dma_wait3A_233 = tpu.memref_squeeze %dma_wait3A_232 : memref<1x64x256xi32, #tpu.memory_space<vmem>> -> memref<64x256xi32, #tpu.memory_space<vmem>>
    %dma_wait3A_234 = arith.constant 0 : i32
    %dma_wait3A_235 = tpu.memref_slice %arg10[%dma_wait3A_229, %dma_wait3A_234] : memref<4x64xi32, #tpu.memory_space<vmem>> -> memref<1x64xi32, #tpu.memory_space<vmem>>
    %dma_wait3A_236 = tpu.memref_squeeze %dma_wait3A_235 : memref<1x64xi32, #tpu.memory_space<vmem>> -> memref<64xi32, #tpu.memory_space<vmem>>
    %dma_wait3A_237 = arith.constant 0 : i32
    %dma_wait3A_238 = arith.constant 0 : i32
    %dma_wait3A_239 = tpu.memref_slice %arg6[%dma_wait3A_237, %dma_wait3A_238] : memref<8192x256xi32, #tpu.memory_space<hbm>> -> memref<8192x256xi32, #tpu.memory_space<hbm>>
    tpu.wait_indirect_dma semaphore(%arg13 : memref<!tpu.dma_semaphore, #tpu.memory_space<semaphore_mem>>) src(%dma_wait3A_233 : memref<64x256xi32, #tpu.memory_space<vmem>>) dst(%dma_wait3A_239 : memref<8192x256xi32, #tpu.memory_space<hbm>>)
    %add3A_240 = arith.constant 192 : i32
    %add3A_241 = arith.addi %mul3A_2, %add3A_240 : i32
    %dma_start3A_242 = arith.constant 0 : i32
    %dma_start3A_243 = arith.constant 0 : i32
    %dma_start3A_244 = arith.constant 0 : i32
    %dma_start3A_245 = tpu.memref_slice %arg11[%dma_start3A_242, %dma_start3A_243, %dma_start3A_244] : memref<3x64x256xi32, #tpu.memory_space<vmem>> -> memref<1x64x256xi32, #tpu.memory_space<vmem>>
    %dma_start3A_246 = tpu.memref_squeeze %dma_start3A_245 : memref<1x64x256xi32, #tpu.memory_space<vmem>> -> memref<64x256xi32, #tpu.memory_space<vmem>>
    %dma_start3A_247 = arith.constant 0 : i32
    %dma_start3A_248 = tpu.memref_slice %arg2[%add3A_241, %dma_start3A_247] : memref<8192x256xi32, #tpu.memory_space<hbm>> -> memref<64x256xi32, #tpu.memory_space<hbm>>
    %dma_start3A_249 = arith.constant 0 : i32
    %dma_start3A_250 = arith.constant 0 : i32
    %dma_start3A_251 = tpu.memref_slice %arg11[%dma_start3A_242, %dma_start3A_249, %dma_start3A_250] : memref<3x64x256xi32, #tpu.memory_space<vmem>> -> memref<1x64x256xi32, #tpu.memory_space<vmem>>
    %dma_start3A_252 = tpu.memref_squeeze %dma_start3A_251 : memref<1x64x256xi32, #tpu.memory_space<vmem>> -> memref<64x256xi32, #tpu.memory_space<vmem>>
    %dma_start3A_253 = arith.constant 0 : i32
    %dma_start3A_254 = tpu.memref_slice %arg2[%add3A_241, %dma_start3A_253] : memref<8192x256xi32, #tpu.memory_space<hbm>> -> memref<64x256xi32, #tpu.memory_space<hbm>>
    tpu.enqueue_dma source(%dma_start3A_254 : memref<64x256xi32, #tpu.memory_space<hbm>>) target(%dma_start3A_252 : memref<64x256xi32, #tpu.memory_space<vmem>>) target_semaphore(%arg12 : memref<!tpu.dma_semaphore, #tpu.memory_space<semaphore_mem>>)
    %dma_wait3A_255 = arith.constant 1 : i32
    %dma_wait3A_256 = arith.constant 0 : i32
    %dma_wait3A_257 = arith.constant 0 : i32
    %dma_wait3A_258 = tpu.memref_slice %arg11[%dma_wait3A_255, %dma_wait3A_256, %dma_wait3A_257] : memref<3x64x256xi32, #tpu.memory_space<vmem>> -> memref<1x64x256xi32, #tpu.memory_space<vmem>>
    %dma_wait3A_259 = tpu.memref_squeeze %dma_wait3A_258 : memref<1x64x256xi32, #tpu.memory_space<vmem>> -> memref<64x256xi32, #tpu.memory_space<vmem>>
    %dma_wait3A_260 = arith.constant 0 : i32
    %dma_wait3A_261 = tpu.memref_slice %arg2[%add3A_18, %dma_wait3A_260] : memref<8192x256xi32, #tpu.memory_space<hbm>> -> memref<64x256xi32, #tpu.memory_space<hbm>>
    %dma_wait3A_262 = arith.constant 0 : i32
    %dma_wait3A_263 = arith.constant 0 : i32
    %dma_wait3A_264 = tpu.memref_slice %arg11[%dma_wait3A_255, %dma_wait3A_262, %dma_wait3A_263] : memref<3x64x256xi32, #tpu.memory_space<vmem>> -> memref<1x64x256xi32, #tpu.memory_space<vmem>>
    %dma_wait3A_265 = tpu.memref_squeeze %dma_wait3A_264 : memref<1x64x256xi32, #tpu.memory_space<vmem>> -> memref<64x256xi32, #tpu.memory_space<vmem>>
    %dma_wait3A_266 = arith.constant 0 : i32
    %dma_wait3A_267 = tpu.memref_slice %arg2[%add3A_18, %dma_wait3A_266] : memref<8192x256xi32, #tpu.memory_space<hbm>> -> memref<64x256xi32, #tpu.memory_space<hbm>>
    tpu.wait_dma2 semaphore(%arg12 : memref<!tpu.dma_semaphore, #tpu.memory_space<semaphore_mem>>) src(%dma_wait3A_267 : memref<64x256xi32, #tpu.memory_space<hbm>>) dst(%dma_wait3A_265 : memref<64x256xi32, #tpu.memory_space<vmem>>)
    %dma_start3A_268 = arith.constant 1 : i32
    %dma_start3A_269 = arith.constant 1 : i32
    %dma_start3A_270 = arith.constant 0 : i32
    %dma_start3A_271 = arith.constant 0 : i32
    %dma_start3A_272 = tpu.memref_slice %arg11[%dma_start3A_268, %dma_start3A_270, %dma_start3A_271] : memref<3x64x256xi32, #tpu.memory_space<vmem>> -> memref<1x64x256xi32, #tpu.memory_space<vmem>>
    %dma_start3A_273 = tpu.memref_squeeze %dma_start3A_272 : memref<1x64x256xi32, #tpu.memory_space<vmem>> -> memref<64x256xi32, #tpu.memory_space<vmem>>
    %dma_start3A_274 = arith.constant 0 : i32
    %dma_start3A_275 = tpu.memref_slice %arg10[%dma_start3A_269, %dma_start3A_274] : memref<4x64xi32, #tpu.memory_space<vmem>> -> memref<1x64xi32, #tpu.memory_space<vmem>>
    %dma_start3A_276 = tpu.memref_squeeze %dma_start3A_275 : memref<1x64xi32, #tpu.memory_space<vmem>> -> memref<64xi32, #tpu.memory_space<vmem>>
    %dma_start3A_277 = arith.constant 0 : i32
    %dma_start3A_278 = arith.constant 0 : i32
    %dma_start3A_279 = tpu.memref_slice %arg6[%dma_start3A_277, %dma_start3A_278] : memref<8192x256xi32, #tpu.memory_space<hbm>> -> memref<8192x256xi32, #tpu.memory_space<hbm>>
    tpu.enqueue_indirect_dma source(%dma_start3A_273 : memref<64x256xi32, #tpu.memory_space<vmem>>) target(%dma_start3A_279 : memref<8192x256xi32, #tpu.memory_space<hbm>>) offsets(%dma_start3A_276 : memref<64xi32, #tpu.memory_space<vmem>>) semaphore(%arg13 : memref<!tpu.dma_semaphore, #tpu.memory_space<semaphore_mem>>)
    %dma_wait3A_280 = arith.constant 2 : i32
    %dma_wait3A_281 = arith.constant 0 : i32
    %dma_wait3A_282 = arith.constant 0 : i32
    %dma_wait3A_283 = tpu.memref_slice %arg11[%dma_wait3A_280, %dma_wait3A_281, %dma_wait3A_282] : memref<3x64x256xi32, #tpu.memory_space<vmem>> -> memref<1x64x256xi32, #tpu.memory_space<vmem>>
    %dma_wait3A_284 = tpu.memref_squeeze %dma_wait3A_283 : memref<1x64x256xi32, #tpu.memory_space<vmem>> -> memref<64x256xi32, #tpu.memory_space<vmem>>
    %dma_wait3A_285 = arith.constant 0 : i32
    %dma_wait3A_286 = tpu.memref_slice %arg2[%add3A_33, %dma_wait3A_285] : memref<8192x256xi32, #tpu.memory_space<hbm>> -> memref<64x256xi32, #tpu.memory_space<hbm>>
    %dma_wait3A_287 = arith.constant 0 : i32
    %dma_wait3A_288 = arith.constant 0 : i32
    %dma_wait3A_289 = tpu.memref_slice %arg11[%dma_wait3A_280, %dma_wait3A_287, %dma_wait3A_288] : memref<3x64x256xi32, #tpu.memory_space<vmem>> -> memref<1x64x256xi32, #tpu.memory_space<vmem>>
    %dma_wait3A_290 = tpu.memref_squeeze %dma_wait3A_289 : memref<1x64x256xi32, #tpu.memory_space<vmem>> -> memref<64x256xi32, #tpu.memory_space<vmem>>
    %dma_wait3A_291 = arith.constant 0 : i32
    %dma_wait3A_292 = tpu.memref_slice %arg2[%add3A_33, %dma_wait3A_291] : memref<8192x256xi32, #tpu.memory_space<hbm>> -> memref<64x256xi32, #tpu.memory_space<hbm>>
    tpu.wait_dma2 semaphore(%arg12 : memref<!tpu.dma_semaphore, #tpu.memory_space<semaphore_mem>>) src(%dma_wait3A_292 : memref<64x256xi32, #tpu.memory_space<hbm>>) dst(%dma_wait3A_290 : memref<64x256xi32, #tpu.memory_space<vmem>>)
    %dma_start3A_293 = arith.constant 2 : i32
    %dma_start3A_294 = arith.constant 2 : i32
    %dma_start3A_295 = arith.constant 0 : i32
    %dma_start3A_296 = arith.constant 0 : i32
    %dma_start3A_297 = tpu.memref_slice %arg11[%dma_start3A_293, %dma_start3A_295, %dma_start3A_296] : memref<3x64x256xi32, #tpu.memory_space<vmem>> -> memref<1x64x256xi32, #tpu.memory_space<vmem>>
    %dma_start3A_298 = tpu.memref_squeeze %dma_start3A_297 : memref<1x64x256xi32, #tpu.memory_space<vmem>> -> memref<64x256xi32, #tpu.memory_space<vmem>>
    %dma_start3A_299 = arith.constant 0 : i32
    %dma_start3A_300 = tpu.memref_slice %arg10[%dma_start3A_294, %dma_start3A_299] : memref<4x64xi32, #tpu.memory_space<vmem>> -> memref<1x64xi32, #tpu.memory_space<vmem>>
    %dma_start3A_301 = tpu.memref_squeeze %dma_start3A_300 : memref<1x64xi32, #tpu.memory_space<vmem>> -> memref<64xi32, #tpu.memory_space<vmem>>
    %dma_start3A_302 = arith.constant 0 : i32
    %dma_start3A_303 = arith.constant 0 : i32
    %dma_start3A_304 = tpu.memref_slice %arg6[%dma_start3A_302, %dma_start3A_303] : memref<8192x256xi32, #tpu.memory_space<hbm>> -> memref<8192x256xi32, #tpu.memory_space<hbm>>
    tpu.enqueue_indirect_dma source(%dma_start3A_298 : memref<64x256xi32, #tpu.memory_space<vmem>>) target(%dma_start3A_304 : memref<8192x256xi32, #tpu.memory_space<hbm>>) offsets(%dma_start3A_301 : memref<64xi32, #tpu.memory_space<vmem>>) semaphore(%arg13 : memref<!tpu.dma_semaphore, #tpu.memory_space<semaphore_mem>>)
    %dma_wait3A_305 = arith.constant 0 : i32
    %dma_wait3A_306 = arith.constant 0 : i32
    %dma_wait3A_307 = arith.constant 0 : i32
    %dma_wait3A_308 = tpu.memref_slice %arg11[%dma_wait3A_305, %dma_wait3A_306, %dma_wait3A_307] : memref<3x64x256xi32, #tpu.memory_space<vmem>> -> memref<1x64x256xi32, #tpu.memory_space<vmem>>
    %dma_wait3A_309 = tpu.memref_squeeze %dma_wait3A_308 : memref<1x64x256xi32, #tpu.memory_space<vmem>> -> memref<64x256xi32, #tpu.memory_space<vmem>>
    %dma_wait3A_310 = arith.constant 0 : i32
    %dma_wait3A_311 = tpu.memref_slice %arg2[%add3A_241, %dma_wait3A_310] : memref<8192x256xi32, #tpu.memory_space<hbm>> -> memref<64x256xi32, #tpu.memory_space<hbm>>
    %dma_wait3A_312 = arith.constant 0 : i32
    %dma_wait3A_313 = arith.constant 0 : i32
    %dma_wait3A_314 = tpu.memref_slice %arg11[%dma_wait3A_305, %dma_wait3A_312, %dma_wait3A_313] : memref<3x64x256xi32, #tpu.memory_space<vmem>> -> memref<1x64x256xi32, #tpu.memory_space<vmem>>
    %dma_wait3A_315 = tpu.memref_squeeze %dma_wait3A_314 : memref<1x64x256xi32, #tpu.memory_space<vmem>> -> memref<64x256xi32, #tpu.memory_space<vmem>>
    %dma_wait3A_316 = arith.constant 0 : i32
    %dma_wait3A_317 = tpu.memref_slice %arg2[%add3A_241, %dma_wait3A_316] : memref<8192x256xi32, #tpu.memory_space<hbm>> -> memref<64x256xi32, #tpu.memory_space<hbm>>
    tpu.wait_dma2 semaphore(%arg12 : memref<!tpu.dma_semaphore, #tpu.memory_space<semaphore_mem>>) src(%dma_wait3A_317 : memref<64x256xi32, #tpu.memory_space<hbm>>) dst(%dma_wait3A_315 : memref<64x256xi32, #tpu.memory_space<vmem>>)
    %dma_start3A_318 = arith.constant 0 : i32
    %dma_start3A_319 = arith.constant 3 : i32
    %dma_start3A_320 = arith.constant 0 : i32
    %dma_start3A_321 = arith.constant 0 : i32
    %dma_start3A_322 = tpu.memref_slice %arg11[%dma_start3A_318, %dma_start3A_320, %dma_start3A_321] : memref<3x64x256xi32, #tpu.memory_space<vmem>> -> memref<1x64x256xi32, #tpu.memory_space<vmem>>
    %dma_start3A_323 = tpu.memref_squeeze %dma_start3A_322 : memref<1x64x256xi32, #tpu.memory_space<vmem>> -> memref<64x256xi32, #tpu.memory_space<vmem>>
    %dma_start3A_324 = arith.constant 0 : i32
    %dma_start3A_325 = tpu.memref_slice %arg10[%dma_start3A_319, %dma_start3A_324] : memref<4x64xi32, #tpu.memory_space<vmem>> -> memref<1x64xi32, #tpu.memory_space<vmem>>
    %dma_start3A_326 = tpu.memref_squeeze %dma_start3A_325 : memref<1x64xi32, #tpu.memory_space<vmem>> -> memref<64xi32, #tpu.memory_space<vmem>>
    %dma_start3A_327 = arith.constant 0 : i32
    %dma_start3A_328 = arith.constant 0 : i32
    %dma_start3A_329 = tpu.memref_slice %arg6[%dma_start3A_327, %dma_start3A_328] : memref<8192x256xi32, #tpu.memory_space<hbm>> -> memref<8192x256xi32, #tpu.memory_space<hbm>>
    tpu.enqueue_indirect_dma source(%dma_start3A_323 : memref<64x256xi32, #tpu.memory_space<vmem>>) target(%dma_start3A_329 : memref<8192x256xi32, #tpu.memory_space<hbm>>) offsets(%dma_start3A_326 : memref<64xi32, #tpu.memory_space<vmem>>) semaphore(%arg13 : memref<!tpu.dma_semaphore, #tpu.memory_space<semaphore_mem>>)
    %dma_wait3A_330 = arith.constant 1 : i32
    %dma_wait3A_331 = arith.constant 1 : i32
    %dma_wait3A_332 = arith.constant 0 : i32
    %dma_wait3A_333 = arith.constant 0 : i32
    %dma_wait3A_334 = tpu.memref_slice %arg11[%dma_wait3A_330, %dma_wait3A_332, %dma_wait3A_333] : memref<3x64x256xi32, #tpu.memory_space<vmem>> -> memref<1x64x256xi32, #tpu.memory_space<vmem>>
    %dma_wait3A_335 = tpu.memref_squeeze %dma_wait3A_334 : memref<1x64x256xi32, #tpu.memory_space<vmem>> -> memref<64x256xi32, #tpu.memory_space<vmem>>
    %dma_wait3A_336 = arith.constant 0 : i32
    %dma_wait3A_337 = tpu.memref_slice %arg10[%dma_wait3A_331, %dma_wait3A_336] : memref<4x64xi32, #tpu.memory_space<vmem>> -> memref<1x64xi32, #tpu.memory_space<vmem>>
    %dma_wait3A_338 = tpu.memref_squeeze %dma_wait3A_337 : memref<1x64xi32, #tpu.memory_space<vmem>> -> memref<64xi32, #tpu.memory_space<vmem>>
    %dma_wait3A_339 = arith.constant 0 : i32
    %dma_wait3A_340 = arith.constant 0 : i32
    %dma_wait3A_341 = tpu.memref_slice %arg6[%dma_wait3A_339, %dma_wait3A_340] : memref<8192x256xi32, #tpu.memory_space<hbm>> -> memref<8192x256xi32, #tpu.memory_space<hbm>>
    tpu.wait_indirect_dma semaphore(%arg13 : memref<!tpu.dma_semaphore, #tpu.memory_space<semaphore_mem>>) src(%dma_wait3A_335 : memref<64x256xi32, #tpu.memory_space<vmem>>) dst(%dma_wait3A_341 : memref<8192x256xi32, #tpu.memory_space<hbm>>)
    %dma_wait3A_342 = arith.constant 2 : i32
    %dma_wait3A_343 = arith.constant 2 : i32
    %dma_wait3A_344 = arith.constant 0 : i32
    %dma_wait3A_345 = arith.constant 0 : i32
    %dma_wait3A_346 = tpu.memref_slice %arg11[%dma_wait3A_342, %dma_wait3A_344, %dma_wait3A_345] : memref<3x64x256xi32, #tpu.memory_space<vmem>> -> memref<1x64x256xi32, #tpu.memory_space<vmem>>
    %dma_wait3A_347 = tpu.memref_squeeze %dma_wait3A_346 : memref<1x64x256xi32, #tpu.memory_space<vmem>> -> memref<64x256xi32, #tpu.memory_space<vmem>>
    %dma_wait3A_348 = arith.constant 0 : i32
    %dma_wait3A_349 = tpu.memref_slice %arg10[%dma_wait3A_343, %dma_wait3A_348] : memref<4x64xi32, #tpu.memory_space<vmem>> -> memref<1x64xi32, #tpu.memory_space<vmem>>
    %dma_wait3A_350 = tpu.memref_squeeze %dma_wait3A_349 : memref<1x64xi32, #tpu.memory_space<vmem>> -> memref<64xi32, #tpu.memory_space<vmem>>
    %dma_wait3A_351 = arith.constant 0 : i32
    %dma_wait3A_352 = arith.constant 0 : i32
    %dma_wait3A_353 = tpu.memref_slice %arg6[%dma_wait3A_351, %dma_wait3A_352] : memref<8192x256xi32, #tpu.memory_space<hbm>> -> memref<8192x256xi32, #tpu.memory_space<hbm>>
    tpu.wait_indirect_dma semaphore(%arg13 : memref<!tpu.dma_semaphore, #tpu.memory_space<semaphore_mem>>) src(%dma_wait3A_347 : memref<64x256xi32, #tpu.memory_space<vmem>>) dst(%dma_wait3A_353 : memref<8192x256xi32, #tpu.memory_space<hbm>>)
    %dma_wait3A_354 = arith.constant 0 : i32
    %dma_wait3A_355 = arith.constant 3 : i32
    %dma_wait3A_356 = arith.constant 0 : i32
    %dma_wait3A_357 = arith.constant 0 : i32
    %dma_wait3A_358 = tpu.memref_slice %arg11[%dma_wait3A_354, %dma_wait3A_356, %dma_wait3A_357] : memref<3x64x256xi32, #tpu.memory_space<vmem>> -> memref<1x64x256xi32, #tpu.memory_space<vmem>>
    %dma_wait3A_359 = tpu.memref_squeeze %dma_wait3A_358 : memref<1x64x256xi32, #tpu.memory_space<vmem>> -> memref<64x256xi32, #tpu.memory_space<vmem>>
    %dma_wait3A_360 = arith.constant 0 : i32
    %dma_wait3A_361 = tpu.memref_slice %arg10[%dma_wait3A_355, %dma_wait3A_360] : memref<4x64xi32, #tpu.memory_space<vmem>> -> memref<1x64xi32, #tpu.memory_space<vmem>>
    %dma_wait3A_362 = tpu.memref_squeeze %dma_wait3A_361 : memref<1x64xi32, #tpu.memory_space<vmem>> -> memref<64xi32, #tpu.memory_space<vmem>>
    %dma_wait3A_363 = arith.constant 0 : i32
    %dma_wait3A_364 = arith.constant 0 : i32
    %dma_wait3A_365 = tpu.memref_slice %arg6[%dma_wait3A_363, %dma_wait3A_364] : memref<8192x256xi32, #tpu.memory_space<hbm>> -> memref<8192x256xi32, #tpu.memory_space<hbm>>
    tpu.wait_indirect_dma semaphore(%arg13 : memref<!tpu.dma_semaphore, #tpu.memory_space<semaphore_mem>>) src(%dma_wait3A_359 : memref<64x256xi32, #tpu.memory_space<vmem>>) dst(%dma_wait3A_365 : memref<8192x256xi32, #tpu.memory_space<hbm>>)
    return
  }
}

module attributes {stable_mosaic.version = 14 : i64} {
  func.func @_body_a(%arg0: i32, %arg1: memref<1x512x1xi32, #tpu.memory_space<vmem>>, %arg2: memref<1x1x512xi32, #tpu.memory_space<vmem>>, %arg3: memref<1x512x8xf32, #tpu.memory_space<vmem>>, %arg4: memref<1x8x512xf32, #tpu.memory_space<vmem>>, %arg5: memref<1x8x1xf32, #tpu.memory_space<vmem>>, %arg6: memref<8x1xf32, #tpu.memory_space<vmem>>, %arg7: memref<16x384xf32, #tpu.memory_space<vmem>>, %arg8: memref<16x64xf32, #tpu.memory_space<vmem>>, %arg9: memref<384x256xf32, #tpu.memory_space<vmem>>, %arg10: memref<64x256xf32, #tpu.memory_space<vmem>>, %arg11: memref<1x256xf32, #tpu.memory_space<vmem>>, %arg12: memref<1x256xf32, #tpu.memory_space<vmem>>, %arg13: memref<256x192xf32, #tpu.memory_space<vmem>>, %arg14: memref<192x160xf32, #tpu.memory_space<vmem>>, %arg15: memref<160x1xf32, #tpu.memory_space<vmem>>, %arg16: memref<1x256xf32, #tpu.memory_space<vmem>>, %arg17: memref<1x192xf32, #tpu.memory_space<vmem>>, %arg18: memref<1x160xf32, #tpu.memory_space<vmem>>, %arg19: memref<1x1xf32, #tpu.memory_space<vmem>>, %arg20: memref<1x512x256xi32, #tpu.memory_space<vmem>>, %arg21: memref<1x8x1xf32, #tpu.memory_space<vmem>>, %arg22: memref<1x512x1xf32, #tpu.memory_space<vmem>>, %arg23: memref<1x512x1xi32, #tpu.memory_space<vmem>>, %arg24: memref<1x16xi32, #tpu.memory_space<vmem>>, %arg25: memref<2x256x256xf32, #tpu.memory_space<vmem>>, %arg26: memref<2x256x256xf32, #tpu.memory_space<vmem>>, %arg27: memref<1x8xf32, #tpu.memory_space<vmem>>) attributes {dimension_semantics = [#tpu.dimension_semantics<arbitrary>], iteration_bounds = array<i64: 16>, scalar_prefetch = 0 : i64, scratch_operands = 3 : i64, tpu.core_type = #tpu.core_type<tc>, window_params = [{transform_indices = @transform_0, window_bounds = array<i64: 1, 512, 1>}, {transform_indices = @transform_1, window_bounds = array<i64: 1, 1, 512>}, {transform_indices = @transform_2, window_bounds = array<i64: 1, 512, 8>}, {transform_indices = @transform_3, window_bounds = array<i64: 1, 8, 512>}, {transform_indices = @transform_4, window_bounds = array<i64: 1, 8, 1>}, {pipeline_mode = #tpu.pipeline_mode<synchronous>, transform_indices = @transform_5, window_bounds = array<i64: 8, 1>}, {pipeline_mode = #tpu.pipeline_mode<synchronous>, transform_indices = @transform_6, window_bounds = array<i64: 16, 384>}, {pipeline_mode = #tpu.pipeline_mode<synchronous>, transform_indices = @transform_7, window_bounds = array<i64: 16, 64>}, {pipeline_mode = #tpu.pipeline_mode<synchronous>, transform_indices = @transform_8, window_bounds = array<i64: 384, 256>}, {pipeline_mode = #tpu.pipeline_mode<synchronous>, transform_indices = @transform_9, window_bounds = array<i64: 64, 256>}, {pipeline_mode = #tpu.pipeline_mode<synchronous>, transform_indices = @transform_10, window_bounds = array<i64: 1, 256>}, {pipeline_mode = #tpu.pipeline_mode<synchronous>, transform_indices = @transform_11, window_bounds = array<i64: 1, 256>}, {pipeline_mode = #tpu.pipeline_mode<synchronous>, transform_indices = @transform_12, window_bounds = array<i64: 256, 192>}, {pipeline_mode = #tpu.pipeline_mode<synchronous>, transform_indices = @transform_13, window_bounds = array<i64: 192, 160>}, {pipeline_mode = #tpu.pipeline_mode<synchronous>, transform_indices = @transform_14, window_bounds = array<i64: 160, 1>}, {pipeline_mode = #tpu.pipeline_mode<synchronous>, transform_indices = @transform_15, window_bounds = array<i64: 1, 256>}, {pipeline_mode = #tpu.pipeline_mode<synchronous>, transform_indices = @transform_16, window_bounds = array<i64: 1, 192>}, {pipeline_mode = #tpu.pipeline_mode<synchronous>, transform_indices = @transform_17, window_bounds = array<i64: 1, 160>}, {pipeline_mode = #tpu.pipeline_mode<synchronous>, transform_indices = @transform_18, window_bounds = array<i64: 1, 1>}, {transform_indices = @transform_19, window_bounds = array<i64: 1, 512, 256>}, {transform_indices = @transform_20, window_bounds = array<i64: 1, 8, 1>}, {transform_indices = @transform_21, window_bounds = array<i64: 1, 512, 1>}, {transform_indices = @transform_22, window_bounds = array<i64: 1, 512, 1>}, {pipeline_mode = #tpu.pipeline_mode<synchronous>, transform_indices = @transform_23, window_bounds = array<i64: 1, 16>}]} {
    %eq3A = arith.constant 0 : i32
    %eq3A_0 = arith.cmpi eq, %arg0, %eq3A : i32
    %convert_element_type3A = arith.extui %eq3A_0 : i1 to i32
    %cond3A = arith.constant 0 : i32
    %cond3A_1 = arith.cmpi ne, %convert_element_type3A, %cond3A : i32
    scf.if %cond3A_1 {
      %broadcast_in_dim3A_1573 = arith.constant 0.000000e+00 : f32
      %broadcast_in_dim3A_1574 = vector.broadcast %broadcast_in_dim3A_1573 : f32 to vector<2x256x256xf32>
      %swap3A_1575 = arith.constant 0 : index
      %swap3A_1576 = arith.constant 0 : index
      %swap3A_1577 = arith.constant 0 : index
      %swap3A_1578 = vector.load %arg25[%swap3A_1575, %swap3A_1576, %swap3A_1577] : memref<2x256x256xf32, #tpu.memory_space<vmem>>, vector<2x256x256xf32>
      tpu.vector_store %arg25[%swap3A_1575, %swap3A_1576, %swap3A_1577], %broadcast_in_dim3A_1574 {strides = array<i32>} : memref<2x256x256xf32, #tpu.memory_space<vmem>>, vector<2x256x256xf32>,
      %broadcast_in_dim3A_1579 = arith.constant 0.000000e+00 : f32
      %broadcast_in_dim3A_1580 = vector.broadcast %broadcast_in_dim3A_1579 : f32 to vector<2x256x256xf32>
      %swap3A_1581 = arith.constant 0 : index
      %swap3A_1582 = arith.constant 0 : index
      %swap3A_1583 = arith.constant 0 : index
      %swap3A_1584 = vector.load %arg26[%swap3A_1581, %swap3A_1582, %swap3A_1583] : memref<2x256x256xf32, #tpu.memory_space<vmem>>, vector<2x256x256xf32>
      tpu.vector_store %arg26[%swap3A_1581, %swap3A_1582, %swap3A_1583], %broadcast_in_dim3A_1580 {strides = array<i32>} : memref<2x256x256xf32, #tpu.memory_space<vmem>>, vector<2x256x256xf32>,
      %broadcast_in_dim3A_1585 = arith.constant 0.000000e+00 : f32
      %broadcast_in_dim3A_1586 = vector.broadcast %broadcast_in_dim3A_1585 : f32 to vector<1x8xf32>
      %swap3A_1587 = arith.constant 0 : index
      %swap3A_1588 = arith.constant 0 : index
      %swap3A_1589 = vector.load %arg27[%swap3A_1587, %swap3A_1588] : memref<1x8xf32, #tpu.memory_space<vmem>>, vector<1x8xf32>
      tpu.vector_store %arg27[%swap3A_1587, %swap3A_1588], %broadcast_in_dim3A_1586 {strides = array<i32>} : memref<1x8xf32, #tpu.memory_space<vmem>>, vector<1x8xf32>,
    } else {
    }
    %get3A = arith.constant 0 : index
    %get3A_2 = arith.constant 0 : index
    %get3A_3 = arith.constant 0 : index
    %get3A_4 = vector.load %arg1[%get3A, %get3A_2, %get3A_3] : memref<1x512x1xi32, #tpu.memory_space<vmem>>, vector<1x512x1xi32>
    %get3A_5 = vector.shape_cast %get3A_4 : vector<1x512x1xi32> to vector<512x1xi32>
    %get3A_6 = arith.constant 0 : index
    %get3A_7 = arith.constant 0 : index
    %get3A_8 = arith.constant 0 : index
    %get3A_9 = vector.load %arg2[%get3A_6, %get3A_7, %get3A_8] : memref<1x1x512xi32, #tpu.memory_space<vmem>>, vector<1x1x512xi32>
    %get3A_10 = vector.shape_cast %get3A_9 : vector<1x1x512xi32> to vector<1x512xi32>
    %iota3A = tpu.iota {dimensions = array<i32: 1>} : vector<512x8xi32>
    %eq3A_11 = vector.broadcast %get3A_5 : vector<512x1xi32> to vector<512x8xi32>
    %eq3A_12 = arith.cmpi eq, %eq3A_11, %iota3A : vector<512x8xi32>
    %convert_element_type3A_13 = arith.extui %eq3A_12 : vector<512x8xi1> to vector<512x8xi32>
    %convert_element_type3A_14 = arith.sitofp %convert_element_type3A_13 : vector<512x8xi32> to vector<512x8xf32>
    %get3A_15 = arith.constant 0 : index
    %get3A_16 = arith.constant 0 : index
    %get3A_17 = vector.load %arg6[%get3A_15, %get3A_16] : memref<8x1xf32, #tpu.memory_space<vmem>>, vector<8x1xf32>
    %dot_general3A = arith.constant dense<0.000000e+00> : vector<512x1xf32>
    %dot_general3A_18 = tpu.matmul %convert_element_type3A_14, %get3A_17, %dot_general3A {dimension_numbers = #tpu.dot_dimension_numbers<[1], [0], [0], [1], [0, 0, 1, 1], [], []>, transpose_lhs_hint = false} : vector<512x8xf32>, vector<8x1xf32>, vector<512x1xf32> -> vector<512x1xf32>
    %broadcast_in_dim3A = arith.constant 0.304252535 : f32
    %broadcast_in_dim3A_19 = vector.broadcast %broadcast_in_dim3A : f32 to vector<1x512xf32>
    %eq3A_20 = arith.constant 1 : i32
    %eq3A_21 = vector.broadcast %eq3A_20 : i32 to vector<1x512xi32>
    %eq3A_22 = arith.cmpi eq, %get3A_10, %eq3A_21 : vector<1x512xi32>
    %jit3A = arith.constant 3.56692219 : f32
    %broadcast_in_dim3A_23 = vector.broadcast %jit3A : f32 to vector<1x512xf32>
    %select_n3A = arith.select %eq3A_22, %broadcast_in_dim3A_23, %broadcast_in_dim3A_19 : vector<1x512xi1>, vector<1x512xf32>
    %eq3A_24 = arith.constant 2 : i32
    %eq3A_25 = vector.broadcast %eq3A_24 : i32 to vector<1x512xi32>
    %eq3A_26 = arith.cmpi eq, %get3A_10, %eq3A_25 : vector<1x512xi32>
    %jit3A_27 = arith.constant 1.7490139 : f32
    %broadcast_in_dim3A_28 = vector.broadcast %jit3A_27 : f32 to vector<1x512xf32>
    %select_n3A_29 = arith.select %eq3A_26, %broadcast_in_dim3A_28, %select_n3A : vector<1x512xi1>, vector<1x512xf32>
    %eq3A_30 = arith.constant 3 : i32
    %eq3A_31 = vector.broadcast %eq3A_30 : i32 to vector<1x512xi32>
    %eq3A_32 = arith.cmpi eq, %get3A_10, %eq3A_31 : vector<1x512xi32>
    %jit3A_33 = arith.constant 1.51699352 : f32
    %broadcast_in_dim3A_34 = vector.broadcast %jit3A_33 : f32 to vector<1x512xf32>
    %select_n3A_35 = arith.select %eq3A_32, %broadcast_in_dim3A_34, %select_n3A_29 : vector<1x512xi1>, vector<1x512xf32>
    %eq3A_36 = arith.constant 4 : i32
    %eq3A_37 = vector.broadcast %eq3A_36 : i32 to vector<1x512xi32>
    %eq3A_38 = arith.cmpi eq, %get3A_10, %eq3A_37 : vector<1x512xi32>
    %jit3A_39 = arith.constant 4.7895031 : f32
    %broadcast_in_dim3A_40 = vector.broadcast %jit3A_39 : f32 to vector<1x512xf32>
    %select_n3A_41 = arith.select %eq3A_38, %broadcast_in_dim3A_40, %select_n3A_35 : vector<1x512xi1>, vector<1x512xf32>
    %eq3A_42 = arith.constant 5 : i32
    %eq3A_43 = vector.broadcast %eq3A_42 : i32 to vector<1x512xi32>
    %eq3A_44 = arith.cmpi eq, %get3A_10, %eq3A_43 : vector<1x512xi32>
    %jit3A_45 = arith.constant 3.15075707 : f32
    %broadcast_in_dim3A_46 = vector.broadcast %jit3A_45 : f32 to vector<1x512xf32>
    %select_n3A_47 = arith.select %eq3A_44, %broadcast_in_dim3A_46, %select_n3A_41 : vector<1x512xi1>, vector<1x512xf32>
    %eq3A_48 = arith.constant 6 : i32
    %eq3A_49 = vector.broadcast %eq3A_48 : i32 to vector<1x512xi32>
    %eq3A_50 = arith.cmpi eq, %get3A_10, %eq3A_49 : vector<1x512xi32>
    %jit3A_51 = arith.constant 1.8708514 : f32
    %broadcast_in_dim3A_52 = vector.broadcast %jit3A_51 : f32 to vector<1x512xf32>
    %select_n3A_53 = arith.select %eq3A_50, %broadcast_in_dim3A_52, %select_n3A_47 : vector<1x512xi1>, vector<1x512xf32>
    %eq3A_54 = arith.constant 7 : i32
    %eq3A_55 = vector.broadcast %eq3A_54 : i32 to vector<1x512xi32>
    %eq3A_56 = arith.cmpi eq, %get3A_10, %eq3A_55 : vector<1x512xi32>
    %jit3A_57 = arith.constant 1.909940e+00 : f32
    %broadcast_in_dim3A_58 = vector.broadcast %jit3A_57 : f32 to vector<1x512xf32>
    %select_n3A_59 = arith.select %eq3A_56, %broadcast_in_dim3A_58, %select_n3A_53 : vector<1x512xi1>, vector<1x512xf32>
    %iota3A_60 = tpu.iota {dimensions = array<i32: 0>} : vector<64x64xi32>
    %iota3A_61 = tpu.iota {dimensions = array<i32: 1>} : vector<64x64xi32>
    %eq3A_62 = arith.cmpi eq, %iota3A_60, %iota3A_61 : vector<64x64xi32>
    %jit3A_63 = arith.constant 0.000000e+00 : f32
    %jit3A_64 = arith.constant 1.000000e+00 : f32
    %broadcast_in_dim3A_65 = vector.broadcast %jit3A_63 : f32 to vector<64x64xf32>
    %broadcast_in_dim3A_66 = vector.broadcast %jit3A_64 : f32 to vector<64x64xf32>
    %select_n3A_67 = arith.select %eq3A_62, %broadcast_in_dim3A_65, %broadcast_in_dim3A_66 : vector<64x64xi1>, vector<64x64xf32>
    %broadcast_in_dim3A_68 = arith.constant 1.000000e-16 : f32
    %broadcast_in_dim3A_69 = vector.broadcast %broadcast_in_dim3A_68 : f32 to vector<64x64xf32>
    %get3A_70 = arith.constant 0 : index
    %get3A_71 = arith.constant 0 : index
    %get3A_72 = arith.constant 0 : index
    %get3A_73 = vector.load %arg3[%get3A_70, %get3A_71, %get3A_72] : memref<1x512x8xf32, #tpu.memory_space<vmem>>, vector<1x64x1xf32>
    %get3A_74 = vector.shape_cast %get3A_73 : vector<1x64x1xf32> to vector<64x1xf32>
    %get3A_75 = arith.constant 0 : index
    %get3A_76 = arith.constant 0 : index
    %get3A_77 = arith.constant 0 : index
    %get3A_78 = vector.load %arg4[%get3A_75, %get3A_76, %get3A_77] : memref<1x8x512xf32, #tpu.memory_space<vmem>>, vector<1x1x64xf32>
    %get3A_79 = vector.shape_cast %get3A_78 : vector<1x1x64xf32> to vector<1x64xf32>
    %sub3A = vector.broadcast %get3A_74 : vector<64x1xf32> to vector<64x64xf32>
    %sub3A_80 = vector.broadcast %get3A_79 : vector<1x64xf32> to vector<64x64xf32>
    %sub3A_81 = arith.subf %sub3A, %sub3A_80 : vector<64x64xf32>
    %mul3A = arith.mulf %sub3A_81, %sub3A_81 : vector<64x64xf32>
    %add3A = arith.addf %broadcast_in_dim3A_69, %mul3A : vector<64x64xf32>
    %get3A_82 = arith.constant 0 : index
    %get3A_83 = arith.constant 0 : index
    %get3A_84 = arith.constant 1 : index
    %get3A_85 = vector.load %arg3[%get3A_82, %get3A_83, %get3A_84] : memref<1x512x8xf32, #tpu.memory_space<vmem>>, vector<1x64x1xf32>
    %get3A_86 = vector.shape_cast %get3A_85 : vector<1x64x1xf32> to vector<64x1xf32>
    %get3A_87 = arith.constant 0 : index
    %get3A_88 = arith.constant 1 : index
    %get3A_89 = arith.constant 0 : index
    %get3A_90 = vector.load %arg4[%get3A_87, %get3A_88, %get3A_89] : memref<1x8x512xf32, #tpu.memory_space<vmem>>, vector<1x1x64xf32>
    %get3A_91 = vector.shape_cast %get3A_90 : vector<1x1x64xf32> to vector<1x64xf32>
    %sub3A_92 = vector.broadcast %get3A_86 : vector<64x1xf32> to vector<64x64xf32>
    %sub3A_93 = vector.broadcast %get3A_91 : vector<1x64xf32> to vector<64x64xf32>
    %sub3A_94 = arith.subf %sub3A_92, %sub3A_93 : vector<64x64xf32>
    %mul3A_95 = arith.mulf %sub3A_94, %sub3A_94 : vector<64x64xf32>
    %add3A_96 = arith.addf %add3A, %mul3A_95 : vector<64x64xf32>
    %get3A_97 = arith.constant 0 : index
    %get3A_98 = arith.constant 0 : index
    %get3A_99 = arith.constant 2 : index
    %get3A_100 = vector.load %arg3[%get3A_97, %get3A_98, %get3A_99] : memref<1x512x8xf32, #tpu.memory_space<vmem>>, vector<1x64x1xf32>
    %get3A_101 = vector.shape_cast %get3A_100 : vector<1x64x1xf32> to vector<64x1xf32>
    %get3A_102 = arith.constant 0 : index
    %get3A_103 = arith.constant 2 : index
    %get3A_104 = arith.constant 0 : index
    %get3A_105 = vector.load %arg4[%get3A_102, %get3A_103, %get3A_104] : memref<1x8x512xf32, #tpu.memory_space<vmem>>, vector<1x1x64xf32>
    %get3A_106 = vector.shape_cast %get3A_105 : vector<1x1x64xf32> to vector<1x64xf32>
    %sub3A_107 = vector.broadcast %get3A_101 : vector<64x1xf32> to vector<64x64xf32>
    %sub3A_108 = vector.broadcast %get3A_106 : vector<1x64xf32> to vector<64x64xf32>
    %sub3A_109 = arith.subf %sub3A_107, %sub3A_108 : vector<64x64xf32>
    %mul3A_110 = arith.mulf %sub3A_109, %sub3A_109 : vector<64x64xf32>
    %add3A_111 = arith.addf %add3A_96, %mul3A_110 : vector<64x64xf32>
    %sqrt3A = math.sqrt %add3A_111 : vector<64x64xf32>
    %mul3A_112 = arith.constant 1.88972604 : f32
    %mul3A_113 = vector.broadcast %mul3A_112 : f32 to vector<64x64xf32>
    %mul3A_114 = arith.mulf %sqrt3A, %mul3A_113 : vector<64x64xf32>
    %neg3A = arith.constant 0.000000e+00 : f32
    %neg3A_115 = vector.broadcast %neg3A : f32 to vector<64x64xf32>
    %neg3A_116 = arith.subf %neg3A_115, %mul3A_114 : vector<64x64xf32>
    %exp3A = math.exp %neg3A_116 : vector<64x64xf32>
    %mul3A_117 = arith.mulf %exp3A, %select_n3A_67 : vector<64x64xf32>
    %swap3A = arith.constant 0 : index
    %swap3A_118 = arith.constant 0 : index
    %swap3A_119 = arith.constant 0 : index
    %swap3A_120 = vector.load %arg25[%swap3A, %swap3A_118, %swap3A_119] : memref<2x256x256xf32, #tpu.memory_space<vmem>>, vector<1x64x64xf32>
    %swap3A_121 = vector.shape_cast %swap3A_120 : vector<1x64x64xf32> to vector<64x64xf32>
    %swap3A_122 = vector.shape_cast %mul3A_117 : vector<64x64xf32> to vector<1x64x64xf32>
    tpu.vector_store %arg25[%swap3A, %swap3A_118, %swap3A_119], %swap3A_122 {strides = array<i32>} : memref<2x256x256xf32, #tpu.memory_space<vmem>>, vector<1x64x64xf32>,
    %slice3A = vector.extract_strided_slice %dot_general3A_18 {offsets = [0, 0], sizes = [64, 1], strides = [1, 1]} : vector<512x1xf32> to vector<64x1xf32>
    %slice3A_123 = vector.extract_strided_slice %select_n3A_59 {offsets = [0, 0], sizes = [1, 64], strides = [1, 1]} : vector<1x512xf32> to vector<1x64xf32>
    %add3A_124 = vector.broadcast %slice3A : vector<64x1xf32> to vector<64x64xf32>
    %add3A_125 = vector.broadcast %slice3A_123 : vector<1x64xf32> to vector<64x64xf32>
    %add3A_126 = arith.addf %add3A_124, %add3A_125 : vector<64x64xf32>
    %mul3A_127 = arith.constant 2.000000e+00 : f32
    %mul3A_128 = vector.broadcast %mul3A_127 : f32 to vector<64x64xf32>
    %mul3A_129 = arith.mulf %mul3A_128, %add3A_126 : vector<64x64xf32>
    %rsqrt3A = math.rsqrt %mul3A_129 : vector<64x64xf32>
    %mul3A_130 = arith.mulf %mul3A_114, %rsqrt3A : vector<64x64xf32>
    %mul3A_131 = arith.constant 0.327591091 : f32
    %mul3A_132 = vector.broadcast %mul3A_131 : f32 to vector<64x64xf32>
    %mul3A_133 = arith.mulf %mul3A_132, %mul3A_130 : vector<64x64xf32>
    %add3A_134 = arith.constant 1.000000e+00 : f32
    %add3A_135 = vector.broadcast %add3A_134 : f32 to vector<64x64xf32>
    %add3A_136 = arith.addf %add3A_135, %mul3A_133 : vector<64x64xf32>
    %div3A = arith.constant 1.000000e+00 : f32
    %div3A_137 = vector.broadcast %div3A : f32 to vector<64x64xf32>
    %div3A_138 = arith.divf %div3A_137, %add3A_136 : vector<64x64xf32>
    %mul3A_139 = arith.constant 1.06140542 : f32
    %mul3A_140 = vector.broadcast %mul3A_139 : f32 to vector<64x64xf32>
    %mul3A_141 = arith.mulf %div3A_138, %mul3A_140 : vector<64x64xf32>
    %add3A_142 = arith.constant -1.45315206 : f32
    %add3A_143 = vector.broadcast %add3A_142 : f32 to vector<64x64xf32>
    %add3A_144 = arith.addf %add3A_143, %mul3A_141 : vector<64x64xf32>
    %mul3A_145 = arith.mulf %div3A_138, %add3A_144 : vector<64x64xf32>
    %add3A_146 = arith.constant 1.42141378 : f32
    %add3A_147 = vector.broadcast %add3A_146 : f32 to vector<64x64xf32>
    %add3A_148 = arith.addf %add3A_147, %mul3A_145 : vector<64x64xf32>
    %mul3A_149 = arith.mulf %div3A_138, %add3A_148 : vector<64x64xf32>
    %add3A_150 = arith.constant -0.284496725 : f32
    %add3A_151 = vector.broadcast %add3A_150 : f32 to vector<64x64xf32>
    %add3A_152 = arith.addf %add3A_151, %mul3A_149 : vector<64x64xf32>
    %mul3A_153 = arith.mulf %div3A_138, %add3A_152 : vector<64x64xf32>
    %add3A_154 = arith.constant 0.254829586 : f32
    %add3A_155 = vector.broadcast %add3A_154 : f32 to vector<64x64xf32>
    %add3A_156 = arith.addf %add3A_155, %mul3A_153 : vector<64x64xf32>
    %mul3A_157 = arith.mulf %div3A_138, %add3A_156 : vector<64x64xf32>
    %neg3A_158 = arith.constant 0.000000e+00 : f32
    %neg3A_159 = vector.broadcast %neg3A_158 : f32 to vector<64x64xf32>
    %neg3A_160 = arith.subf %neg3A_159, %mul3A_130 : vector<64x64xf32>
    %mul3A_161 = arith.mulf %neg3A_160, %mul3A_130 : vector<64x64xf32>
    %exp3A_162 = math.exp %mul3A_161 : vector<64x64xf32>
    %mul3A_163 = arith.mulf %mul3A_157, %exp3A_162 : vector<64x64xf32>
    %sub3A_164 = arith.constant 1.000000e+00 : f32
    %sub3A_165 = vector.broadcast %sub3A_164 : f32 to vector<64x64xf32>
    %sub3A_166 = arith.subf %sub3A_165, %mul3A_163 : vector<64x64xf32>
    %div3A_167 = arith.divf %sub3A_166, %mul3A_114 : vector<64x64xf32>
    %mul3A_168 = arith.mulf %div3A_167, %select_n3A_67 : vector<64x64xf32>
    %swap3A_169 = arith.constant 0 : index
    %swap3A_170 = arith.constant 0 : index
    %swap3A_171 = arith.constant 0 : index
    %swap3A_172 = vector.load %arg26[%swap3A_169, %swap3A_170, %swap3A_171] : memref<2x256x256xf32, #tpu.memory_space<vmem>>, vector<1x64x64xf32>
    %swap3A_173 = vector.shape_cast %swap3A_172 : vector<1x64x64xf32> to vector<64x64xf32>
    %swap3A_174 = vector.shape_cast %mul3A_168 : vector<64x64xf32> to vector<1x64x64xf32>
    tpu.vector_store %arg26[%swap3A_169, %swap3A_170, %swap3A_171], %swap3A_174 {strides = array<i32>} : memref<2x256x256xf32, #tpu.memory_space<vmem>>, vector<1x64x64xf32>,
    %broadcast_in_dim3A_175 = arith.constant 1.000000e-16 : f32
    %broadcast_in_dim3A_176 = vector.broadcast %broadcast_in_dim3A_175 : f32 to vector<64x64xf32>
    %get3A_177 = arith.constant 0 : index
    %get3A_178 = arith.constant 64 : index
    %get3A_179 = arith.constant 0 : index
    %get3A_180 = vector.load %arg3[%get3A_177, %get3A_178, %get3A_179] : memref<1x512x8xf32, #tpu.memory_space<vmem>>, vector<1x64x1xf32>
    %get3A_181 = vector.shape_cast %get3A_180 : vector<1x64x1xf32> to vector<64x1xf32>
    %get3A_182 = arith.constant 0 : index
    %get3A_183 = arith.constant 0 : index
    %get3A_184 = arith.constant 64 : index
    %get3A_185 = vector.load %arg4[%get3A_182, %get3A_183, %get3A_184] : memref<1x8x512xf32, #tpu.memory_space<vmem>>, vector<1x1x64xf32>
    %get3A_186 = vector.shape_cast %get3A_185 : vector<1x1x64xf32> to vector<1x64xf32>
    %sub3A_187 = vector.broadcast %get3A_181 : vector<64x1xf32> to vector<64x64xf32>
    %sub3A_188 = vector.broadcast %get3A_186 : vector<1x64xf32> to vector<64x64xf32>
    %sub3A_189 = arith.subf %sub3A_187, %sub3A_188 : vector<64x64xf32>
    %mul3A_190 = arith.mulf %sub3A_189, %sub3A_189 : vector<64x64xf32>
    %add3A_191 = arith.addf %broadcast_in_dim3A_176, %mul3A_190 : vector<64x64xf32>
    %get3A_192 = arith.constant 0 : index
    %get3A_193 = arith.constant 64 : index
    %get3A_194 = arith.constant 1 : index
    %get3A_195 = vector.load %arg3[%get3A_192, %get3A_193, %get3A_194] : memref<1x512x8xf32, #tpu.memory_space<vmem>>, vector<1x64x1xf32>
    %get3A_196 = vector.shape_cast %get3A_195 : vector<1x64x1xf32> to vector<64x1xf32>
    %get3A_197 = arith.constant 0 : index
    %get3A_198 = arith.constant 1 : index
    %get3A_199 = arith.constant 64 : index
    %get3A_200 = vector.load %arg4[%get3A_197, %get3A_198, %get3A_199] : memref<1x8x512xf32, #tpu.memory_space<vmem>>, vector<1x1x64xf32>
    %get3A_201 = vector.shape_cast %get3A_200 : vector<1x1x64xf32> to vector<1x64xf32>
    %sub3A_202 = vector.broadcast %get3A_196 : vector<64x1xf32> to vector<64x64xf32>
    %sub3A_203 = vector.broadcast %get3A_201 : vector<1x64xf32> to vector<64x64xf32>
    %sub3A_204 = arith.subf %sub3A_202, %sub3A_203 : vector<64x64xf32>
    %mul3A_205 = arith.mulf %sub3A_204, %sub3A_204 : vector<64x64xf32>
    %add3A_206 = arith.addf %add3A_191, %mul3A_205 : vector<64x64xf32>
    %get3A_207 = arith.constant 0 : index
    %get3A_208 = arith.constant 64 : index
    %get3A_209 = arith.constant 2 : index
    %get3A_210 = vector.load %arg3[%get3A_207, %get3A_208, %get3A_209] : memref<1x512x8xf32, #tpu.memory_space<vmem>>, vector<1x64x1xf32>
    %get3A_211 = vector.shape_cast %get3A_210 : vector<1x64x1xf32> to vector<64x1xf32>
    %get3A_212 = arith.constant 0 : index
    %get3A_213 = arith.constant 2 : index
    %get3A_214 = arith.constant 64 : index
    %get3A_215 = vector.load %arg4[%get3A_212, %get3A_213, %get3A_214] : memref<1x8x512xf32, #tpu.memory_space<vmem>>, vector<1x1x64xf32>
    %get3A_216 = vector.shape_cast %get3A_215 : vector<1x1x64xf32> to vector<1x64xf32>
    %sub3A_217 = vector.broadcast %get3A_211 : vector<64x1xf32> to vector<64x64xf32>
    %sub3A_218 = vector.broadcast %get3A_216 : vector<1x64xf32> to vector<64x64xf32>
    %sub3A_219 = arith.subf %sub3A_217, %sub3A_218 : vector<64x64xf32>
    %mul3A_220 = arith.mulf %sub3A_219, %sub3A_219 : vector<64x64xf32>
    %add3A_221 = arith.addf %add3A_206, %mul3A_220 : vector<64x64xf32>
    %sqrt3A_222 = math.sqrt %add3A_221 : vector<64x64xf32>
    %mul3A_223 = arith.constant 1.88972604 : f32
    %mul3A_224 = vector.broadcast %mul3A_223 : f32 to vector<64x64xf32>
    %mul3A_225 = arith.mulf %sqrt3A_222, %mul3A_224 : vector<64x64xf32>
    %neg3A_226 = arith.constant 0.000000e+00 : f32
    %neg3A_227 = vector.broadcast %neg3A_226 : f32 to vector<64x64xf32>
    %neg3A_228 = arith.subf %neg3A_227, %mul3A_225 : vector<64x64xf32>
    %exp3A_229 = math.exp %neg3A_228 : vector<64x64xf32>
    %mul3A_230 = arith.mulf %exp3A_229, %select_n3A_67 : vector<64x64xf32>
    %swap3A_231 = arith.constant 0 : index
    %swap3A_232 = arith.constant 64 : index
    %swap3A_233 = arith.constant 64 : index
    %swap3A_234 = vector.load %arg25[%swap3A_231, %swap3A_232, %swap3A_233] : memref<2x256x256xf32, #tpu.memory_space<vmem>>, vector<1x64x64xf32>
    %swap3A_235 = vector.shape_cast %swap3A_234 : vector<1x64x64xf32> to vector<64x64xf32>
    %swap3A_236 = vector.shape_cast %mul3A_230 : vector<64x64xf32> to vector<1x64x64xf32>
    tpu.vector_store %arg25[%swap3A_231, %swap3A_232, %swap3A_233], %swap3A_236 {strides = array<i32>} : memref<2x256x256xf32, #tpu.memory_space<vmem>>, vector<1x64x64xf32>,
    %slice3A_237 = vector.extract_strided_slice %dot_general3A_18 {offsets = [64, 0], sizes = [64, 1], strides = [1, 1]} : vector<512x1xf32> to vector<64x1xf32>
    %slice3A_238 = vector.extract_strided_slice %select_n3A_59 {offsets = [0, 64], sizes = [1, 64], strides = [1, 1]} : vector<1x512xf32> to vector<1x64xf32>
    %add3A_239 = vector.broadcast %slice3A_237 : vector<64x1xf32> to vector<64x64xf32>
    %add3A_240 = vector.broadcast %slice3A_238 : vector<1x64xf32> to vector<64x64xf32>
    %add3A_241 = arith.addf %add3A_239, %add3A_240 : vector<64x64xf32>
    %mul3A_242 = arith.constant 2.000000e+00 : f32
    %mul3A_243 = vector.broadcast %mul3A_242 : f32 to vector<64x64xf32>
    %mul3A_244 = arith.mulf %mul3A_243, %add3A_241 : vector<64x64xf32>
    %rsqrt3A_245 = math.rsqrt %mul3A_244 : vector<64x64xf32>
    %mul3A_246 = arith.mulf %mul3A_225, %rsqrt3A_245 : vector<64x64xf32>
    %mul3A_247 = arith.constant 0.327591091 : f32
    %mul3A_248 = vector.broadcast %mul3A_247 : f32 to vector<64x64xf32>
    %mul3A_249 = arith.mulf %mul3A_248, %mul3A_246 : vector<64x64xf32>
    %add3A_250 = arith.constant 1.000000e+00 : f32
    %add3A_251 = vector.broadcast %add3A_250 : f32 to vector<64x64xf32>
    %add3A_252 = arith.addf %add3A_251, %mul3A_249 : vector<64x64xf32>
    %div3A_253 = arith.constant 1.000000e+00 : f32
    %div3A_254 = vector.broadcast %div3A_253 : f32 to vector<64x64xf32>
    %div3A_255 = arith.divf %div3A_254, %add3A_252 : vector<64x64xf32>
    %mul3A_256 = arith.constant 1.06140542 : f32
    %mul3A_257 = vector.broadcast %mul3A_256 : f32 to vector<64x64xf32>
    %mul3A_258 = arith.mulf %div3A_255, %mul3A_257 : vector<64x64xf32>
    %add3A_259 = arith.constant -1.45315206 : f32
    %add3A_260 = vector.broadcast %add3A_259 : f32 to vector<64x64xf32>
    %add3A_261 = arith.addf %add3A_260, %mul3A_258 : vector<64x64xf32>
    %mul3A_262 = arith.mulf %div3A_255, %add3A_261 : vector<64x64xf32>
    %add3A_263 = arith.constant 1.42141378 : f32
    %add3A_264 = vector.broadcast %add3A_263 : f32 to vector<64x64xf32>
    %add3A_265 = arith.addf %add3A_264, %mul3A_262 : vector<64x64xf32>
    %mul3A_266 = arith.mulf %div3A_255, %add3A_265 : vector<64x64xf32>
    %add3A_267 = arith.constant -0.284496725 : f32
    %add3A_268 = vector.broadcast %add3A_267 : f32 to vector<64x64xf32>
    %add3A_269 = arith.addf %add3A_268, %mul3A_266 : vector<64x64xf32>
    %mul3A_270 = arith.mulf %div3A_255, %add3A_269 : vector<64x64xf32>
    %add3A_271 = arith.constant 0.254829586 : f32
    %add3A_272 = vector.broadcast %add3A_271 : f32 to vector<64x64xf32>
    %add3A_273 = arith.addf %add3A_272, %mul3A_270 : vector<64x64xf32>
    %mul3A_274 = arith.mulf %div3A_255, %add3A_273 : vector<64x64xf32>
    %neg3A_275 = arith.constant 0.000000e+00 : f32
    %neg3A_276 = vector.broadcast %neg3A_275 : f32 to vector<64x64xf32>
    %neg3A_277 = arith.subf %neg3A_276, %mul3A_246 : vector<64x64xf32>
    %mul3A_278 = arith.mulf %neg3A_277, %mul3A_246 : vector<64x64xf32>
    %exp3A_279 = math.exp %mul3A_278 : vector<64x64xf32>
    %mul3A_280 = arith.mulf %mul3A_274, %exp3A_279 : vector<64x64xf32>
    %sub3A_281 = arith.constant 1.000000e+00 : f32
    %sub3A_282 = vector.broadcast %sub3A_281 : f32 to vector<64x64xf32>
    %sub3A_283 = arith.subf %sub3A_282, %mul3A_280 : vector<64x64xf32>
    %div3A_284 = arith.divf %sub3A_283, %mul3A_225 : vector<64x64xf32>
    %mul3A_285 = arith.mulf %div3A_284, %select_n3A_67 : vector<64x64xf32>
    %swap3A_286 = arith.constant 0 : index
    %swap3A_287 = arith.constant 64 : index
    %swap3A_288 = arith.constant 64 : index
    %swap3A_289 = vector.load %arg26[%swap3A_286, %swap3A_287, %swap3A_288] : memref<2x256x256xf32, #tpu.memory_space<vmem>>, vector<1x64x64xf32>
    %swap3A_290 = vector.shape_cast %swap3A_289 : vector<1x64x64xf32> to vector<64x64xf32>
    %swap3A_291 = vector.shape_cast %mul3A_285 : vector<64x64xf32> to vector<1x64x64xf32>
    tpu.vector_store %arg26[%swap3A_286, %swap3A_287, %swap3A_288], %swap3A_291 {strides = array<i32>} : memref<2x256x256xf32, #tpu.memory_space<vmem>>, vector<1x64x64xf32>,
    %broadcast_in_dim3A_292 = arith.constant 1.000000e-16 : f32
    %broadcast_in_dim3A_293 = vector.broadcast %broadcast_in_dim3A_292 : f32 to vector<64x64xf32>
    %get3A_294 = arith.constant 0 : index
    %get3A_295 = arith.constant 128 : index
    %get3A_296 = arith.constant 0 : index
    %get3A_297 = vector.load %arg3[%get3A_294, %get3A_295, %get3A_296] : memref<1x512x8xf32, #tpu.memory_space<vmem>>, vector<1x64x1xf32>
    %get3A_298 = vector.shape_cast %get3A_297 : vector<1x64x1xf32> to vector<64x1xf32>
    %get3A_299 = arith.constant 0 : index
    %get3A_300 = arith.constant 0 : index
    %get3A_301 = arith.constant 128 : index
    %get3A_302 = vector.load %arg4[%get3A_299, %get3A_300, %get3A_301] : memref<1x8x512xf32, #tpu.memory_space<vmem>>, vector<1x1x64xf32>
    %get3A_303 = vector.shape_cast %get3A_302 : vector<1x1x64xf32> to vector<1x64xf32>
    %sub3A_304 = vector.broadcast %get3A_298 : vector<64x1xf32> to vector<64x64xf32>
    %sub3A_305 = vector.broadcast %get3A_303 : vector<1x64xf32> to vector<64x64xf32>
    %sub3A_306 = arith.subf %sub3A_304, %sub3A_305 : vector<64x64xf32>
    %mul3A_307 = arith.mulf %sub3A_306, %sub3A_306 : vector<64x64xf32>
    %add3A_308 = arith.addf %broadcast_in_dim3A_293, %mul3A_307 : vector<64x64xf32>
    %get3A_309 = arith.constant 0 : index
    %get3A_310 = arith.constant 128 : index
    %get3A_311 = arith.constant 1 : index
    %get3A_312 = vector.load %arg3[%get3A_309, %get3A_310, %get3A_311] : memref<1x512x8xf32, #tpu.memory_space<vmem>>, vector<1x64x1xf32>
    %get3A_313 = vector.shape_cast %get3A_312 : vector<1x64x1xf32> to vector<64x1xf32>
    %get3A_314 = arith.constant 0 : index
    %get3A_315 = arith.constant 1 : index
    %get3A_316 = arith.constant 128 : index
    %get3A_317 = vector.load %arg4[%get3A_314, %get3A_315, %get3A_316] : memref<1x8x512xf32, #tpu.memory_space<vmem>>, vector<1x1x64xf32>
    %get3A_318 = vector.shape_cast %get3A_317 : vector<1x1x64xf32> to vector<1x64xf32>
    %sub3A_319 = vector.broadcast %get3A_313 : vector<64x1xf32> to vector<64x64xf32>
    %sub3A_320 = vector.broadcast %get3A_318 : vector<1x64xf32> to vector<64x64xf32>
    %sub3A_321 = arith.subf %sub3A_319, %sub3A_320 : vector<64x64xf32>
    %mul3A_322 = arith.mulf %sub3A_321, %sub3A_321 : vector<64x64xf32>
    %add3A_323 = arith.addf %add3A_308, %mul3A_322 : vector<64x64xf32>
    %get3A_324 = arith.constant 0 : index
    %get3A_325 = arith.constant 128 : index
    %get3A_326 = arith.constant 2 : index
    %get3A_327 = vector.load %arg3[%get3A_324, %get3A_325, %get3A_326] : memref<1x512x8xf32, #tpu.memory_space<vmem>>, vector<1x64x1xf32>
    %get3A_328 = vector.shape_cast %get3A_327 : vector<1x64x1xf32> to vector<64x1xf32>
    %get3A_329 = arith.constant 0 : index
    %get3A_330 = arith.constant 2 : index
    %get3A_331 = arith.constant 128 : index
    %get3A_332 = vector.load %arg4[%get3A_329, %get3A_330, %get3A_331] : memref<1x8x512xf32, #tpu.memory_space<vmem>>, vector<1x1x64xf32>
    %get3A_333 = vector.shape_cast %get3A_332 : vector<1x1x64xf32> to vector<1x64xf32>
    %sub3A_334 = vector.broadcast %get3A_328 : vector<64x1xf32> to vector<64x64xf32>
    %sub3A_335 = vector.broadcast %get3A_333 : vector<1x64xf32> to vector<64x64xf32>
    %sub3A_336 = arith.subf %sub3A_334, %sub3A_335 : vector<64x64xf32>
    %mul3A_337 = arith.mulf %sub3A_336, %sub3A_336 : vector<64x64xf32>
    %add3A_338 = arith.addf %add3A_323, %mul3A_337 : vector<64x64xf32>
    %sqrt3A_339 = math.sqrt %add3A_338 : vector<64x64xf32>
    %mul3A_340 = arith.constant 1.88972604 : f32
    %mul3A_341 = vector.broadcast %mul3A_340 : f32 to vector<64x64xf32>
    %mul3A_342 = arith.mulf %sqrt3A_339, %mul3A_341 : vector<64x64xf32>
    %neg3A_343 = arith.constant 0.000000e+00 : f32
    %neg3A_344 = vector.broadcast %neg3A_343 : f32 to vector<64x64xf32>
    %neg3A_345 = arith.subf %neg3A_344, %mul3A_342 : vector<64x64xf32>
    %exp3A_346 = math.exp %neg3A_345 : vector<64x64xf32>
    %mul3A_347 = arith.mulf %exp3A_346, %select_n3A_67 : vector<64x64xf32>
    %swap3A_348 = arith.constant 0 : index
    %swap3A_349 = arith.constant 128 : index
    %swap3A_350 = arith.constant 128 : index
    %swap3A_351 = vector.load %arg25[%swap3A_348, %swap3A_349, %swap3A_350] : memref<2x256x256xf32, #tpu.memory_space<vmem>>, vector<1x64x64xf32>
    %swap3A_352 = vector.shape_cast %swap3A_351 : vector<1x64x64xf32> to vector<64x64xf32>
    %swap3A_353 = vector.shape_cast %mul3A_347 : vector<64x64xf32> to vector<1x64x64xf32>
    tpu.vector_store %arg25[%swap3A_348, %swap3A_349, %swap3A_350], %swap3A_353 {strides = array<i32>} : memref<2x256x256xf32, #tpu.memory_space<vmem>>, vector<1x64x64xf32>,
    %slice3A_354 = vector.extract_strided_slice %dot_general3A_18 {offsets = [128, 0], sizes = [64, 1], strides = [1, 1]} : vector<512x1xf32> to vector<64x1xf32>
    %slice3A_355 = vector.extract_strided_slice %select_n3A_59 {offsets = [0, 128], sizes = [1, 64], strides = [1, 1]} : vector<1x512xf32> to vector<1x64xf32>
    %add3A_356 = vector.broadcast %slice3A_354 : vector<64x1xf32> to vector<64x64xf32>
    %add3A_357 = vector.broadcast %slice3A_355 : vector<1x64xf32> to vector<64x64xf32>
    %add3A_358 = arith.addf %add3A_356, %add3A_357 : vector<64x64xf32>
    %mul3A_359 = arith.constant 2.000000e+00 : f32
    %mul3A_360 = vector.broadcast %mul3A_359 : f32 to vector<64x64xf32>
    %mul3A_361 = arith.mulf %mul3A_360, %add3A_358 : vector<64x64xf32>
    %rsqrt3A_362 = math.rsqrt %mul3A_361 : vector<64x64xf32>
    %mul3A_363 = arith.mulf %mul3A_342, %rsqrt3A_362 : vector<64x64xf32>
    %mul3A_364 = arith.constant 0.327591091 : f32
    %mul3A_365 = vector.broadcast %mul3A_364 : f32 to vector<64x64xf32>
    %mul3A_366 = arith.mulf %mul3A_365, %mul3A_363 : vector<64x64xf32>
    %add3A_367 = arith.constant 1.000000e+00 : f32
    %add3A_368 = vector.broadcast %add3A_367 : f32 to vector<64x64xf32>
    %add3A_369 = arith.addf %add3A_368, %mul3A_366 : vector<64x64xf32>
    %div3A_370 = arith.constant 1.000000e+00 : f32
    %div3A_371 = vector.broadcast %div3A_370 : f32 to vector<64x64xf32>
    %div3A_372 = arith.divf %div3A_371, %add3A_369 : vector<64x64xf32>
    %mul3A_373 = arith.constant 1.06140542 : f32
    %mul3A_374 = vector.broadcast %mul3A_373 : f32 to vector<64x64xf32>
    %mul3A_375 = arith.mulf %div3A_372, %mul3A_374 : vector<64x64xf32>
    %add3A_376 = arith.constant -1.45315206 : f32
    %add3A_377 = vector.broadcast %add3A_376 : f32 to vector<64x64xf32>
    %add3A_378 = arith.addf %add3A_377, %mul3A_375 : vector<64x64xf32>
    %mul3A_379 = arith.mulf %div3A_372, %add3A_378 : vector<64x64xf32>
    %add3A_380 = arith.constant 1.42141378 : f32
    %add3A_381 = vector.broadcast %add3A_380 : f32 to vector<64x64xf32>
    %add3A_382 = arith.addf %add3A_381, %mul3A_379 : vector<64x64xf32>
    %mul3A_383 = arith.mulf %div3A_372, %add3A_382 : vector<64x64xf32>
    %add3A_384 = arith.constant -0.284496725 : f32
    %add3A_385 = vector.broadcast %add3A_384 : f32 to vector<64x64xf32>
    %add3A_386 = arith.addf %add3A_385, %mul3A_383 : vector<64x64xf32>
    %mul3A_387 = arith.mulf %div3A_372, %add3A_386 : vector<64x64xf32>
    %add3A_388 = arith.constant 0.254829586 : f32
    %add3A_389 = vector.broadcast %add3A_388 : f32 to vector<64x64xf32>
    %add3A_390 = arith.addf %add3A_389, %mul3A_387 : vector<64x64xf32>
    %mul3A_391 = arith.mulf %div3A_372, %add3A_390 : vector<64x64xf32>
    %neg3A_392 = arith.constant 0.000000e+00 : f32
    %neg3A_393 = vector.broadcast %neg3A_392 : f32 to vector<64x64xf32>
    %neg3A_394 = arith.subf %neg3A_393, %mul3A_363 : vector<64x64xf32>
    %mul3A_395 = arith.mulf %neg3A_394, %mul3A_363 : vector<64x64xf32>
    %exp3A_396 = math.exp %mul3A_395 : vector<64x64xf32>
    %mul3A_397 = arith.mulf %mul3A_391, %exp3A_396 : vector<64x64xf32>
    %sub3A_398 = arith.constant 1.000000e+00 : f32
    %sub3A_399 = vector.broadcast %sub3A_398 : f32 to vector<64x64xf32>
    %sub3A_400 = arith.subf %sub3A_399, %mul3A_397 : vector<64x64xf32>
    %div3A_401 = arith.divf %sub3A_400, %mul3A_342 : vector<64x64xf32>
    %mul3A_402 = arith.mulf %div3A_401, %select_n3A_67 : vector<64x64xf32>
    %swap3A_403 = arith.constant 0 : index
    %swap3A_404 = arith.constant 128 : index
    %swap3A_405 = arith.constant 128 : index
    %swap3A_406 = vector.load %arg26[%swap3A_403, %swap3A_404, %swap3A_405] : memref<2x256x256xf32, #tpu.memory_space<vmem>>, vector<1x64x64xf32>
    %swap3A_407 = vector.shape_cast %swap3A_406 : vector<1x64x64xf32> to vector<64x64xf32>
    %swap3A_408 = vector.shape_cast %mul3A_402 : vector<64x64xf32> to vector<1x64x64xf32>
    tpu.vector_store %arg26[%swap3A_403, %swap3A_404, %swap3A_405], %swap3A_408 {strides = array<i32>} : memref<2x256x256xf32, #tpu.memory_space<vmem>>, vector<1x64x64xf32>,
    %broadcast_in_dim3A_409 = arith.constant 1.000000e-16 : f32
    %broadcast_in_dim3A_410 = vector.broadcast %broadcast_in_dim3A_409 : f32 to vector<64x64xf32>
    %get3A_411 = arith.constant 0 : index
    %get3A_412 = arith.constant 192 : index
    %get3A_413 = arith.constant 0 : index
    %get3A_414 = vector.load %arg3[%get3A_411, %get3A_412, %get3A_413] : memref<1x512x8xf32, #tpu.memory_space<vmem>>, vector<1x64x1xf32>
    %get3A_415 = vector.shape_cast %get3A_414 : vector<1x64x1xf32> to vector<64x1xf32>
    %get3A_416 = arith.constant 0 : index
    %get3A_417 = arith.constant 0 : index
    %get3A_418 = arith.constant 192 : index
    %get3A_419 = vector.load %arg4[%get3A_416, %get3A_417, %get3A_418] : memref<1x8x512xf32, #tpu.memory_space<vmem>>, vector<1x1x64xf32>
    %get3A_420 = vector.shape_cast %get3A_419 : vector<1x1x64xf32> to vector<1x64xf32>
    %sub3A_421 = vector.broadcast %get3A_415 : vector<64x1xf32> to vector<64x64xf32>
    %sub3A_422 = vector.broadcast %get3A_420 : vector<1x64xf32> to vector<64x64xf32>
    %sub3A_423 = arith.subf %sub3A_421, %sub3A_422 : vector<64x64xf32>
    %mul3A_424 = arith.mulf %sub3A_423, %sub3A_423 : vector<64x64xf32>
    %add3A_425 = arith.addf %broadcast_in_dim3A_410, %mul3A_424 : vector<64x64xf32>
    %get3A_426 = arith.constant 0 : index
    %get3A_427 = arith.constant 192 : index
    %get3A_428 = arith.constant 1 : index
    %get3A_429 = vector.load %arg3[%get3A_426, %get3A_427, %get3A_428] : memref<1x512x8xf32, #tpu.memory_space<vmem>>, vector<1x64x1xf32>
    %get3A_430 = vector.shape_cast %get3A_429 : vector<1x64x1xf32> to vector<64x1xf32>
    %get3A_431 = arith.constant 0 : index
    %get3A_432 = arith.constant 1 : index
    %get3A_433 = arith.constant 192 : index
    %get3A_434 = vector.load %arg4[%get3A_431, %get3A_432, %get3A_433] : memref<1x8x512xf32, #tpu.memory_space<vmem>>, vector<1x1x64xf32>
    %get3A_435 = vector.shape_cast %get3A_434 : vector<1x1x64xf32> to vector<1x64xf32>
    %sub3A_436 = vector.broadcast %get3A_430 : vector<64x1xf32> to vector<64x64xf32>
    %sub3A_437 = vector.broadcast %get3A_435 : vector<1x64xf32> to vector<64x64xf32>
    %sub3A_438 = arith.subf %sub3A_436, %sub3A_437 : vector<64x64xf32>
    %mul3A_439 = arith.mulf %sub3A_438, %sub3A_438 : vector<64x64xf32>
    %add3A_440 = arith.addf %add3A_425, %mul3A_439 : vector<64x64xf32>
    %get3A_441 = arith.constant 0 : index
    %get3A_442 = arith.constant 192 : index
    %get3A_443 = arith.constant 2 : index
    %get3A_444 = vector.load %arg3[%get3A_441, %get3A_442, %get3A_443] : memref<1x512x8xf32, #tpu.memory_space<vmem>>, vector<1x64x1xf32>
    %get3A_445 = vector.shape_cast %get3A_444 : vector<1x64x1xf32> to vector<64x1xf32>
    %get3A_446 = arith.constant 0 : index
    %get3A_447 = arith.constant 2 : index
    %get3A_448 = arith.constant 192 : index
    %get3A_449 = vector.load %arg4[%get3A_446, %get3A_447, %get3A_448] : memref<1x8x512xf32, #tpu.memory_space<vmem>>, vector<1x1x64xf32>
    %get3A_450 = vector.shape_cast %get3A_449 : vector<1x1x64xf32> to vector<1x64xf32>
    %sub3A_451 = vector.broadcast %get3A_445 : vector<64x1xf32> to vector<64x64xf32>
    %sub3A_452 = vector.broadcast %get3A_450 : vector<1x64xf32> to vector<64x64xf32>
    %sub3A_453 = arith.subf %sub3A_451, %sub3A_452 : vector<64x64xf32>
    %mul3A_454 = arith.mulf %sub3A_453, %sub3A_453 : vector<64x64xf32>
    %add3A_455 = arith.addf %add3A_440, %mul3A_454 : vector<64x64xf32>
    %sqrt3A_456 = math.sqrt %add3A_455 : vector<64x64xf32>
    %mul3A_457 = arith.constant 1.88972604 : f32
    %mul3A_458 = vector.broadcast %mul3A_457 : f32 to vector<64x64xf32>
    %mul3A_459 = arith.mulf %sqrt3A_456, %mul3A_458 : vector<64x64xf32>
    %neg3A_460 = arith.constant 0.000000e+00 : f32
    %neg3A_461 = vector.broadcast %neg3A_460 : f32 to vector<64x64xf32>
    %neg3A_462 = arith.subf %neg3A_461, %mul3A_459 : vector<64x64xf32>
    %exp3A_463 = math.exp %neg3A_462 : vector<64x64xf32>
    %mul3A_464 = arith.mulf %exp3A_463, %select_n3A_67 : vector<64x64xf32>
    %swap3A_465 = arith.constant 0 : index
    %swap3A_466 = arith.constant 192 : index
    %swap3A_467 = arith.constant 192 : index
    %swap3A_468 = vector.load %arg25[%swap3A_465, %swap3A_466, %swap3A_467] : memref<2x256x256xf32, #tpu.memory_space<vmem>>, vector<1x64x64xf32>
    %swap3A_469 = vector.shape_cast %swap3A_468 : vector<1x64x64xf32> to vector<64x64xf32>
    %swap3A_470 = vector.shape_cast %mul3A_464 : vector<64x64xf32> to vector<1x64x64xf32>
    tpu.vector_store %arg25[%swap3A_465, %swap3A_466, %swap3A_467], %swap3A_470 {strides = array<i32>} : memref<2x256x256xf32, #tpu.memory_space<vmem>>, vector<1x64x64xf32>,
    %slice3A_471 = vector.extract_strided_slice %dot_general3A_18 {offsets = [192, 0], sizes = [64, 1], strides = [1, 1]} : vector<512x1xf32> to vector<64x1xf32>
    %slice3A_472 = vector.extract_strided_slice %select_n3A_59 {offsets = [0, 192], sizes = [1, 64], strides = [1, 1]} : vector<1x512xf32> to vector<1x64xf32>
    %add3A_473 = vector.broadcast %slice3A_471 : vector<64x1xf32> to vector<64x64xf32>
    %add3A_474 = vector.broadcast %slice3A_472 : vector<1x64xf32> to vector<64x64xf32>
    %add3A_475 = arith.addf %add3A_473, %add3A_474 : vector<64x64xf32>
    %mul3A_476 = arith.constant 2.000000e+00 : f32
    %mul3A_477 = vector.broadcast %mul3A_476 : f32 to vector<64x64xf32>
    %mul3A_478 = arith.mulf %mul3A_477, %add3A_475 : vector<64x64xf32>
    %rsqrt3A_479 = math.rsqrt %mul3A_478 : vector<64x64xf32>
    %mul3A_480 = arith.mulf %mul3A_459, %rsqrt3A_479 : vector<64x64xf32>
    %mul3A_481 = arith.constant 0.327591091 : f32
    %mul3A_482 = vector.broadcast %mul3A_481 : f32 to vector<64x64xf32>
    %mul3A_483 = arith.mulf %mul3A_482, %mul3A_480 : vector<64x64xf32>
    %add3A_484 = arith.constant 1.000000e+00 : f32
    %add3A_485 = vector.broadcast %add3A_484 : f32 to vector<64x64xf32>
    %add3A_486 = arith.addf %add3A_485, %mul3A_483 : vector<64x64xf32>
    %div3A_487 = arith.constant 1.000000e+00 : f32
    %div3A_488 = vector.broadcast %div3A_487 : f32 to vector<64x64xf32>
    %div3A_489 = arith.divf %div3A_488, %add3A_486 : vector<64x64xf32>
    %mul3A_490 = arith.constant 1.06140542 : f32
    %mul3A_491 = vector.broadcast %mul3A_490 : f32 to vector<64x64xf32>
    %mul3A_492 = arith.mulf %div3A_489, %mul3A_491 : vector<64x64xf32>
    %add3A_493 = arith.constant -1.45315206 : f32
    %add3A_494 = vector.broadcast %add3A_493 : f32 to vector<64x64xf32>
    %add3A_495 = arith.addf %add3A_494, %mul3A_492 : vector<64x64xf32>
    %mul3A_496 = arith.mulf %div3A_489, %add3A_495 : vector<64x64xf32>
    %add3A_497 = arith.constant 1.42141378 : f32
    %add3A_498 = vector.broadcast %add3A_497 : f32 to vector<64x64xf32>
    %add3A_499 = arith.addf %add3A_498, %mul3A_496 : vector<64x64xf32>
    %mul3A_500 = arith.mulf %div3A_489, %add3A_499 : vector<64x64xf32>
    %add3A_501 = arith.constant -0.284496725 : f32
    %add3A_502 = vector.broadcast %add3A_501 : f32 to vector<64x64xf32>
    %add3A_503 = arith.addf %add3A_502, %mul3A_500 : vector<64x64xf32>
    %mul3A_504 = arith.mulf %div3A_489, %add3A_503 : vector<64x64xf32>
    %add3A_505 = arith.constant 0.254829586 : f32
    %add3A_506 = vector.broadcast %add3A_505 : f32 to vector<64x64xf32>
    %add3A_507 = arith.addf %add3A_506, %mul3A_504 : vector<64x64xf32>
    %mul3A_508 = arith.mulf %div3A_489, %add3A_507 : vector<64x64xf32>
    %neg3A_509 = arith.constant 0.000000e+00 : f32
    %neg3A_510 = vector.broadcast %neg3A_509 : f32 to vector<64x64xf32>
    %neg3A_511 = arith.subf %neg3A_510, %mul3A_480 : vector<64x64xf32>
    %mul3A_512 = arith.mulf %neg3A_511, %mul3A_480 : vector<64x64xf32>
    %exp3A_513 = math.exp %mul3A_512 : vector<64x64xf32>
    %mul3A_514 = arith.mulf %mul3A_508, %exp3A_513 : vector<64x64xf32>
    %sub3A_515 = arith.constant 1.000000e+00 : f32
    %sub3A_516 = vector.broadcast %sub3A_515 : f32 to vector<64x64xf32>
    %sub3A_517 = arith.subf %sub3A_516, %mul3A_514 : vector<64x64xf32>
    %div3A_518 = arith.divf %sub3A_517, %mul3A_459 : vector<64x64xf32>
    %mul3A_519 = arith.mulf %div3A_518, %select_n3A_67 : vector<64x64xf32>
    %swap3A_520 = arith.constant 0 : index
    %swap3A_521 = arith.constant 192 : index
    %swap3A_522 = arith.constant 192 : index
    %swap3A_523 = vector.load %arg26[%swap3A_520, %swap3A_521, %swap3A_522] : memref<2x256x256xf32, #tpu.memory_space<vmem>>, vector<1x64x64xf32>
    %swap3A_524 = vector.shape_cast %swap3A_523 : vector<1x64x64xf32> to vector<64x64xf32>
    %swap3A_525 = vector.shape_cast %mul3A_519 : vector<64x64xf32> to vector<1x64x64xf32>
    tpu.vector_store %arg26[%swap3A_520, %swap3A_521, %swap3A_522], %swap3A_525 {strides = array<i32>} : memref<2x256x256xf32, #tpu.memory_space<vmem>>, vector<1x64x64xf32>,
    %broadcast_in_dim3A_526 = arith.constant 1.000000e-16 : f32
    %broadcast_in_dim3A_527 = vector.broadcast %broadcast_in_dim3A_526 : f32 to vector<64x64xf32>
    %get3A_528 = arith.constant 0 : index
    %get3A_529 = arith.constant 256 : index
    %get3A_530 = arith.constant 0 : index
    %get3A_531 = vector.load %arg3[%get3A_528, %get3A_529, %get3A_530] : memref<1x512x8xf32, #tpu.memory_space<vmem>>, vector<1x64x1xf32>
    %get3A_532 = vector.shape_cast %get3A_531 : vector<1x64x1xf32> to vector<64x1xf32>
    %get3A_533 = arith.constant 0 : index
    %get3A_534 = arith.constant 0 : index
    %get3A_535 = arith.constant 256 : index
    %get3A_536 = vector.load %arg4[%get3A_533, %get3A_534, %get3A_535] : memref<1x8x512xf32, #tpu.memory_space<vmem>>, vector<1x1x64xf32>
    %get3A_537 = vector.shape_cast %get3A_536 : vector<1x1x64xf32> to vector<1x64xf32>
    %sub3A_538 = vector.broadcast %get3A_532 : vector<64x1xf32> to vector<64x64xf32>
    %sub3A_539 = vector.broadcast %get3A_537 : vector<1x64xf32> to vector<64x64xf32>
    %sub3A_540 = arith.subf %sub3A_538, %sub3A_539 : vector<64x64xf32>
    %mul3A_541 = arith.mulf %sub3A_540, %sub3A_540 : vector<64x64xf32>
    %add3A_542 = arith.addf %broadcast_in_dim3A_527, %mul3A_541 : vector<64x64xf32>
    %get3A_543 = arith.constant 0 : index
    %get3A_544 = arith.constant 256 : index
    %get3A_545 = arith.constant 1 : index
    %get3A_546 = vector.load %arg3[%get3A_543, %get3A_544, %get3A_545] : memref<1x512x8xf32, #tpu.memory_space<vmem>>, vector<1x64x1xf32>
    %get3A_547 = vector.shape_cast %get3A_546 : vector<1x64x1xf32> to vector<64x1xf32>
    %get3A_548 = arith.constant 0 : index
    %get3A_549 = arith.constant 1 : index
    %get3A_550 = arith.constant 256 : index
    %get3A_551 = vector.load %arg4[%get3A_548, %get3A_549, %get3A_550] : memref<1x8x512xf32, #tpu.memory_space<vmem>>, vector<1x1x64xf32>
    %get3A_552 = vector.shape_cast %get3A_551 : vector<1x1x64xf32> to vector<1x64xf32>
    %sub3A_553 = vector.broadcast %get3A_547 : vector<64x1xf32> to vector<64x64xf32>
    %sub3A_554 = vector.broadcast %get3A_552 : vector<1x64xf32> to vector<64x64xf32>
    %sub3A_555 = arith.subf %sub3A_553, %sub3A_554 : vector<64x64xf32>
    %mul3A_556 = arith.mulf %sub3A_555, %sub3A_555 : vector<64x64xf32>
    %add3A_557 = arith.addf %add3A_542, %mul3A_556 : vector<64x64xf32>
    %get3A_558 = arith.constant 0 : index
    %get3A_559 = arith.constant 256 : index
    %get3A_560 = arith.constant 2 : index
    %get3A_561 = vector.load %arg3[%get3A_558, %get3A_559, %get3A_560] : memref<1x512x8xf32, #tpu.memory_space<vmem>>, vector<1x64x1xf32>
    %get3A_562 = vector.shape_cast %get3A_561 : vector<1x64x1xf32> to vector<64x1xf32>
    %get3A_563 = arith.constant 0 : index
    %get3A_564 = arith.constant 2 : index
    %get3A_565 = arith.constant 256 : index
    %get3A_566 = vector.load %arg4[%get3A_563, %get3A_564, %get3A_565] : memref<1x8x512xf32, #tpu.memory_space<vmem>>, vector<1x1x64xf32>
    %get3A_567 = vector.shape_cast %get3A_566 : vector<1x1x64xf32> to vector<1x64xf32>
    %sub3A_568 = vector.broadcast %get3A_562 : vector<64x1xf32> to vector<64x64xf32>
    %sub3A_569 = vector.broadcast %get3A_567 : vector<1x64xf32> to vector<64x64xf32>
    %sub3A_570 = arith.subf %sub3A_568, %sub3A_569 : vector<64x64xf32>
    %mul3A_571 = arith.mulf %sub3A_570, %sub3A_570 : vector<64x64xf32>
    %add3A_572 = arith.addf %add3A_557, %mul3A_571 : vector<64x64xf32>
    %sqrt3A_573 = math.sqrt %add3A_572 : vector<64x64xf32>
    %mul3A_574 = arith.constant 1.88972604 : f32
    %mul3A_575 = vector.broadcast %mul3A_574 : f32 to vector<64x64xf32>
    %mul3A_576 = arith.mulf %sqrt3A_573, %mul3A_575 : vector<64x64xf32>
    %neg3A_577 = arith.constant 0.000000e+00 : f32
    %neg3A_578 = vector.broadcast %neg3A_577 : f32 to vector<64x64xf32>
    %neg3A_579 = arith.subf %neg3A_578, %mul3A_576 : vector<64x64xf32>
    %exp3A_580 = math.exp %neg3A_579 : vector<64x64xf32>
    %mul3A_581 = arith.mulf %exp3A_580, %select_n3A_67 : vector<64x64xf32>
    %swap3A_582 = arith.constant 1 : index
    %swap3A_583 = arith.constant 0 : index
    %swap3A_584 = arith.constant 0 : index
    %swap3A_585 = vector.load %arg25[%swap3A_582, %swap3A_583, %swap3A_584] : memref<2x256x256xf32, #tpu.memory_space<vmem>>, vector<1x64x64xf32>
    %swap3A_586 = vector.shape_cast %swap3A_585 : vector<1x64x64xf32> to vector<64x64xf32>
    %swap3A_587 = vector.shape_cast %mul3A_581 : vector<64x64xf32> to vector<1x64x64xf32>
    tpu.vector_store %arg25[%swap3A_582, %swap3A_583, %swap3A_584], %swap3A_587 {strides = array<i32>} : memref<2x256x256xf32, #tpu.memory_space<vmem>>, vector<1x64x64xf32>,
    %slice3A_588 = vector.extract_strided_slice %dot_general3A_18 {offsets = [256, 0], sizes = [64, 1], strides = [1, 1]} : vector<512x1xf32> to vector<64x1xf32>
    %slice3A_589 = vector.extract_strided_slice %select_n3A_59 {offsets = [0, 256], sizes = [1, 64], strides = [1, 1]} : vector<1x512xf32> to vector<1x64xf32>
    %add3A_590 = vector.broadcast %slice3A_588 : vector<64x1xf32> to vector<64x64xf32>
    %add3A_591 = vector.broadcast %slice3A_589 : vector<1x64xf32> to vector<64x64xf32>
    %add3A_592 = arith.addf %add3A_590, %add3A_591 : vector<64x64xf32>
    %mul3A_593 = arith.constant 2.000000e+00 : f32
    %mul3A_594 = vector.broadcast %mul3A_593 : f32 to vector<64x64xf32>
    %mul3A_595 = arith.mulf %mul3A_594, %add3A_592 : vector<64x64xf32>
    %rsqrt3A_596 = math.rsqrt %mul3A_595 : vector<64x64xf32>
    %mul3A_597 = arith.mulf %mul3A_576, %rsqrt3A_596 : vector<64x64xf32>
    %mul3A_598 = arith.constant 0.327591091 : f32
    %mul3A_599 = vector.broadcast %mul3A_598 : f32 to vector<64x64xf32>
    %mul3A_600 = arith.mulf %mul3A_599, %mul3A_597 : vector<64x64xf32>
    %add3A_601 = arith.constant 1.000000e+00 : f32
    %add3A_602 = vector.broadcast %add3A_601 : f32 to vector<64x64xf32>
    %add3A_603 = arith.addf %add3A_602, %mul3A_600 : vector<64x64xf32>
    %div3A_604 = arith.constant 1.000000e+00 : f32
    %div3A_605 = vector.broadcast %div3A_604 : f32 to vector<64x64xf32>
    %div3A_606 = arith.divf %div3A_605, %add3A_603 : vector<64x64xf32>
    %mul3A_607 = arith.constant 1.06140542 : f32
    %mul3A_608 = vector.broadcast %mul3A_607 : f32 to vector<64x64xf32>
    %mul3A_609 = arith.mulf %div3A_606, %mul3A_608 : vector<64x64xf32>
    %add3A_610 = arith.constant -1.45315206 : f32
    %add3A_611 = vector.broadcast %add3A_610 : f32 to vector<64x64xf32>
    %add3A_612 = arith.addf %add3A_611, %mul3A_609 : vector<64x64xf32>
    %mul3A_613 = arith.mulf %div3A_606, %add3A_612 : vector<64x64xf32>
    %add3A_614 = arith.constant 1.42141378 : f32
    %add3A_615 = vector.broadcast %add3A_614 : f32 to vector<64x64xf32>
    %add3A_616 = arith.addf %add3A_615, %mul3A_613 : vector<64x64xf32>
    %mul3A_617 = arith.mulf %div3A_606, %add3A_616 : vector<64x64xf32>
    %add3A_618 = arith.constant -0.284496725 : f32
    %add3A_619 = vector.broadcast %add3A_618 : f32 to vector<64x64xf32>
    %add3A_620 = arith.addf %add3A_619, %mul3A_617 : vector<64x64xf32>
    %mul3A_621 = arith.mulf %div3A_606, %add3A_620 : vector<64x64xf32>
    %add3A_622 = arith.constant 0.254829586 : f32
    %add3A_623 = vector.broadcast %add3A_622 : f32 to vector<64x64xf32>
    %add3A_624 = arith.addf %add3A_623, %mul3A_621 : vector<64x64xf32>
    %mul3A_625 = arith.mulf %div3A_606, %add3A_624 : vector<64x64xf32>
    %neg3A_626 = arith.constant 0.000000e+00 : f32
    %neg3A_627 = vector.broadcast %neg3A_626 : f32 to vector<64x64xf32>
    %neg3A_628 = arith.subf %neg3A_627, %mul3A_597 : vector<64x64xf32>
    %mul3A_629 = arith.mulf %neg3A_628, %mul3A_597 : vector<64x64xf32>
    %exp3A_630 = math.exp %mul3A_629 : vector<64x64xf32>
    %mul3A_631 = arith.mulf %mul3A_625, %exp3A_630 : vector<64x64xf32>
    %sub3A_632 = arith.constant 1.000000e+00 : f32
    %sub3A_633 = vector.broadcast %sub3A_632 : f32 to vector<64x64xf32>
    %sub3A_634 = arith.subf %sub3A_633, %mul3A_631 : vector<64x64xf32>
    %div3A_635 = arith.divf %sub3A_634, %mul3A_576 : vector<64x64xf32>
    %mul3A_636 = arith.mulf %div3A_635, %select_n3A_67 : vector<64x64xf32>
    %swap3A_637 = arith.constant 1 : index
    %swap3A_638 = arith.constant 0 : index
    %swap3A_639 = arith.constant 0 : index
    %swap3A_640 = vector.load %arg26[%swap3A_637, %swap3A_638, %swap3A_639] : memref<2x256x256xf32, #tpu.memory_space<vmem>>, vector<1x64x64xf32>
    %swap3A_641 = vector.shape_cast %swap3A_640 : vector<1x64x64xf32> to vector<64x64xf32>
    %swap3A_642 = vector.shape_cast %mul3A_636 : vector<64x64xf32> to vector<1x64x64xf32>
    tpu.vector_store %arg26[%swap3A_637, %swap3A_638, %swap3A_639], %swap3A_642 {strides = array<i32>} : memref<2x256x256xf32, #tpu.memory_space<vmem>>, vector<1x64x64xf32>,
    %broadcast_in_dim3A_643 = arith.constant 1.000000e-16 : f32
    %broadcast_in_dim3A_644 = vector.broadcast %broadcast_in_dim3A_643 : f32 to vector<64x64xf32>
    %get3A_645 = arith.constant 0 : index
    %get3A_646 = arith.constant 320 : index
    %get3A_647 = arith.constant 0 : index
    %get3A_648 = vector.load %arg3[%get3A_645, %get3A_646, %get3A_647] : memref<1x512x8xf32, #tpu.memory_space<vmem>>, vector<1x64x1xf32>
    %get3A_649 = vector.shape_cast %get3A_648 : vector<1x64x1xf32> to vector<64x1xf32>
    %get3A_650 = arith.constant 0 : index
    %get3A_651 = arith.constant 0 : index
    %get3A_652 = arith.constant 320 : index
    %get3A_653 = vector.load %arg4[%get3A_650, %get3A_651, %get3A_652] : memref<1x8x512xf32, #tpu.memory_space<vmem>>, vector<1x1x64xf32>
    %get3A_654 = vector.shape_cast %get3A_653 : vector<1x1x64xf32> to vector<1x64xf32>
    %sub3A_655 = vector.broadcast %get3A_649 : vector<64x1xf32> to vector<64x64xf32>
    %sub3A_656 = vector.broadcast %get3A_654 : vector<1x64xf32> to vector<64x64xf32>
    %sub3A_657 = arith.subf %sub3A_655, %sub3A_656 : vector<64x64xf32>
    %mul3A_658 = arith.mulf %sub3A_657, %sub3A_657 : vector<64x64xf32>
    %add3A_659 = arith.addf %broadcast_in_dim3A_644, %mul3A_658 : vector<64x64xf32>
    %get3A_660 = arith.constant 0 : index
    %get3A_661 = arith.constant 320 : index
    %get3A_662 = arith.constant 1 : index
    %get3A_663 = vector.load %arg3[%get3A_660, %get3A_661, %get3A_662] : memref<1x512x8xf32, #tpu.memory_space<vmem>>, vector<1x64x1xf32>
    %get3A_664 = vector.shape_cast %get3A_663 : vector<1x64x1xf32> to vector<64x1xf32>
    %get3A_665 = arith.constant 0 : index
    %get3A_666 = arith.constant 1 : index
    %get3A_667 = arith.constant 320 : index
    %get3A_668 = vector.load %arg4[%get3A_665, %get3A_666, %get3A_667] : memref<1x8x512xf32, #tpu.memory_space<vmem>>, vector<1x1x64xf32>
    %get3A_669 = vector.shape_cast %get3A_668 : vector<1x1x64xf32> to vector<1x64xf32>
    %sub3A_670 = vector.broadcast %get3A_664 : vector<64x1xf32> to vector<64x64xf32>
    %sub3A_671 = vector.broadcast %get3A_669 : vector<1x64xf32> to vector<64x64xf32>
    %sub3A_672 = arith.subf %sub3A_670, %sub3A_671 : vector<64x64xf32>
    %mul3A_673 = arith.mulf %sub3A_672, %sub3A_672 : vector<64x64xf32>
    %add3A_674 = arith.addf %add3A_659, %mul3A_673 : vector<64x64xf32>
    %get3A_675 = arith.constant 0 : index
    %get3A_676 = arith.constant 320 : index
    %get3A_677 = arith.constant 2 : index
    %get3A_678 = vector.load %arg3[%get3A_675, %get3A_676, %get3A_677] : memref<1x512x8xf32, #tpu.memory_space<vmem>>, vector<1x64x1xf32>
    %get3A_679 = vector.shape_cast %get3A_678 : vector<1x64x1xf32> to vector<64x1xf32>
    %get3A_680 = arith.constant 0 : index
    %get3A_681 = arith.constant 2 : index
    %get3A_682 = arith.constant 320 : index
    %get3A_683 = vector.load %arg4[%get3A_680, %get3A_681, %get3A_682] : memref<1x8x512xf32, #tpu.memory_space<vmem>>, vector<1x1x64xf32>
    %get3A_684 = vector.shape_cast %get3A_683 : vector<1x1x64xf32> to vector<1x64xf32>
    %sub3A_685 = vector.broadcast %get3A_679 : vector<64x1xf32> to vector<64x64xf32>
    %sub3A_686 = vector.broadcast %get3A_684 : vector<1x64xf32> to vector<64x64xf32>
    %sub3A_687 = arith.subf %sub3A_685, %sub3A_686 : vector<64x64xf32>
    %mul3A_688 = arith.mulf %sub3A_687, %sub3A_687 : vector<64x64xf32>
    %add3A_689 = arith.addf %add3A_674, %mul3A_688 : vector<64x64xf32>
    %sqrt3A_690 = math.sqrt %add3A_689 : vector<64x64xf32>
    %mul3A_691 = arith.constant 1.88972604 : f32
    %mul3A_692 = vector.broadcast %mul3A_691 : f32 to vector<64x64xf32>
    %mul3A_693 = arith.mulf %sqrt3A_690, %mul3A_692 : vector<64x64xf32>
    %neg3A_694 = arith.constant 0.000000e+00 : f32
    %neg3A_695 = vector.broadcast %neg3A_694 : f32 to vector<64x64xf32>
    %neg3A_696 = arith.subf %neg3A_695, %mul3A_693 : vector<64x64xf32>
    %exp3A_697 = math.exp %neg3A_696 : vector<64x64xf32>
    %mul3A_698 = arith.mulf %exp3A_697, %select_n3A_67 : vector<64x64xf32>
    %swap3A_699 = arith.constant 1 : index
    %swap3A_700 = arith.constant 64 : index
    %swap3A_701 = arith.constant 64 : index
    %swap3A_702 = vector.load %arg25[%swap3A_699, %swap3A_700, %swap3A_701] : memref<2x256x256xf32, #tpu.memory_space<vmem>>, vector<1x64x64xf32>
    %swap3A_703 = vector.shape_cast %swap3A_702 : vector<1x64x64xf32> to vector<64x64xf32>
    %swap3A_704 = vector.shape_cast %mul3A_698 : vector<64x64xf32> to vector<1x64x64xf32>
    tpu.vector_store %arg25[%swap3A_699, %swap3A_700, %swap3A_701], %swap3A_704 {strides = array<i32>} : memref<2x256x256xf32, #tpu.memory_space<vmem>>, vector<1x64x64xf32>,
    %slice3A_705 = vector.extract_strided_slice %dot_general3A_18 {offsets = [320, 0], sizes = [64, 1], strides = [1, 1]} : vector<512x1xf32> to vector<64x1xf32>
    %slice3A_706 = vector.extract_strided_slice %select_n3A_59 {offsets = [0, 320], sizes = [1, 64], strides = [1, 1]} : vector<1x512xf32> to vector<1x64xf32>
    %add3A_707 = vector.broadcast %slice3A_705 : vector<64x1xf32> to vector<64x64xf32>
    %add3A_708 = vector.broadcast %slice3A_706 : vector<1x64xf32> to vector<64x64xf32>
    %add3A_709 = arith.addf %add3A_707, %add3A_708 : vector<64x64xf32>
    %mul3A_710 = arith.constant 2.000000e+00 : f32
    %mul3A_711 = vector.broadcast %mul3A_710 : f32 to vector<64x64xf32>
    %mul3A_712 = arith.mulf %mul3A_711, %add3A_709 : vector<64x64xf32>
    %rsqrt3A_713 = math.rsqrt %mul3A_712 : vector<64x64xf32>
    %mul3A_714 = arith.mulf %mul3A_693, %rsqrt3A_713 : vector<64x64xf32>
    %mul3A_715 = arith.constant 0.327591091 : f32
    %mul3A_716 = vector.broadcast %mul3A_715 : f32 to vector<64x64xf32>
    %mul3A_717 = arith.mulf %mul3A_716, %mul3A_714 : vector<64x64xf32>
    %add3A_718 = arith.constant 1.000000e+00 : f32
    %add3A_719 = vector.broadcast %add3A_718 : f32 to vector<64x64xf32>
    %add3A_720 = arith.addf %add3A_719, %mul3A_717 : vector<64x64xf32>
    %div3A_721 = arith.constant 1.000000e+00 : f32
    %div3A_722 = vector.broadcast %div3A_721 : f32 to vector<64x64xf32>
    %div3A_723 = arith.divf %div3A_722, %add3A_720 : vector<64x64xf32>
    %mul3A_724 = arith.constant 1.06140542 : f32
    %mul3A_725 = vector.broadcast %mul3A_724 : f32 to vector<64x64xf32>
    %mul3A_726 = arith.mulf %div3A_723, %mul3A_725 : vector<64x64xf32>
    %add3A_727 = arith.constant -1.45315206 : f32
    %add3A_728 = vector.broadcast %add3A_727 : f32 to vector<64x64xf32>
    %add3A_729 = arith.addf %add3A_728, %mul3A_726 : vector<64x64xf32>
    %mul3A_730 = arith.mulf %div3A_723, %add3A_729 : vector<64x64xf32>
    %add3A_731 = arith.constant 1.42141378 : f32
    %add3A_732 = vector.broadcast %add3A_731 : f32 to vector<64x64xf32>
    %add3A_733 = arith.addf %add3A_732, %mul3A_730 : vector<64x64xf32>
    %mul3A_734 = arith.mulf %div3A_723, %add3A_733 : vector<64x64xf32>
    %add3A_735 = arith.constant -0.284496725 : f32
    %add3A_736 = vector.broadcast %add3A_735 : f32 to vector<64x64xf32>
    %add3A_737 = arith.addf %add3A_736, %mul3A_734 : vector<64x64xf32>
    %mul3A_738 = arith.mulf %div3A_723, %add3A_737 : vector<64x64xf32>
    %add3A_739 = arith.constant 0.254829586 : f32
    %add3A_740 = vector.broadcast %add3A_739 : f32 to vector<64x64xf32>
    %add3A_741 = arith.addf %add3A_740, %mul3A_738 : vector<64x64xf32>
    %mul3A_742 = arith.mulf %div3A_723, %add3A_741 : vector<64x64xf32>
    %neg3A_743 = arith.constant 0.000000e+00 : f32
    %neg3A_744 = vector.broadcast %neg3A_743 : f32 to vector<64x64xf32>
    %neg3A_745 = arith.subf %neg3A_744, %mul3A_714 : vector<64x64xf32>
    %mul3A_746 = arith.mulf %neg3A_745, %mul3A_714 : vector<64x64xf32>
    %exp3A_747 = math.exp %mul3A_746 : vector<64x64xf32>
    %mul3A_748 = arith.mulf %mul3A_742, %exp3A_747 : vector<64x64xf32>
    %sub3A_749 = arith.constant 1.000000e+00 : f32
    %sub3A_750 = vector.broadcast %sub3A_749 : f32 to vector<64x64xf32>
    %sub3A_751 = arith.subf %sub3A_750, %mul3A_748 : vector<64x64xf32>
    %div3A_752 = arith.divf %sub3A_751, %mul3A_693 : vector<64x64xf32>
    %mul3A_753 = arith.mulf %div3A_752, %select_n3A_67 : vector<64x64xf32>
    %swap3A_754 = arith.constant 1 : index
    %swap3A_755 = arith.constant 64 : index
    %swap3A_756 = arith.constant 64 : index
    %swap3A_757 = vector.load %arg26[%swap3A_754, %swap3A_755, %swap3A_756] : memref<2x256x256xf32, #tpu.memory_space<vmem>>, vector<1x64x64xf32>
    %swap3A_758 = vector.shape_cast %swap3A_757 : vector<1x64x64xf32> to vector<64x64xf32>
    %swap3A_759 = vector.shape_cast %mul3A_753 : vector<64x64xf32> to vector<1x64x64xf32>
    tpu.vector_store %arg26[%swap3A_754, %swap3A_755, %swap3A_756], %swap3A_759 {strides = array<i32>} : memref<2x256x256xf32, #tpu.memory_space<vmem>>, vector<1x64x64xf32>,
    %broadcast_in_dim3A_760 = arith.constant 1.000000e-16 : f32
    %broadcast_in_dim3A_761 = vector.broadcast %broadcast_in_dim3A_760 : f32 to vector<64x64xf32>
    %get3A_762 = arith.constant 0 : index
    %get3A_763 = arith.constant 384 : index
    %get3A_764 = arith.constant 0 : index
    %get3A_765 = vector.load %arg3[%get3A_762, %get3A_763, %get3A_764] : memref<1x512x8xf32, #tpu.memory_space<vmem>>, vector<1x64x1xf32>
    %get3A_766 = vector.shape_cast %get3A_765 : vector<1x64x1xf32> to vector<64x1xf32>
    %get3A_767 = arith.constant 0 : index
    %get3A_768 = arith.constant 0 : index
    %get3A_769 = arith.constant 384 : index
    %get3A_770 = vector.load %arg4[%get3A_767, %get3A_768, %get3A_769] : memref<1x8x512xf32, #tpu.memory_space<vmem>>, vector<1x1x64xf32>
    %get3A_771 = vector.shape_cast %get3A_770 : vector<1x1x64xf32> to vector<1x64xf32>
    %sub3A_772 = vector.broadcast %get3A_766 : vector<64x1xf32> to vector<64x64xf32>
    %sub3A_773 = vector.broadcast %get3A_771 : vector<1x64xf32> to vector<64x64xf32>
    %sub3A_774 = arith.subf %sub3A_772, %sub3A_773 : vector<64x64xf32>
    %mul3A_775 = arith.mulf %sub3A_774, %sub3A_774 : vector<64x64xf32>
    %add3A_776 = arith.addf %broadcast_in_dim3A_761, %mul3A_775 : vector<64x64xf32>
    %get3A_777 = arith.constant 0 : index
    %get3A_778 = arith.constant 384 : index
    %get3A_779 = arith.constant 1 : index
    %get3A_780 = vector.load %arg3[%get3A_777, %get3A_778, %get3A_779] : memref<1x512x8xf32, #tpu.memory_space<vmem>>, vector<1x64x1xf32>
    %get3A_781 = vector.shape_cast %get3A_780 : vector<1x64x1xf32> to vector<64x1xf32>
    %get3A_782 = arith.constant 0 : index
    %get3A_783 = arith.constant 1 : index
    %get3A_784 = arith.constant 384 : index
    %get3A_785 = vector.load %arg4[%get3A_782, %get3A_783, %get3A_784] : memref<1x8x512xf32, #tpu.memory_space<vmem>>, vector<1x1x64xf32>
    %get3A_786 = vector.shape_cast %get3A_785 : vector<1x1x64xf32> to vector<1x64xf32>
    %sub3A_787 = vector.broadcast %get3A_781 : vector<64x1xf32> to vector<64x64xf32>
    %sub3A_788 = vector.broadcast %get3A_786 : vector<1x64xf32> to vector<64x64xf32>
    %sub3A_789 = arith.subf %sub3A_787, %sub3A_788 : vector<64x64xf32>
    %mul3A_790 = arith.mulf %sub3A_789, %sub3A_789 : vector<64x64xf32>
    %add3A_791 = arith.addf %add3A_776, %mul3A_790 : vector<64x64xf32>
    %get3A_792 = arith.constant 0 : index
    %get3A_793 = arith.constant 384 : index
    %get3A_794 = arith.constant 2 : index
    %get3A_795 = vector.load %arg3[%get3A_792, %get3A_793, %get3A_794] : memref<1x512x8xf32, #tpu.memory_space<vmem>>, vector<1x64x1xf32>
    %get3A_796 = vector.shape_cast %get3A_795 : vector<1x64x1xf32> to vector<64x1xf32>
    %get3A_797 = arith.constant 0 : index
    %get3A_798 = arith.constant 2 : index
    %get3A_799 = arith.constant 384 : index
    %get3A_800 = vector.load %arg4[%get3A_797, %get3A_798, %get3A_799] : memref<1x8x512xf32, #tpu.memory_space<vmem>>, vector<1x1x64xf32>
    %get3A_801 = vector.shape_cast %get3A_800 : vector<1x1x64xf32> to vector<1x64xf32>
    %sub3A_802 = vector.broadcast %get3A_796 : vector<64x1xf32> to vector<64x64xf32>
    %sub3A_803 = vector.broadcast %get3A_801 : vector<1x64xf32> to vector<64x64xf32>
    %sub3A_804 = arith.subf %sub3A_802, %sub3A_803 : vector<64x64xf32>
    %mul3A_805 = arith.mulf %sub3A_804, %sub3A_804 : vector<64x64xf32>
    %add3A_806 = arith.addf %add3A_791, %mul3A_805 : vector<64x64xf32>
    %sqrt3A_807 = math.sqrt %add3A_806 : vector<64x64xf32>
    %mul3A_808 = arith.constant 1.88972604 : f32
    %mul3A_809 = vector.broadcast %mul3A_808 : f32 to vector<64x64xf32>
    %mul3A_810 = arith.mulf %sqrt3A_807, %mul3A_809 : vector<64x64xf32>
    %neg3A_811 = arith.constant 0.000000e+00 : f32
    %neg3A_812 = vector.broadcast %neg3A_811 : f32 to vector<64x64xf32>
    %neg3A_813 = arith.subf %neg3A_812, %mul3A_810 : vector<64x64xf32>
    %exp3A_814 = math.exp %neg3A_813 : vector<64x64xf32>
    %mul3A_815 = arith.mulf %exp3A_814, %select_n3A_67 : vector<64x64xf32>
    %swap3A_816 = arith.constant 1 : index
    %swap3A_817 = arith.constant 128 : index
    %swap3A_818 = arith.constant 128 : index
    %swap3A_819 = vector.load %arg25[%swap3A_816, %swap3A_817, %swap3A_818] : memref<2x256x256xf32, #tpu.memory_space<vmem>>, vector<1x64x64xf32>
    %swap3A_820 = vector.shape_cast %swap3A_819 : vector<1x64x64xf32> to vector<64x64xf32>
    %swap3A_821 = vector.shape_cast %mul3A_815 : vector<64x64xf32> to vector<1x64x64xf32>
    tpu.vector_store %arg25[%swap3A_816, %swap3A_817, %swap3A_818], %swap3A_821 {strides = array<i32>} : memref<2x256x256xf32, #tpu.memory_space<vmem>>, vector<1x64x64xf32>,
    %slice3A_822 = vector.extract_strided_slice %dot_general3A_18 {offsets = [384, 0], sizes = [64, 1], strides = [1, 1]} : vector<512x1xf32> to vector<64x1xf32>
    %slice3A_823 = vector.extract_strided_slice %select_n3A_59 {offsets = [0, 384], sizes = [1, 64], strides = [1, 1]} : vector<1x512xf32> to vector<1x64xf32>
    %add3A_824 = vector.broadcast %slice3A_822 : vector<64x1xf32> to vector<64x64xf32>
    %add3A_825 = vector.broadcast %slice3A_823 : vector<1x64xf32> to vector<64x64xf32>
    %add3A_826 = arith.addf %add3A_824, %add3A_825 : vector<64x64xf32>
    %mul3A_827 = arith.constant 2.000000e+00 : f32
    %mul3A_828 = vector.broadcast %mul3A_827 : f32 to vector<64x64xf32>
    %mul3A_829 = arith.mulf %mul3A_828, %add3A_826 : vector<64x64xf32>
    %rsqrt3A_830 = math.rsqrt %mul3A_829 : vector<64x64xf32>
    %mul3A_831 = arith.mulf %mul3A_810, %rsqrt3A_830 : vector<64x64xf32>
    %mul3A_832 = arith.constant 0.327591091 : f32
    %mul3A_833 = vector.broadcast %mul3A_832 : f32 to vector<64x64xf32>
    %mul3A_834 = arith.mulf %mul3A_833, %mul3A_831 : vector<64x64xf32>
    %add3A_835 = arith.constant 1.000000e+00 : f32
    %add3A_836 = vector.broadcast %add3A_835 : f32 to vector<64x64xf32>
    %add3A_837 = arith.addf %add3A_836, %mul3A_834 : vector<64x64xf32>
    %div3A_838 = arith.constant 1.000000e+00 : f32
    %div3A_839 = vector.broadcast %div3A_838 : f32 to vector<64x64xf32>
    %div3A_840 = arith.divf %div3A_839, %add3A_837 : vector<64x64xf32>
    %mul3A_841 = arith.constant 1.06140542 : f32
    %mul3A_842 = vector.broadcast %mul3A_841 : f32 to vector<64x64xf32>
    %mul3A_843 = arith.mulf %div3A_840, %mul3A_842 : vector<64x64xf32>
    %add3A_844 = arith.constant -1.45315206 : f32
    %add3A_845 = vector.broadcast %add3A_844 : f32 to vector<64x64xf32>
    %add3A_846 = arith.addf %add3A_845, %mul3A_843 : vector<64x64xf32>
    %mul3A_847 = arith.mulf %div3A_840, %add3A_846 : vector<64x64xf32>
    %add3A_848 = arith.constant 1.42141378 : f32
    %add3A_849 = vector.broadcast %add3A_848 : f32 to vector<64x64xf32>
    %add3A_850 = arith.addf %add3A_849, %mul3A_847 : vector<64x64xf32>
    %mul3A_851 = arith.mulf %div3A_840, %add3A_850 : vector<64x64xf32>
    %add3A_852 = arith.constant -0.284496725 : f32
    %add3A_853 = vector.broadcast %add3A_852 : f32 to vector<64x64xf32>
    %add3A_854 = arith.addf %add3A_853, %mul3A_851 : vector<64x64xf32>
    %mul3A_855 = arith.mulf %div3A_840, %add3A_854 : vector<64x64xf32>
    %add3A_856 = arith.constant 0.254829586 : f32
    %add3A_857 = vector.broadcast %add3A_856 : f32 to vector<64x64xf32>
    %add3A_858 = arith.addf %add3A_857, %mul3A_855 : vector<64x64xf32>
    %mul3A_859 = arith.mulf %div3A_840, %add3A_858 : vector<64x64xf32>
    %neg3A_860 = arith.constant 0.000000e+00 : f32
    %neg3A_861 = vector.broadcast %neg3A_860 : f32 to vector<64x64xf32>
    %neg3A_862 = arith.subf %neg3A_861, %mul3A_831 : vector<64x64xf32>
    %mul3A_863 = arith.mulf %neg3A_862, %mul3A_831 : vector<64x64xf32>
    %exp3A_864 = math.exp %mul3A_863 : vector<64x64xf32>
    %mul3A_865 = arith.mulf %mul3A_859, %exp3A_864 : vector<64x64xf32>
    %sub3A_866 = arith.constant 1.000000e+00 : f32
    %sub3A_867 = vector.broadcast %sub3A_866 : f32 to vector<64x64xf32>
    %sub3A_868 = arith.subf %sub3A_867, %mul3A_865 : vector<64x64xf32>
    %div3A_869 = arith.divf %sub3A_868, %mul3A_810 : vector<64x64xf32>
    %mul3A_870 = arith.mulf %div3A_869, %select_n3A_67 : vector<64x64xf32>
    %swap3A_871 = arith.constant 1 : index
    %swap3A_872 = arith.constant 128 : index
    %swap3A_873 = arith.constant 128 : index
    %swap3A_874 = vector.load %arg26[%swap3A_871, %swap3A_872, %swap3A_873] : memref<2x256x256xf32, #tpu.memory_space<vmem>>, vector<1x64x64xf32>
    %swap3A_875 = vector.shape_cast %swap3A_874 : vector<1x64x64xf32> to vector<64x64xf32>
    %swap3A_876 = vector.shape_cast %mul3A_870 : vector<64x64xf32> to vector<1x64x64xf32>
    tpu.vector_store %arg26[%swap3A_871, %swap3A_872, %swap3A_873], %swap3A_876 {strides = array<i32>} : memref<2x256x256xf32, #tpu.memory_space<vmem>>, vector<1x64x64xf32>,
    %broadcast_in_dim3A_877 = arith.constant 1.000000e-16 : f32
    %broadcast_in_dim3A_878 = vector.broadcast %broadcast_in_dim3A_877 : f32 to vector<64x64xf32>
    %get3A_879 = arith.constant 0 : index
    %get3A_880 = arith.constant 448 : index
    %get3A_881 = arith.constant 0 : index
    %get3A_882 = vector.load %arg3[%get3A_879, %get3A_880, %get3A_881] : memref<1x512x8xf32, #tpu.memory_space<vmem>>, vector<1x64x1xf32>
    %get3A_883 = vector.shape_cast %get3A_882 : vector<1x64x1xf32> to vector<64x1xf32>
    %get3A_884 = arith.constant 0 : index
    %get3A_885 = arith.constant 0 : index
    %get3A_886 = arith.constant 448 : index
    %get3A_887 = vector.load %arg4[%get3A_884, %get3A_885, %get3A_886] : memref<1x8x512xf32, #tpu.memory_space<vmem>>, vector<1x1x64xf32>
    %get3A_888 = vector.shape_cast %get3A_887 : vector<1x1x64xf32> to vector<1x64xf32>
    %sub3A_889 = vector.broadcast %get3A_883 : vector<64x1xf32> to vector<64x64xf32>
    %sub3A_890 = vector.broadcast %get3A_888 : vector<1x64xf32> to vector<64x64xf32>
    %sub3A_891 = arith.subf %sub3A_889, %sub3A_890 : vector<64x64xf32>
    %mul3A_892 = arith.mulf %sub3A_891, %sub3A_891 : vector<64x64xf32>
    %add3A_893 = arith.addf %broadcast_in_dim3A_878, %mul3A_892 : vector<64x64xf32>
    %get3A_894 = arith.constant 0 : index
    %get3A_895 = arith.constant 448 : index
    %get3A_896 = arith.constant 1 : index
    %get3A_897 = vector.load %arg3[%get3A_894, %get3A_895, %get3A_896] : memref<1x512x8xf32, #tpu.memory_space<vmem>>, vector<1x64x1xf32>
    %get3A_898 = vector.shape_cast %get3A_897 : vector<1x64x1xf32> to vector<64x1xf32>
    %get3A_899 = arith.constant 0 : index
    %get3A_900 = arith.constant 1 : index
    %get3A_901 = arith.constant 448 : index
    %get3A_902 = vector.load %arg4[%get3A_899, %get3A_900, %get3A_901] : memref<1x8x512xf32, #tpu.memory_space<vmem>>, vector<1x1x64xf32>
    %get3A_903 = vector.shape_cast %get3A_902 : vector<1x1x64xf32> to vector<1x64xf32>
    %sub3A_904 = vector.broadcast %get3A_898 : vector<64x1xf32> to vector<64x64xf32>
    %sub3A_905 = vector.broadcast %get3A_903 : vector<1x64xf32> to vector<64x64xf32>
    %sub3A_906 = arith.subf %sub3A_904, %sub3A_905 : vector<64x64xf32>
    %mul3A_907 = arith.mulf %sub3A_906, %sub3A_906 : vector<64x64xf32>
    %add3A_908 = arith.addf %add3A_893, %mul3A_907 : vector<64x64xf32>
    %get3A_909 = arith.constant 0 : index
    %get3A_910 = arith.constant 448 : index
    %get3A_911 = arith.constant 2 : index
    %get3A_912 = vector.load %arg3[%get3A_909, %get3A_910, %get3A_911] : memref<1x512x8xf32, #tpu.memory_space<vmem>>, vector<1x64x1xf32>
    %get3A_913 = vector.shape_cast %get3A_912 : vector<1x64x1xf32> to vector<64x1xf32>
    %get3A_914 = arith.constant 0 : index
    %get3A_915 = arith.constant 2 : index
    %get3A_916 = arith.constant 448 : index
    %get3A_917 = vector.load %arg4[%get3A_914, %get3A_915, %get3A_916] : memref<1x8x512xf32, #tpu.memory_space<vmem>>, vector<1x1x64xf32>
    %get3A_918 = vector.shape_cast %get3A_917 : vector<1x1x64xf32> to vector<1x64xf32>
    %sub3A_919 = vector.broadcast %get3A_913 : vector<64x1xf32> to vector<64x64xf32>
    %sub3A_920 = vector.broadcast %get3A_918 : vector<1x64xf32> to vector<64x64xf32>
    %sub3A_921 = arith.subf %sub3A_919, %sub3A_920 : vector<64x64xf32>
    %mul3A_922 = arith.mulf %sub3A_921, %sub3A_921 : vector<64x64xf32>
    %add3A_923 = arith.addf %add3A_908, %mul3A_922 : vector<64x64xf32>
    %sqrt3A_924 = math.sqrt %add3A_923 : vector<64x64xf32>
    %mul3A_925 = arith.constant 1.88972604 : f32
    %mul3A_926 = vector.broadcast %mul3A_925 : f32 to vector<64x64xf32>
    %mul3A_927 = arith.mulf %sqrt3A_924, %mul3A_926 : vector<64x64xf32>
    %neg3A_928 = arith.constant 0.000000e+00 : f32
    %neg3A_929 = vector.broadcast %neg3A_928 : f32 to vector<64x64xf32>
    %neg3A_930 = arith.subf %neg3A_929, %mul3A_927 : vector<64x64xf32>
    %exp3A_931 = math.exp %neg3A_930 : vector<64x64xf32>
    %mul3A_932 = arith.mulf %exp3A_931, %select_n3A_67 : vector<64x64xf32>
    %swap3A_933 = arith.constant 1 : index
    %swap3A_934 = arith.constant 192 : index
    %swap3A_935 = arith.constant 192 : index
    %swap3A_936 = vector.load %arg25[%swap3A_933, %swap3A_934, %swap3A_935] : memref<2x256x256xf32, #tpu.memory_space<vmem>>, vector<1x64x64xf32>
    %swap3A_937 = vector.shape_cast %swap3A_936 : vector<1x64x64xf32> to vector<64x64xf32>
    %swap3A_938 = vector.shape_cast %mul3A_932 : vector<64x64xf32> to vector<1x64x64xf32>
    tpu.vector_store %arg25[%swap3A_933, %swap3A_934, %swap3A_935], %swap3A_938 {strides = array<i32>} : memref<2x256x256xf32, #tpu.memory_space<vmem>>, vector<1x64x64xf32>,
    %slice3A_939 = vector.extract_strided_slice %dot_general3A_18 {offsets = [448, 0], sizes = [64, 1], strides = [1, 1]} : vector<512x1xf32> to vector<64x1xf32>
    %slice3A_940 = vector.extract_strided_slice %select_n3A_59 {offsets = [0, 448], sizes = [1, 64], strides = [1, 1]} : vector<1x512xf32> to vector<1x64xf32>
    %add3A_941 = vector.broadcast %slice3A_939 : vector<64x1xf32> to vector<64x64xf32>
    %add3A_942 = vector.broadcast %slice3A_940 : vector<1x64xf32> to vector<64x64xf32>
    %add3A_943 = arith.addf %add3A_941, %add3A_942 : vector<64x64xf32>
    %mul3A_944 = arith.constant 2.000000e+00 : f32
    %mul3A_945 = vector.broadcast %mul3A_944 : f32 to vector<64x64xf32>
    %mul3A_946 = arith.mulf %mul3A_945, %add3A_943 : vector<64x64xf32>
    %rsqrt3A_947 = math.rsqrt %mul3A_946 : vector<64x64xf32>
    %mul3A_948 = arith.mulf %mul3A_927, %rsqrt3A_947 : vector<64x64xf32>
    %mul3A_949 = arith.constant 0.327591091 : f32
    %mul3A_950 = vector.broadcast %mul3A_949 : f32 to vector<64x64xf32>
    %mul3A_951 = arith.mulf %mul3A_950, %mul3A_948 : vector<64x64xf32>
    %add3A_952 = arith.constant 1.000000e+00 : f32
    %add3A_953 = vector.broadcast %add3A_952 : f32 to vector<64x64xf32>
    %add3A_954 = arith.addf %add3A_953, %mul3A_951 : vector<64x64xf32>
    %div3A_955 = arith.constant 1.000000e+00 : f32
    %div3A_956 = vector.broadcast %div3A_955 : f32 to vector<64x64xf32>
    %div3A_957 = arith.divf %div3A_956, %add3A_954 : vector<64x64xf32>
    %mul3A_958 = arith.constant 1.06140542 : f32
    %mul3A_959 = vector.broadcast %mul3A_958 : f32 to vector<64x64xf32>
    %mul3A_960 = arith.mulf %div3A_957, %mul3A_959 : vector<64x64xf32>
    %add3A_961 = arith.constant -1.45315206 : f32
    %add3A_962 = vector.broadcast %add3A_961 : f32 to vector<64x64xf32>
    %add3A_963 = arith.addf %add3A_962, %mul3A_960 : vector<64x64xf32>
    %mul3A_964 = arith.mulf %div3A_957, %add3A_963 : vector<64x64xf32>
    %add3A_965 = arith.constant 1.42141378 : f32
    %add3A_966 = vector.broadcast %add3A_965 : f32 to vector<64x64xf32>
    %add3A_967 = arith.addf %add3A_966, %mul3A_964 : vector<64x64xf32>
    %mul3A_968 = arith.mulf %div3A_957, %add3A_967 : vector<64x64xf32>
    %add3A_969 = arith.constant -0.284496725 : f32
    %add3A_970 = vector.broadcast %add3A_969 : f32 to vector<64x64xf32>
    %add3A_971 = arith.addf %add3A_970, %mul3A_968 : vector<64x64xf32>
    %mul3A_972 = arith.mulf %div3A_957, %add3A_971 : vector<64x64xf32>
    %add3A_973 = arith.constant 0.254829586 : f32
    %add3A_974 = vector.broadcast %add3A_973 : f32 to vector<64x64xf32>
    %add3A_975 = arith.addf %add3A_974, %mul3A_972 : vector<64x64xf32>
    %mul3A_976 = arith.mulf %div3A_957, %add3A_975 : vector<64x64xf32>
    %neg3A_977 = arith.constant 0.000000e+00 : f32
    %neg3A_978 = vector.broadcast %neg3A_977 : f32 to vector<64x64xf32>
    %neg3A_979 = arith.subf %neg3A_978, %mul3A_948 : vector<64x64xf32>
    %mul3A_980 = arith.mulf %neg3A_979, %mul3A_948 : vector<64x64xf32>
    %exp3A_981 = math.exp %mul3A_980 : vector<64x64xf32>
    %mul3A_982 = arith.mulf %mul3A_976, %exp3A_981 : vector<64x64xf32>
    %sub3A_983 = arith.constant 1.000000e+00 : f32
    %sub3A_984 = vector.broadcast %sub3A_983 : f32 to vector<64x64xf32>
    %sub3A_985 = arith.subf %sub3A_984, %mul3A_982 : vector<64x64xf32>
    %div3A_986 = arith.divf %sub3A_985, %mul3A_927 : vector<64x64xf32>
    %mul3A_987 = arith.mulf %div3A_986, %select_n3A_67 : vector<64x64xf32>
    %swap3A_988 = arith.constant 1 : index
    %swap3A_989 = arith.constant 192 : index
    %swap3A_990 = arith.constant 192 : index
    %swap3A_991 = vector.load %arg26[%swap3A_988, %swap3A_989, %swap3A_990] : memref<2x256x256xf32, #tpu.memory_space<vmem>>, vector<1x64x64xf32>
    %swap3A_992 = vector.shape_cast %swap3A_991 : vector<1x64x64xf32> to vector<64x64xf32>
    %swap3A_993 = vector.shape_cast %mul3A_987 : vector<64x64xf32> to vector<1x64x64xf32>
    tpu.vector_store %arg26[%swap3A_988, %swap3A_989, %swap3A_990], %swap3A_993 {strides = array<i32>} : memref<2x256x256xf32, #tpu.memory_space<vmem>>, vector<1x64x64xf32>,
    %iota3A_994 = tpu.iota {dimensions = array<i32: 0>} : vector<512x512xi32>
    %iota3A_995 = tpu.iota {dimensions = array<i32: 1>} : vector<512x512xi32>
    %lt3A = arith.cmpi slt, %iota3A_995, %iota3A_994 : vector<512x512xi32>
    %jit3A_996 = arith.constant 1.000000e+00 : f32
    %jit3A_997 = arith.constant 0.000000e+00 : f32
    %broadcast_in_dim3A_998 = vector.broadcast %jit3A_996 : f32 to vector<512x512xf32>
    %broadcast_in_dim3A_999 = vector.broadcast %jit3A_997 : f32 to vector<512x512xf32>
    %select_n3A_1000 = arith.select %lt3A, %broadcast_in_dim3A_998, %broadcast_in_dim3A_999 : vector<512x512xi1>, vector<512x512xf32>
    %get3A_1001 = arith.constant 0 : index
    %get3A_1002 = arith.constant 0 : index
    %get3A_1003 = vector.load %arg27[%get3A_1001, %get3A_1002] : memref<1x8xf32, #tpu.memory_space<vmem>>, vector<1x8xf32>
    %dot_general3A_1004 = arith.constant dense<0.000000e+00> : vector<512x8xf32>
    %dot_general3A_1005 = tpu.matmul %select_n3A_1000, %convert_element_type3A_14, %dot_general3A_1004 {dimension_numbers = #tpu.dot_dimension_numbers<[1], [0], [0], [1], [0, 0, 1, 1], [], []>, transpose_lhs_hint = false} : vector<512x512xf32>, vector<512x8xf32>, vector<512x8xf32> -> vector<512x8xf32>
    %add3A_1006 = vector.broadcast %get3A_1003 : vector<1x8xf32> to vector<512x8xf32>
    %add3A_1007 = arith.addf %dot_general3A_1005, %add3A_1006 : vector<512x8xf32>
    %mul3A_1008 = arith.mulf %add3A_1007, %convert_element_type3A_14 : vector<512x8xf32>
    %reduce_sum3A = arith.constant dense<0.000000e+00> : vector<512xf32>
    %reduce_sum3A_1009 = vector.multi_reduction <add>, %mul3A_1008, %reduce_sum3A [1] : vector<512x8xf32> to vector<512xf32>
    %broadcast_in_dim3A_1010 = vector.shape_cast %reduce_sum3A_1009 : vector<512xf32> to vector<512x1xf32>
    %convert_element_type3A_1011 = arith.fptosi %broadcast_in_dim3A_1010 : vector<512x1xf32> to vector<512x1xi32>
    %swap3A_1012 = arith.constant 0 : index
    %swap3A_1013 = arith.constant 0 : index
    %swap3A_1014 = arith.constant 0 : index
    %swap3A_1015 = vector.load %arg23[%swap3A_1012, %swap3A_1013, %swap3A_1014] : memref<1x512x1xi32, #tpu.memory_space<vmem>>, vector<1x512x1xi32>
    %swap3A_1016 = vector.shape_cast %swap3A_1015 : vector<1x512x1xi32> to vector<512x1xi32>
    %swap3A_1017 = vector.shape_cast %convert_element_type3A_1011 : vector<512x1xi32> to vector<1x512x1xi32>
    tpu.vector_store %arg23[%swap3A_1012, %swap3A_1013, %swap3A_1014], %swap3A_1017 {strides = array<i32>} : memref<1x512x1xi32, #tpu.memory_space<vmem>>, vector<1x512x1xi32>,
    %reduce_sum3A_1018 = arith.constant dense<0.000000e+00> : vector<8xf32>
    %reduce_sum3A_1019 = vector.multi_reduction <add>, %convert_element_type3A_14, %reduce_sum3A_1018 [0] : vector<512x8xf32> to vector<8xf32>
    %broadcast_in_dim3A_1020 = vector.shape_cast %reduce_sum3A_1019 : vector<8xf32> to vector<1x8xf32>
    %add3A_1021 = arith.addf %get3A_1003, %broadcast_in_dim3A_1020 : vector<1x8xf32>
    %swap3A_1022 = arith.constant 0 : index
    %swap3A_1023 = arith.constant 0 : index
    %swap3A_1024 = vector.load %arg27[%swap3A_1022, %swap3A_1023] : memref<1x8xf32, #tpu.memory_space<vmem>>, vector<1x8xf32>
    tpu.vector_store %arg27[%swap3A_1022, %swap3A_1023], %add3A_1021 {strides = array<i32>} : memref<1x8xf32, #tpu.memory_space<vmem>>, vector<1x8xf32>,
    %iota3A_1025 = tpu.iota {dimensions = array<i32: 0>} : vector<8x16xi32>
    %iota3A_1026 = tpu.iota {dimensions = array<i32: 1>} : vector<8x16xi32>
    %lt3A_1027 = arith.cmpi slt, %iota3A_1025, %iota3A_1026 : vector<8x16xi32>
    %jit3A_1028 = arith.constant 1.000000e+00 : f32
    %jit3A_1029 = arith.constant 0.000000e+00 : f32
    %broadcast_in_dim3A_1030 = vector.broadcast %jit3A_1028 : f32 to vector<8x16xf32>
    %broadcast_in_dim3A_1031 = vector.broadcast %jit3A_1029 : f32 to vector<8x16xf32>
    %select_n3A_1032 = arith.select %lt3A_1027, %broadcast_in_dim3A_1030, %broadcast_in_dim3A_1031 : vector<8x16xi1>, vector<8x16xf32>
    %convert_element_type3A_1033 = arith.truncf %add3A_1021 : vector<1x8xf32> to vector<1x8xbf16>
    %convert_element_type3A_1034 = arith.extf %convert_element_type3A_1033 : vector<1x8xbf16> to vector<1x8xf32>
    %dot_general3A_1035 = arith.constant dense<0.000000e+00> : vector<1x16xf32>
    %dot_general3A_1036 = tpu.matmul %convert_element_type3A_1034, %select_n3A_1032, %dot_general3A_1035 {dimension_numbers = #tpu.dot_dimension_numbers<[1], [0], [0], [1], [0, 0, 1, 1], [], []>, transpose_lhs_hint = false} : vector<1x8xf32>, vector<8x16xf32>, vector<1x16xf32> -> vector<1x16xf32>
    %sub3A_1037 = arith.subf %add3A_1021, %convert_element_type3A_1034 : vector<1x8xf32>
    %dot_general3A_1038 = arith.constant dense<0.000000e+00> : vector<1x16xf32>
    %dot_general3A_1039 = tpu.matmul %sub3A_1037, %select_n3A_1032, %dot_general3A_1038 {dimension_numbers = #tpu.dot_dimension_numbers<[1], [0], [0], [1], [0, 0, 1, 1], [], []>, transpose_lhs_hint = false} : vector<1x8xf32>, vector<8x16xf32>, vector<1x16xf32> -> vector<1x16xf32>
    %add3A_1040 = arith.addf %dot_general3A_1036, %dot_general3A_1039 : vector<1x16xf32>
    %convert_element_type3A_1041 = arith.fptosi %add3A_1040 : vector<1x16xf32> to vector<1x16xi32>
    %swap3A_1042 = arith.constant 0 : index
    %swap3A_1043 = arith.constant 0 : index
    %swap3A_1044 = vector.load %arg24[%swap3A_1042, %swap3A_1043] : memref<1x16xi32, #tpu.memory_space<vmem>>, vector<1x16xi32>
    tpu.vector_store %arg24[%swap3A_1042, %swap3A_1043], %convert_element_type3A_1041 {strides = array<i32>} : memref<1x16xi32, #tpu.memory_space<vmem>>, vector<1x16xi32>,
    %iota3A_1045 = tpu.iota {dimensions = array<i32: 0>} : vector<8x512xi32>
    %iota3A_1046 = tpu.iota {dimensions = array<i32: 1>} : vector<8x512xi32>
    %jit3A_1047 = arith.constant 64 : i32
    %div3A_1048 = vector.broadcast %jit3A_1047 : i32 to vector<8x512xi32>
    %div3A_1049 = arith.divsi %iota3A_1046, %div3A_1048 : vector<8x512xi32>
    %sign3A = arith.constant 0 : i32
    %sign3A_1050 = vector.broadcast %sign3A : i32 to vector<8x512xi32>
    %sign3A_1051 = arith.cmpi sgt, %iota3A_1046, %sign3A_1050 : vector<8x512xi32>
    %sign3A_1052 = arith.extui %sign3A_1051 : vector<8x512xi1> to vector<8x512xi32>
    %sign3A_1053 = arith.constant 0 : i32
    %sign3A_1054 = vector.broadcast %sign3A_1053 : i32 to vector<8x512xi32>
    %sign3A_1055 = arith.cmpi slt, %iota3A_1046, %sign3A_1054 : vector<8x512xi32>
    %sign3A_1056 = arith.extui %sign3A_1055 : vector<8x512xi1> to vector<8x512xi32>
    %sign3A_1057 = arith.subi %sign3A_1052, %sign3A_1056 : vector<8x512xi32>
    %sign3A_1058 = arith.constant 0 : i32
    %sign3A_1059 = arith.cmpi sgt, %jit3A_1047, %sign3A_1058 : i32
    %sign3A_1060 = arith.extui %sign3A_1059 : i1 to i32
    %sign3A_1061 = arith.constant 0 : i32
    %sign3A_1062 = arith.cmpi slt, %jit3A_1047, %sign3A_1061 : i32
    %sign3A_1063 = arith.extui %sign3A_1062 : i1 to i32
    %sign3A_1064 = arith.subi %sign3A_1060, %sign3A_1063 : i32
    %ne3A = vector.broadcast %sign3A_1064 : i32 to vector<8x512xi32>
    %ne3A_1065 = arith.cmpi ne, %sign3A_1057, %ne3A : vector<8x512xi32>
    %rem3A = vector.broadcast %jit3A_1047 : i32 to vector<8x512xi32>
    %rem3A_1066 = arith.remsi %iota3A_1046, %rem3A : vector<8x512xi32>
    %ne3A_1067 = arith.constant 0 : i32
    %ne3A_1068 = vector.broadcast %ne3A_1067 : i32 to vector<8x512xi32>
    %ne3A_1069 = arith.cmpi ne, %rem3A_1066, %ne3A_1068 : vector<8x512xi32>
    %and3A = arith.andi %ne3A_1065, %ne3A_1069 : vector<8x512xi1>
    %sub3A_1070 = arith.constant 1 : i32
    %sub3A_1071 = vector.broadcast %sub3A_1070 : i32 to vector<8x512xi32>
    %sub3A_1072 = arith.subi %div3A_1049, %sub3A_1071 : vector<8x512xi32>
    %select_n3A_1073 = arith.select %and3A, %sub3A_1072, %div3A_1049 : vector<8x512xi1>, vector<8x512xi32>
    %eq3A_1074 = arith.cmpi eq, %select_n3A_1073, %iota3A_1045 : vector<8x512xi32>
    %jit3A_1075 = arith.constant 1.000000e+00 : f32
    %jit3A_1076 = arith.constant 0.000000e+00 : f32
    %broadcast_in_dim3A_1077 = vector.broadcast %jit3A_1075 : f32 to vector<8x512xf32>
    %broadcast_in_dim3A_1078 = vector.broadcast %jit3A_1076 : f32 to vector<8x512xf32>
    %select_n3A_1079 = arith.select %eq3A_1074, %broadcast_in_dim3A_1077, %broadcast_in_dim3A_1078 : vector<8x512xi1>, vector<8x512xf32>
    %iota3A_1080 = tpu.iota {dimensions = array<i32: 0>} : vector<512x8xi32>
    %iota3A_1081 = tpu.iota {dimensions = array<i32: 1>} : vector<512x8xi32>
    %jit3A_1082 = arith.constant 64 : i32
    %div3A_1083 = vector.broadcast %jit3A_1082 : i32 to vector<512x8xi32>
    %div3A_1084 = arith.divsi %iota3A_1080, %div3A_1083 : vector<512x8xi32>
    %sign3A_1085 = arith.constant 0 : i32
    %sign3A_1086 = vector.broadcast %sign3A_1085 : i32 to vector<512x8xi32>
    %sign3A_1087 = arith.cmpi sgt, %iota3A_1080, %sign3A_1086 : vector<512x8xi32>
    %sign3A_1088 = arith.extui %sign3A_1087 : vector<512x8xi1> to vector<512x8xi32>
    %sign3A_1089 = arith.constant 0 : i32
    %sign3A_1090 = vector.broadcast %sign3A_1089 : i32 to vector<512x8xi32>
    %sign3A_1091 = arith.cmpi slt, %iota3A_1080, %sign3A_1090 : vector<512x8xi32>
    %sign3A_1092 = arith.extui %sign3A_1091 : vector<512x8xi1> to vector<512x8xi32>
    %sign3A_1093 = arith.subi %sign3A_1088, %sign3A_1092 : vector<512x8xi32>
    %sign3A_1094 = arith.constant 0 : i32
    %sign3A_1095 = arith.cmpi sgt, %jit3A_1082, %sign3A_1094 : i32
    %sign3A_1096 = arith.extui %sign3A_1095 : i1 to i32
    %sign3A_1097 = arith.constant 0 : i32
    %sign3A_1098 = arith.cmpi slt, %jit3A_1082, %sign3A_1097 : i32
    %sign3A_1099 = arith.extui %sign3A_1098 : i1 to i32
    %sign3A_1100 = arith.subi %sign3A_1096, %sign3A_1099 : i32
    %ne3A_1101 = vector.broadcast %sign3A_1100 : i32 to vector<512x8xi32>
    %ne3A_1102 = arith.cmpi ne, %sign3A_1093, %ne3A_1101 : vector<512x8xi32>
    %rem3A_1103 = vector.broadcast %jit3A_1082 : i32 to vector<512x8xi32>
    %rem3A_1104 = arith.remsi %iota3A_1080, %rem3A_1103 : vector<512x8xi32>
    %ne3A_1105 = arith.constant 0 : i32
    %ne3A_1106 = vector.broadcast %ne3A_1105 : i32 to vector<512x8xi32>
    %ne3A_1107 = arith.cmpi ne, %rem3A_1104, %ne3A_1106 : vector<512x8xi32>
    %and3A_1108 = arith.andi %ne3A_1102, %ne3A_1107 : vector<512x8xi1>
    %sub3A_1109 = arith.constant 1 : i32
    %sub3A_1110 = vector.broadcast %sub3A_1109 : i32 to vector<512x8xi32>
    %sub3A_1111 = arith.subi %div3A_1084, %sub3A_1110 : vector<512x8xi32>
    %select_n3A_1112 = arith.select %and3A_1108, %sub3A_1111, %div3A_1084 : vector<512x8xi1>, vector<512x8xi32>
    %eq3A_1113 = arith.cmpi eq, %select_n3A_1112, %iota3A_1081 : vector<512x8xi32>
    %jit3A_1114 = arith.constant 1.000000e+00 : f32
    %jit3A_1115 = arith.constant 0.000000e+00 : f32
    %broadcast_in_dim3A_1116 = vector.broadcast %jit3A_1114 : f32 to vector<512x8xf32>
    %broadcast_in_dim3A_1117 = vector.broadcast %jit3A_1115 : f32 to vector<512x8xf32>
    %select_n3A_1118 = arith.select %eq3A_1113, %broadcast_in_dim3A_1116, %broadcast_in_dim3A_1117 : vector<512x8xi1>, vector<512x8xf32>
    %get3A_1119 = arith.constant 0 : index
    %get3A_1120 = arith.constant 0 : index
    %get3A_1121 = arith.constant 0 : index
    %get3A_1122 = vector.load %arg3[%get3A_1119, %get3A_1120, %get3A_1121] : memref<1x512x8xf32, #tpu.memory_space<vmem>>, vector<1x512x8xf32>
    %get3A_1123 = vector.shape_cast %get3A_1122 : vector<1x512x8xf32> to vector<512x8xf32>
    %concatenate3A = tpu.concatenate %get3A_1123, %convert_element_type3A_14 in 1 : vector<512x8xf32>, vector<512x8xf32> -> vector<512x16xf32>
    %get3A_1124 = arith.constant 0 : index
    %get3A_1125 = arith.constant 0 : index
    %get3A_1126 = vector.load %arg7[%get3A_1124, %get3A_1125] : memref<16x384xf32, #tpu.memory_space<vmem>>, vector<16x384xf32>
    %dot_general3A_1127 = arith.constant dense<0.000000e+00> : vector<512x384xf32>
    %dot_general3A_1128 = tpu.matmul %concatenate3A, %get3A_1126, %dot_general3A_1127 {dimension_numbers = #tpu.dot_dimension_numbers<[1], [0], [0], [1], [0, 0, 1, 1], [], []>, transpose_lhs_hint = false} : vector<512x16xf32>, vector<16x384xf32>, vector<512x384xf32> -> vector<512x384xf32>
    %tanh3A = math.tanh %dot_general3A_1128 : vector<512x384xf32>
    %get3A_1129 = arith.constant 0 : index
    %get3A_1130 = arith.constant 0 : index
    %get3A_1131 = arith.constant 0 : index
    %get3A_1132 = vector.load %arg25[%get3A_1129, %get3A_1130, %get3A_1131] : memref<2x256x256xf32, #tpu.memory_space<vmem>>, vector<1x256x256xf32>
    %get3A_1133 = vector.shape_cast %get3A_1132 : vector<1x256x256xf32> to vector<256x256xf32>
    %slice3A_1134 = vector.extract_strided_slice %tanh3A {offsets = [0, 0], sizes = [256, 384], strides = [1, 1]} : vector<512x384xf32> to vector<256x384xf32>
    %dot_general3A_1135 = arith.constant dense<0.000000e+00> : vector<256x384xf32>
    %dot_general3A_1136 = tpu.matmul %get3A_1133, %slice3A_1134, %dot_general3A_1135 {dimension_numbers = #tpu.dot_dimension_numbers<[1], [0], [0], [1], [0, 0, 1, 1], [], []>, transpose_lhs_hint = false} : vector<256x256xf32>, vector<256x384xf32>, vector<256x384xf32> -> vector<256x384xf32>
    %get3A_1137 = arith.constant 1 : index
    %get3A_1138 = arith.constant 0 : index
    %get3A_1139 = arith.constant 0 : index
    %get3A_1140 = vector.load %arg25[%get3A_1137, %get3A_1138, %get3A_1139] : memref<2x256x256xf32, #tpu.memory_space<vmem>>, vector<1x256x256xf32>
    %get3A_1141 = vector.shape_cast %get3A_1140 : vector<1x256x256xf32> to vector<256x256xf32>
    %slice3A_1142 = vector.extract_strided_slice %tanh3A {offsets = [256, 0], sizes = [256, 384], strides = [1, 1]} : vector<512x384xf32> to vector<256x384xf32>
    %dot_general3A_1143 = arith.constant dense<0.000000e+00> : vector<256x384xf32>
    %dot_general3A_1144 = tpu.matmul %get3A_1141, %slice3A_1142, %dot_general3A_1143 {dimension_numbers = #tpu.dot_dimension_numbers<[1], [0], [0], [1], [0, 0, 1, 1], [], []>, transpose_lhs_hint = false} : vector<256x256xf32>, vector<256x384xf32>, vector<256x384xf32> -> vector<256x384xf32>
    %concatenate3A_1145 = tpu.concatenate %dot_general3A_1136, %dot_general3A_1144 in 0 : vector<256x384xf32>, vector<256x384xf32> -> vector<512x384xf32>
    %tanh3A_1146 = math.tanh %concatenate3A_1145 : vector<512x384xf32>
    %get3A_1147 = arith.constant 0 : index
    %get3A_1148 = arith.constant 0 : index
    %get3A_1149 = vector.load %arg13[%get3A_1147, %get3A_1148] : memref<256x192xf32, #tpu.memory_space<vmem>>, vector<256x192xf32>
    %get3A_1150 = arith.constant 0 : index
    %get3A_1151 = arith.constant 0 : index
    %get3A_1152 = vector.load %arg14[%get3A_1150, %get3A_1151] : memref<192x160xf32, #tpu.memory_space<vmem>>, vector<192x160xf32>
    %get3A_1153 = arith.constant 0 : index
    %get3A_1154 = arith.constant 0 : index
    %get3A_1155 = vector.load %arg15[%get3A_1153, %get3A_1154] : memref<160x1xf32, #tpu.memory_space<vmem>>, vector<160x1xf32>
    %get3A_1156 = arith.constant 0 : index
    %get3A_1157 = arith.constant 0 : index
    %get3A_1158 = vector.load %arg17[%get3A_1156, %get3A_1157] : memref<1x192xf32, #tpu.memory_space<vmem>>, vector<1x192xf32>
    %get3A_1159 = arith.constant 0 : index
    %get3A_1160 = arith.constant 0 : index
    %get3A_1161 = vector.load %arg18[%get3A_1159, %get3A_1160] : memref<1x160xf32, #tpu.memory_space<vmem>>, vector<1x160xf32>
    %get3A_1162 = arith.constant 0 : index
    %get3A_1163 = arith.constant 0 : index
    %get3A_1164 = vector.load %arg19[%get3A_1162, %get3A_1163] : memref<1x1xf32, #tpu.memory_space<vmem>>, vector<1x1xf32>
    %get3A_1165 = arith.constant 0 : index
    %get3A_1166 = arith.constant 0 : index
    %get3A_1167 = arith.constant 0 : index
    %get3A_1168 = vector.load %arg5[%get3A_1165, %get3A_1166, %get3A_1167] : memref<1x8x1xf32, #tpu.memory_space<vmem>>, vector<1x8x1xf32>
    %get3A_1169 = vector.shape_cast %get3A_1168 : vector<1x8x1xf32> to vector<8x1xf32>
    %get3A_1170 = arith.constant 0 : index
    %get3A_1171 = arith.constant 0 : index
    %get3A_1172 = vector.load %arg9[%get3A_1170, %get3A_1171] : memref<384x256xf32, #tpu.memory_space<vmem>>, vector<384x256xf32>
    %dot_general3A_1173 = arith.constant dense<0.000000e+00> : vector<512x256xf32>
    %dot_general3A_1174 = tpu.matmul %tanh3A_1146, %get3A_1172, %dot_general3A_1173 {dimension_numbers = #tpu.dot_dimension_numbers<[1], [0], [0], [1], [0, 0, 1, 1], [], []>, transpose_lhs_hint = false} : vector<512x384xf32>, vector<384x256xf32>, vector<512x256xf32> -> vector<512x256xf32>
    %get3A_1175 = arith.constant 0 : index
    %get3A_1176 = arith.constant 0 : index
    %get3A_1177 = vector.load %arg16[%get3A_1175, %get3A_1176] : memref<1x256xf32, #tpu.memory_space<vmem>>, vector<1x256xf32>
    %add3A_1178 = vector.broadcast %get3A_1177 : vector<1x256xf32> to vector<512x256xf32>
    %add3A_1179 = arith.addf %dot_general3A_1174, %add3A_1178 : vector<512x256xf32>
    %max3A = arith.constant 0.000000e+00 : f32
    %max3A_1180 = vector.broadcast %max3A : f32 to vector<512x256xf32>
    %max3A_1181 = arith.maximumf %add3A_1179, %max3A_1180 : vector<512x256xf32>
    %mul3A_1182 = arith.constant 1.000000e+01 : f32
    %mul3A_1183 = vector.broadcast %mul3A_1182 : f32 to vector<512x256xf32>
    %mul3A_1184 = arith.mulf %add3A_1179, %mul3A_1183 : vector<512x256xf32>
    %min3A = arith.constant 0.000000e+00 : f32
    %min3A_1185 = vector.broadcast %min3A : f32 to vector<512x256xf32>
    %min3A_1186 = arith.minimumf %mul3A_1184, %min3A_1185 : vector<512x256xf32>
    %exp3A_1187 = math.exp %min3A_1186 : vector<512x256xf32>
    %sub3A_1188 = arith.constant 1.000000e+00 : f32
    %sub3A_1189 = vector.broadcast %sub3A_1188 : f32 to vector<512x256xf32>
    %sub3A_1190 = arith.subf %exp3A_1187, %sub3A_1189 : vector<512x256xf32>
    %mul3A_1191 = arith.constant 1.000000e-01 : f32
    %mul3A_1192 = vector.broadcast %mul3A_1191 : f32 to vector<512x256xf32>
    %mul3A_1193 = arith.mulf %mul3A_1192, %sub3A_1190 : vector<512x256xf32>
    %add3A_1194 = arith.addf %max3A_1181, %mul3A_1193 : vector<512x256xf32>
    %dot_general3A_1195 = arith.constant dense<0.000000e+00> : vector<512x192xf32>
    %dot_general3A_1196 = tpu.matmul %add3A_1194, %get3A_1149, %dot_general3A_1195 {dimension_numbers = #tpu.dot_dimension_numbers<[1], [0], [0], [1], [0, 0, 1, 1], [], []>, transpose_lhs_hint = false} : vector<512x256xf32>, vector<256x192xf32>, vector<512x192xf32> -> vector<512x192xf32>
    %add3A_1197 = vector.broadcast %get3A_1158 : vector<1x192xf32> to vector<512x192xf32>
    %add3A_1198 = arith.addf %dot_general3A_1196, %add3A_1197 : vector<512x192xf32>
    %max3A_1199 = arith.constant 0.000000e+00 : f32
    %max3A_1200 = vector.broadcast %max3A_1199 : f32 to vector<512x192xf32>
    %max3A_1201 = arith.maximumf %add3A_1198, %max3A_1200 : vector<512x192xf32>
    %mul3A_1202 = arith.constant 1.000000e+01 : f32
    %mul3A_1203 = vector.broadcast %mul3A_1202 : f32 to vector<512x192xf32>
    %mul3A_1204 = arith.mulf %add3A_1198, %mul3A_1203 : vector<512x192xf32>
    %min3A_1205 = arith.constant 0.000000e+00 : f32
    %min3A_1206 = vector.broadcast %min3A_1205 : f32 to vector<512x192xf32>
    %min3A_1207 = arith.minimumf %mul3A_1204, %min3A_1206 : vector<512x192xf32>
    %exp3A_1208 = math.exp %min3A_1207 : vector<512x192xf32>
    %sub3A_1209 = arith.constant 1.000000e+00 : f32
    %sub3A_1210 = vector.broadcast %sub3A_1209 : f32 to vector<512x192xf32>
    %sub3A_1211 = arith.subf %exp3A_1208, %sub3A_1210 : vector<512x192xf32>
    %mul3A_1212 = arith.constant 1.000000e-01 : f32
    %mul3A_1213 = vector.broadcast %mul3A_1212 : f32 to vector<512x192xf32>
    %mul3A_1214 = arith.mulf %mul3A_1213, %sub3A_1211 : vector<512x192xf32>
    %add3A_1215 = arith.addf %max3A_1201, %mul3A_1214 : vector<512x192xf32>
    %dot_general3A_1216 = arith.constant dense<0.000000e+00> : vector<512x160xf32>
    %dot_general3A_1217 = tpu.matmul %add3A_1215, %get3A_1152, %dot_general3A_1216 {dimension_numbers = #tpu.dot_dimension_numbers<[1], [0], [0], [1], [0, 0, 1, 1], [], []>, transpose_lhs_hint = false} : vector<512x192xf32>, vector<192x160xf32>, vector<512x160xf32> -> vector<512x160xf32>
    %add3A_1218 = vector.broadcast %get3A_1161 : vector<1x160xf32> to vector<512x160xf32>
    %add3A_1219 = arith.addf %dot_general3A_1217, %add3A_1218 : vector<512x160xf32>
    %max3A_1220 = arith.constant 0.000000e+00 : f32
    %max3A_1221 = vector.broadcast %max3A_1220 : f32 to vector<512x160xf32>
    %max3A_1222 = arith.maximumf %add3A_1219, %max3A_1221 : vector<512x160xf32>
    %mul3A_1223 = arith.constant 1.000000e+01 : f32
    %mul3A_1224 = vector.broadcast %mul3A_1223 : f32 to vector<512x160xf32>
    %mul3A_1225 = arith.mulf %add3A_1219, %mul3A_1224 : vector<512x160xf32>
    %min3A_1226 = arith.constant 0.000000e+00 : f32
    %min3A_1227 = vector.broadcast %min3A_1226 : f32 to vector<512x160xf32>
    %min3A_1228 = arith.minimumf %mul3A_1225, %min3A_1227 : vector<512x160xf32>
    %exp3A_1229 = math.exp %min3A_1228 : vector<512x160xf32>
    %sub3A_1230 = arith.constant 1.000000e+00 : f32
    %sub3A_1231 = vector.broadcast %sub3A_1230 : f32 to vector<512x160xf32>
    %sub3A_1232 = arith.subf %exp3A_1229, %sub3A_1231 : vector<512x160xf32>
    %mul3A_1233 = arith.constant 1.000000e-01 : f32
    %mul3A_1234 = vector.broadcast %mul3A_1233 : f32 to vector<512x160xf32>
    %mul3A_1235 = arith.mulf %mul3A_1234, %sub3A_1232 : vector<512x160xf32>
    %add3A_1236 = arith.addf %max3A_1222, %mul3A_1235 : vector<512x160xf32>
    %dot_general3A_1237 = arith.constant dense<0.000000e+00> : vector<512x1xf32>
    %dot_general3A_1238 = tpu.matmul %add3A_1236, %get3A_1155, %dot_general3A_1237 {dimension_numbers = #tpu.dot_dimension_numbers<[1], [0], [0], [1], [0, 0, 1, 1], [], []>, transpose_lhs_hint = false} : vector<512x160xf32>, vector<160x1xf32>, vector<512x1xf32> -> vector<512x1xf32>
    %add3A_1239 = vector.broadcast %get3A_1164 : vector<1x1xf32> to vector<512x1xf32>
    %add3A_1240 = arith.addf %dot_general3A_1238, %add3A_1239 : vector<512x1xf32>
    %max3A_1241 = arith.constant 0.000000e+00 : f32
    %max3A_1242 = vector.broadcast %max3A_1241 : f32 to vector<512x1xf32>
    %max3A_1243 = arith.maximumf %add3A_1240, %max3A_1242 : vector<512x1xf32>
    %abs3A = math.absf %add3A_1240 : vector<512x1xf32>
    %neg3A_1244 = arith.constant 0.000000e+00 : f32
    %neg3A_1245 = vector.broadcast %neg3A_1244 : f32 to vector<512x1xf32>
    %neg3A_1246 = arith.subf %neg3A_1245, %abs3A : vector<512x1xf32>
    %exp3A_1247 = math.exp %neg3A_1246 : vector<512x1xf32>
    %add3A_1248 = arith.constant 1.000000e+00 : f32
    %add3A_1249 = vector.broadcast %add3A_1248 : f32 to vector<512x1xf32>
    %add3A_1250 = arith.addf %add3A_1249, %exp3A_1247 : vector<512x1xf32>
    %log3A = math.log %add3A_1250 : vector<512x1xf32>
    %add3A_1251 = arith.addf %max3A_1243, %log3A : vector<512x1xf32>
    %convert_element_type3A_1252 = arith.truncf %add3A_1251 : vector<512x1xf32> to vector<512x1xbf16>
    %convert_element_type3A_1253 = arith.extf %convert_element_type3A_1252 : vector<512x1xbf16> to vector<512x1xf32>
    %dot_general3A_1254 = arith.constant dense<0.000000e+00> : vector<8x1xf32>
    %dot_general3A_1255 = tpu.matmul %select_n3A_1079, %convert_element_type3A_1253, %dot_general3A_1254 {dimension_numbers = #tpu.dot_dimension_numbers<[1], [0], [0], [1], [0, 0, 1, 1], [], []>, transpose_lhs_hint = false} : vector<8x512xf32>, vector<512x1xf32>, vector<8x1xf32> -> vector<8x1xf32>
    %sub3A_1256 = arith.subf %add3A_1251, %convert_element_type3A_1253 : vector<512x1xf32>
    %dot_general3A_1257 = arith.constant dense<0.000000e+00> : vector<8x1xf32>
    %dot_general3A_1258 = tpu.matmul %select_n3A_1079, %sub3A_1256, %dot_general3A_1257 {dimension_numbers = #tpu.dot_dimension_numbers<[1], [0], [0], [1], [0, 0, 1, 1], [], []>, transpose_lhs_hint = false} : vector<8x512xf32>, vector<512x1xf32>, vector<8x1xf32> -> vector<8x1xf32>
    %add3A_1259 = arith.addf %dot_general3A_1255, %dot_general3A_1258 : vector<8x1xf32>
    %abs3A_1260 = math.absf %get3A_1169 : vector<8x1xf32>
    %div3A_1261 = arith.divf %abs3A_1260, %add3A_1259 : vector<8x1xf32>
    %add3A_1262 = arith.constant 1.000000e+00 : f32
    %add3A_1263 = vector.broadcast %add3A_1262 : f32 to vector<8x1xf32>
    %add3A_1264 = arith.addf %add3A_1263, %div3A_1261 : vector<8x1xf32>
    %gt3A = arith.constant 0.000000e+00 : f32
    %gt3A_1265 = vector.broadcast %gt3A : f32 to vector<8x1xf32>
    %gt3A_1266 = arith.cmpf ogt, %get3A_1169, %gt3A_1265 : vector<8x1xf32>
    %jit3A_1267 = arith.constant 1.000000e+00 : f32
    %broadcast_in_dim3A_1268 = vector.broadcast %jit3A_1267 : f32 to vector<8x1xf32>
    %select_n3A_1269 = arith.select %gt3A_1266, %add3A_1264, %broadcast_in_dim3A_1268 : vector<8x1xi1>, vector<8x1xf32>
    %lt3A_1270 = arith.constant 0.000000e+00 : f32
    %lt3A_1271 = vector.broadcast %lt3A_1270 : f32 to vector<8x1xf32>
    %lt3A_1272 = arith.cmpf olt, %get3A_1169, %lt3A_1271 : vector<8x1xf32>
    %jit3A_1273 = arith.constant 1.000000e+00 : f32
    %broadcast_in_dim3A_1274 = vector.broadcast %jit3A_1273 : f32 to vector<8x1xf32>
    %select_n3A_1275 = arith.select %lt3A_1272, %add3A_1264, %broadcast_in_dim3A_1274 : vector<8x1xi1>, vector<8x1xf32>
    %mul3A_1276 = arith.constant 1.562500e-02 : f32
    %mul3A_1277 = vector.broadcast %mul3A_1276 : f32 to vector<8x1xf32>
    %mul3A_1278 = arith.mulf %add3A_1259, %mul3A_1277 : vector<8x1xf32>
    %mul3A_1279 = arith.mulf %select_n3A_1269, %mul3A_1278 : vector<8x1xf32>
    %concatenate3A_1280 = tpu.concatenate %select_n3A_1275, %mul3A_1279 in 1 : vector<8x1xf32>, vector<8x1xf32> -> vector<8x2xf32>
    %convert_element_type3A_1281 = arith.truncf %concatenate3A_1280 : vector<8x2xf32> to vector<8x2xbf16>
    %convert_element_type3A_1282 = arith.extf %convert_element_type3A_1281 : vector<8x2xbf16> to vector<8x2xf32>
    %dot_general3A_1283 = arith.constant dense<0.000000e+00> : vector<512x2xf32>
    %dot_general3A_1284 = tpu.matmul %select_n3A_1118, %convert_element_type3A_1282, %dot_general3A_1283 {dimension_numbers = #tpu.dot_dimension_numbers<[1], [0], [0], [1], [0, 0, 1, 1], [], []>, transpose_lhs_hint = false} : vector<512x8xf32>, vector<8x2xf32>, vector<512x2xf32> -> vector<512x2xf32>
    %sub3A_1285 = arith.subf %concatenate3A_1280, %convert_element_type3A_1282 : vector<8x2xf32>
    %dot_general3A_1286 = arith.constant dense<0.000000e+00> : vector<512x2xf32>
    %dot_general3A_1287 = tpu.matmul %select_n3A_1118, %sub3A_1285, %dot_general3A_1286 {dimension_numbers = #tpu.dot_dimension_numbers<[1], [0], [0], [1], [0, 0, 1, 1], [], []>, transpose_lhs_hint = false} : vector<512x8xf32>, vector<8x2xf32>, vector<512x2xf32> -> vector<512x2xf32>
    %add3A_1288 = arith.addf %dot_general3A_1284, %dot_general3A_1287 : vector<512x2xf32>
    %slice3A_1289 = vector.extract_strided_slice %add3A_1288 {offsets = [0, 0], sizes = [512, 1], strides = [1, 1]} : vector<512x2xf32> to vector<512x1xf32>
    %neg3A_1290 = arith.constant 0.000000e+00 : f32
    %neg3A_1291 = vector.broadcast %neg3A_1290 : f32 to vector<512x1xf32>
    %neg3A_1292 = arith.subf %neg3A_1291, %slice3A_1289 : vector<512x1xf32>
    %mul3A_1293 = arith.mulf %neg3A_1292, %add3A_1251 : vector<512x1xf32>
    %slice3A_1294 = vector.extract_strided_slice %add3A_1288 {offsets = [0, 1], sizes = [512, 1], strides = [1, 1]} : vector<512x2xf32> to vector<512x1xf32>
    %add3A_1295 = arith.addf %mul3A_1293, %slice3A_1294 : vector<512x1xf32>
    %get3A_1296 = arith.constant 0 : index
    %get3A_1297 = arith.constant 0 : index
    %get3A_1298 = arith.constant 0 : index
    %get3A_1299 = vector.load %arg26[%get3A_1296, %get3A_1297, %get3A_1298] : memref<2x256x256xf32, #tpu.memory_space<vmem>>, vector<1x256x256xf32>
    %get3A_1300 = vector.shape_cast %get3A_1299 : vector<1x256x256xf32> to vector<256x256xf32>
    %slice3A_1301 = vector.extract_strided_slice %add3A_1295 {offsets = [0, 0], sizes = [256, 1], strides = [1, 1]} : vector<512x1xf32> to vector<256x1xf32>
    %dot_general3A_1302 = arith.constant dense<0.000000e+00> : vector<256x1xf32>
    %dot_general3A_1303 = tpu.matmul %get3A_1300, %slice3A_1301, %dot_general3A_1302 {dimension_numbers = #tpu.dot_dimension_numbers<[1], [0], [0], [1], [0, 0, 1, 1], [], []>, transpose_lhs_hint = false} : vector<256x256xf32>, vector<256x1xf32>, vector<256x1xf32> -> vector<256x1xf32>
    %get3A_1304 = arith.constant 1 : index
    %get3A_1305 = arith.constant 0 : index
    %get3A_1306 = arith.constant 0 : index
    %get3A_1307 = vector.load %arg26[%get3A_1304, %get3A_1305, %get3A_1306] : memref<2x256x256xf32, #tpu.memory_space<vmem>>, vector<1x256x256xf32>
    %get3A_1308 = vector.shape_cast %get3A_1307 : vector<1x256x256xf32> to vector<256x256xf32>
    %slice3A_1309 = vector.extract_strided_slice %add3A_1295 {offsets = [256, 0], sizes = [256, 1], strides = [1, 1]} : vector<512x1xf32> to vector<256x1xf32>
    %dot_general3A_1310 = arith.constant dense<0.000000e+00> : vector<256x1xf32>
    %dot_general3A_1311 = tpu.matmul %get3A_1308, %slice3A_1309, %dot_general3A_1310 {dimension_numbers = #tpu.dot_dimension_numbers<[1], [0], [0], [1], [0, 0, 1, 1], [], []>, transpose_lhs_hint = false} : vector<256x256xf32>, vector<256x1xf32>, vector<256x1xf32> -> vector<256x1xf32>
    %concatenate3A_1312 = tpu.concatenate %dot_general3A_1303, %dot_general3A_1311 in 0 : vector<256x1xf32>, vector<256x1xf32> -> vector<512x1xf32>
    %get3A_1313 = arith.constant 0 : index
    %get3A_1314 = arith.constant 0 : index
    %get3A_1315 = vector.load %arg8[%get3A_1313, %get3A_1314] : memref<16x64xf32, #tpu.memory_space<vmem>>, vector<16x64xf32>
    %dot_general3A_1316 = arith.constant dense<0.000000e+00> : vector<512x64xf32>
    %dot_general3A_1317 = tpu.matmul %concatenate3A, %get3A_1315, %dot_general3A_1316 {dimension_numbers = #tpu.dot_dimension_numbers<[1], [0], [0], [1], [0, 0, 1, 1], [], []>, transpose_lhs_hint = false} : vector<512x16xf32>, vector<16x64xf32>, vector<512x64xf32> -> vector<512x64xf32>
    %tanh3A_1318 = math.tanh %dot_general3A_1317 : vector<512x64xf32>
    %mul3A_1319 = vector.broadcast %add3A_1295 : vector<512x1xf32> to vector<512x64xf32>
    %mul3A_1320 = arith.mulf %mul3A_1319, %tanh3A_1318 : vector<512x64xf32>
    %get3A_1321 = arith.constant 0 : index
    %get3A_1322 = arith.constant 0 : index
    %get3A_1323 = arith.constant 0 : index
    %get3A_1324 = vector.load %arg25[%get3A_1321, %get3A_1322, %get3A_1323] : memref<2x256x256xf32, #tpu.memory_space<vmem>>, vector<1x256x256xf32>
    %get3A_1325 = vector.shape_cast %get3A_1324 : vector<1x256x256xf32> to vector<256x256xf32>
    %slice3A_1326 = vector.extract_strided_slice %mul3A_1320 {offsets = [0, 0], sizes = [256, 64], strides = [1, 1]} : vector<512x64xf32> to vector<256x64xf32>
    %dot_general3A_1327 = arith.constant dense<0.000000e+00> : vector<256x64xf32>
    %dot_general3A_1328 = tpu.matmul %get3A_1325, %slice3A_1326, %dot_general3A_1327 {dimension_numbers = #tpu.dot_dimension_numbers<[1], [0], [0], [1], [0, 0, 1, 1], [], []>, transpose_lhs_hint = false} : vector<256x256xf32>, vector<256x64xf32>, vector<256x64xf32> -> vector<256x64xf32>
    %get3A_1329 = arith.constant 1 : index
    %get3A_1330 = arith.constant 0 : index
    %get3A_1331 = arith.constant 0 : index
    %get3A_1332 = vector.load %arg25[%get3A_1329, %get3A_1330, %get3A_1331] : memref<2x256x256xf32, #tpu.memory_space<vmem>>, vector<1x256x256xf32>
    %get3A_1333 = vector.shape_cast %get3A_1332 : vector<1x256x256xf32> to vector<256x256xf32>
    %slice3A_1334 = vector.extract_strided_slice %mul3A_1320 {offsets = [256, 0], sizes = [256, 64], strides = [1, 1]} : vector<512x64xf32> to vector<256x64xf32>
    %dot_general3A_1335 = arith.constant dense<0.000000e+00> : vector<256x64xf32>
    %dot_general3A_1336 = tpu.matmul %get3A_1333, %slice3A_1334, %dot_general3A_1335 {dimension_numbers = #tpu.dot_dimension_numbers<[1], [0], [0], [1], [0, 0, 1, 1], [], []>, transpose_lhs_hint = false} : vector<256x256xf32>, vector<256x64xf32>, vector<256x64xf32> -> vector<256x64xf32>
    %concatenate3A_1337 = tpu.concatenate %dot_general3A_1328, %dot_general3A_1336 in 0 : vector<256x64xf32>, vector<256x64xf32> -> vector<512x64xf32>
    %tanh3A_1338 = math.tanh %concatenate3A_1337 : vector<512x64xf32>
    %get3A_1339 = arith.constant 0 : index
    %get3A_1340 = arith.constant 0 : index
    %get3A_1341 = vector.load %arg10[%get3A_1339, %get3A_1340] : memref<64x256xf32, #tpu.memory_space<vmem>>, vector<64x256xf32>
    %dot_general3A_1342 = arith.constant dense<0.000000e+00> : vector<512x256xf32>
    %dot_general3A_1343 = tpu.matmul %tanh3A_1338, %get3A_1341, %dot_general3A_1342 {dimension_numbers = #tpu.dot_dimension_numbers<[1], [0], [0], [1], [0, 0, 1, 1], [], []>, transpose_lhs_hint = false} : vector<512x64xf32>, vector<64x256xf32>, vector<512x256xf32> -> vector<512x256xf32>
    %add3A_1344 = arith.addf %add3A_1179, %dot_general3A_1343 : vector<512x256xf32>
    %get3A_1345 = arith.constant 0 : index
    %get3A_1346 = arith.constant 0 : index
    %get3A_1347 = vector.load %arg11[%get3A_1345, %get3A_1346] : memref<1x256xf32, #tpu.memory_space<vmem>>, vector<1x256xf32>
    %mul3A_1348 = vector.broadcast %add3A_1295 : vector<512x1xf32> to vector<512x256xf32>
    %mul3A_1349 = vector.broadcast %get3A_1347 : vector<1x256xf32> to vector<512x256xf32>
    %mul3A_1350 = arith.mulf %mul3A_1348, %mul3A_1349 : vector<512x256xf32>
    %add3A_1351 = arith.addf %add3A_1344, %mul3A_1350 : vector<512x256xf32>
    %get3A_1352 = arith.constant 0 : index
    %get3A_1353 = arith.constant 0 : index
    %get3A_1354 = vector.load %arg12[%get3A_1352, %get3A_1353] : memref<1x256xf32, #tpu.memory_space<vmem>>, vector<1x256xf32>
    %mul3A_1355 = vector.broadcast %concatenate3A_1312 : vector<512x1xf32> to vector<512x256xf32>
    %mul3A_1356 = vector.broadcast %get3A_1354 : vector<1x256xf32> to vector<512x256xf32>
    %mul3A_1357 = arith.mulf %mul3A_1355, %mul3A_1356 : vector<512x256xf32>
    %add3A_1358 = arith.addf %add3A_1351, %mul3A_1357 : vector<512x256xf32>
    %max3A_1359 = arith.constant 0.000000e+00 : f32
    %max3A_1360 = vector.broadcast %max3A_1359 : f32 to vector<512x256xf32>
    %max3A_1361 = arith.maximumf %add3A_1358, %max3A_1360 : vector<512x256xf32>
    %mul3A_1362 = arith.constant 1.000000e+01 : f32
    %mul3A_1363 = vector.broadcast %mul3A_1362 : f32 to vector<512x256xf32>
    %mul3A_1364 = arith.mulf %add3A_1358, %mul3A_1363 : vector<512x256xf32>
    %min3A_1365 = arith.constant 0.000000e+00 : f32
    %min3A_1366 = vector.broadcast %min3A_1365 : f32 to vector<512x256xf32>
    %min3A_1367 = arith.minimumf %mul3A_1364, %min3A_1366 : vector<512x256xf32>
    %exp3A_1368 = math.exp %min3A_1367 : vector<512x256xf32>
    %sub3A_1369 = arith.constant 1.000000e+00 : f32
    %sub3A_1370 = vector.broadcast %sub3A_1369 : f32 to vector<512x256xf32>
    %sub3A_1371 = arith.subf %exp3A_1368, %sub3A_1370 : vector<512x256xf32>
    %mul3A_1372 = arith.constant 1.000000e-01 : f32
    %mul3A_1373 = vector.broadcast %mul3A_1372 : f32 to vector<512x256xf32>
    %mul3A_1374 = arith.mulf %mul3A_1373, %sub3A_1371 : vector<512x256xf32>
    %add3A_1375 = arith.addf %max3A_1361, %mul3A_1374 : vector<512x256xf32>
    %dot_general3A_1376 = arith.constant dense<0.000000e+00> : vector<512x192xf32>
    %dot_general3A_1377 = tpu.matmul %add3A_1375, %get3A_1149, %dot_general3A_1376 {dimension_numbers = #tpu.dot_dimension_numbers<[1], [0], [0], [1], [0, 0, 1, 1], [], []>, transpose_lhs_hint = false} : vector<512x256xf32>, vector<256x192xf32>, vector<512x192xf32> -> vector<512x192xf32>
    %add3A_1378 = vector.broadcast %get3A_1158 : vector<1x192xf32> to vector<512x192xf32>
    %add3A_1379 = arith.addf %dot_general3A_1377, %add3A_1378 : vector<512x192xf32>
    %max3A_1380 = arith.constant 0.000000e+00 : f32
    %max3A_1381 = vector.broadcast %max3A_1380 : f32 to vector<512x192xf32>
    %max3A_1382 = arith.maximumf %add3A_1379, %max3A_1381 : vector<512x192xf32>
    %mul3A_1383 = arith.constant 1.000000e+01 : f32
    %mul3A_1384 = vector.broadcast %mul3A_1383 : f32 to vector<512x192xf32>
    %mul3A_1385 = arith.mulf %add3A_1379, %mul3A_1384 : vector<512x192xf32>
    %min3A_1386 = arith.constant 0.000000e+00 : f32
    %min3A_1387 = vector.broadcast %min3A_1386 : f32 to vector<512x192xf32>
    %min3A_1388 = arith.minimumf %mul3A_1385, %min3A_1387 : vector<512x192xf32>
    %exp3A_1389 = math.exp %min3A_1388 : vector<512x192xf32>
    %sub3A_1390 = arith.constant 1.000000e+00 : f32
    %sub3A_1391 = vector.broadcast %sub3A_1390 : f32 to vector<512x192xf32>
    %sub3A_1392 = arith.subf %exp3A_1389, %sub3A_1391 : vector<512x192xf32>
    %mul3A_1393 = arith.constant 1.000000e-01 : f32
    %mul3A_1394 = vector.broadcast %mul3A_1393 : f32 to vector<512x192xf32>
    %mul3A_1395 = arith.mulf %mul3A_1394, %sub3A_1392 : vector<512x192xf32>
    %add3A_1396 = arith.addf %max3A_1382, %mul3A_1395 : vector<512x192xf32>
    %dot_general3A_1397 = arith.constant dense<0.000000e+00> : vector<512x160xf32>
    %dot_general3A_1398 = tpu.matmul %add3A_1396, %get3A_1152, %dot_general3A_1397 {dimension_numbers = #tpu.dot_dimension_numbers<[1], [0], [0], [1], [0, 0, 1, 1], [], []>, transpose_lhs_hint = false} : vector<512x192xf32>, vector<192x160xf32>, vector<512x160xf32> -> vector<512x160xf32>
    %add3A_1399 = vector.broadcast %get3A_1161 : vector<1x160xf32> to vector<512x160xf32>
    %add3A_1400 = arith.addf %dot_general3A_1398, %add3A_1399 : vector<512x160xf32>
    %max3A_1401 = arith.constant 0.000000e+00 : f32
    %max3A_1402 = vector.broadcast %max3A_1401 : f32 to vector<512x160xf32>
    %max3A_1403 = arith.maximumf %add3A_1400, %max3A_1402 : vector<512x160xf32>
    %mul3A_1404 = arith.constant 1.000000e+01 : f32
    %mul3A_1405 = vector.broadcast %mul3A_1404 : f32 to vector<512x160xf32>
    %mul3A_1406 = arith.mulf %add3A_1400, %mul3A_1405 : vector<512x160xf32>
    %min3A_1407 = arith.constant 0.000000e+00 : f32
    %min3A_1408 = vector.broadcast %min3A_1407 : f32 to vector<512x160xf32>
    %min3A_1409 = arith.minimumf %mul3A_1406, %min3A_1408 : vector<512x160xf32>
    %exp3A_1410 = math.exp %min3A_1409 : vector<512x160xf32>
    %sub3A_1411 = arith.constant 1.000000e+00 : f32
    %sub3A_1412 = vector.broadcast %sub3A_1411 : f32 to vector<512x160xf32>
    %sub3A_1413 = arith.subf %exp3A_1410, %sub3A_1412 : vector<512x160xf32>
    %mul3A_1414 = arith.constant 1.000000e-01 : f32
    %mul3A_1415 = vector.broadcast %mul3A_1414 : f32 to vector<512x160xf32>
    %mul3A_1416 = arith.mulf %mul3A_1415, %sub3A_1413 : vector<512x160xf32>
    %add3A_1417 = arith.addf %max3A_1403, %mul3A_1416 : vector<512x160xf32>
    %dot_general3A_1418 = arith.constant dense<0.000000e+00> : vector<512x1xf32>
    %dot_general3A_1419 = tpu.matmul %add3A_1417, %get3A_1155, %dot_general3A_1418 {dimension_numbers = #tpu.dot_dimension_numbers<[1], [0], [0], [1], [0, 0, 1, 1], [], []>, transpose_lhs_hint = false} : vector<512x160xf32>, vector<160x1xf32>, vector<512x1xf32> -> vector<512x1xf32>
    %add3A_1420 = vector.broadcast %get3A_1164 : vector<1x1xf32> to vector<512x1xf32>
    %add3A_1421 = arith.addf %dot_general3A_1419, %add3A_1420 : vector<512x1xf32>
    %max3A_1422 = arith.constant 0.000000e+00 : f32
    %max3A_1423 = vector.broadcast %max3A_1422 : f32 to vector<512x1xf32>
    %max3A_1424 = arith.maximumf %add3A_1421, %max3A_1423 : vector<512x1xf32>
    %abs3A_1425 = math.absf %add3A_1421 : vector<512x1xf32>
    %neg3A_1426 = arith.constant 0.000000e+00 : f32
    %neg3A_1427 = vector.broadcast %neg3A_1426 : f32 to vector<512x1xf32>
    %neg3A_1428 = arith.subf %neg3A_1427, %abs3A_1425 : vector<512x1xf32>
    %exp3A_1429 = math.exp %neg3A_1428 : vector<512x1xf32>
    %add3A_1430 = arith.constant 1.000000e+00 : f32
    %add3A_1431 = vector.broadcast %add3A_1430 : f32 to vector<512x1xf32>
    %add3A_1432 = arith.addf %add3A_1431, %exp3A_1429 : vector<512x1xf32>
    %log3A_1433 = math.log %add3A_1432 : vector<512x1xf32>
    %add3A_1434 = arith.addf %max3A_1424, %log3A_1433 : vector<512x1xf32>
    %convert_element_type3A_1435 = arith.truncf %add3A_1434 : vector<512x1xf32> to vector<512x1xbf16>
    %convert_element_type3A_1436 = arith.extf %convert_element_type3A_1435 : vector<512x1xbf16> to vector<512x1xf32>
    %dot_general3A_1437 = arith.constant dense<0.000000e+00> : vector<8x1xf32>
    %dot_general3A_1438 = tpu.matmul %select_n3A_1079, %convert_element_type3A_1436, %dot_general3A_1437 {dimension_numbers = #tpu.dot_dimension_numbers<[1], [0], [0], [1], [0, 0, 1, 1], [], []>, transpose_lhs_hint = false} : vector<8x512xf32>, vector<512x1xf32>, vector<8x1xf32> -> vector<8x1xf32>
    %sub3A_1439 = arith.subf %add3A_1434, %convert_element_type3A_1436 : vector<512x1xf32>
    %dot_general3A_1440 = arith.constant dense<0.000000e+00> : vector<8x1xf32>
    %dot_general3A_1441 = tpu.matmul %select_n3A_1079, %sub3A_1439, %dot_general3A_1440 {dimension_numbers = #tpu.dot_dimension_numbers<[1], [0], [0], [1], [0, 0, 1, 1], [], []>, transpose_lhs_hint = false} : vector<8x512xf32>, vector<512x1xf32>, vector<8x1xf32> -> vector<8x1xf32>
    %add3A_1442 = arith.addf %dot_general3A_1438, %dot_general3A_1441 : vector<8x1xf32>
    %abs3A_1443 = math.absf %get3A_1169 : vector<8x1xf32>
    %div3A_1444 = arith.divf %abs3A_1443, %add3A_1442 : vector<8x1xf32>
    %add3A_1445 = arith.constant 1.000000e+00 : f32
    %add3A_1446 = vector.broadcast %add3A_1445 : f32 to vector<8x1xf32>
    %add3A_1447 = arith.addf %add3A_1446, %div3A_1444 : vector<8x1xf32>
    %gt3A_1448 = arith.constant 0.000000e+00 : f32
    %gt3A_1449 = vector.broadcast %gt3A_1448 : f32 to vector<8x1xf32>
    %gt3A_1450 = arith.cmpf ogt, %get3A_1169, %gt3A_1449 : vector<8x1xf32>
    %jit3A_1451 = arith.constant 1.000000e+00 : f32
    %broadcast_in_dim3A_1452 = vector.broadcast %jit3A_1451 : f32 to vector<8x1xf32>
    %select_n3A_1453 = arith.select %gt3A_1450, %add3A_1447, %broadcast_in_dim3A_1452 : vector<8x1xi1>, vector<8x1xf32>
    %lt3A_1454 = arith.constant 0.000000e+00 : f32
    %lt3A_1455 = vector.broadcast %lt3A_1454 : f32 to vector<8x1xf32>
    %lt3A_1456 = arith.cmpf olt, %get3A_1169, %lt3A_1455 : vector<8x1xf32>
    %jit3A_1457 = arith.constant 1.000000e+00 : f32
    %broadcast_in_dim3A_1458 = vector.broadcast %jit3A_1457 : f32 to vector<8x1xf32>
    %select_n3A_1459 = arith.select %lt3A_1456, %add3A_1447, %broadcast_in_dim3A_1458 : vector<8x1xi1>, vector<8x1xf32>
    %mul3A_1460 = arith.constant 1.562500e-02 : f32
    %mul3A_1461 = vector.broadcast %mul3A_1460 : f32 to vector<8x1xf32>
    %mul3A_1462 = arith.mulf %add3A_1442, %mul3A_1461 : vector<8x1xf32>
    %mul3A_1463 = arith.mulf %select_n3A_1453, %mul3A_1462 : vector<8x1xf32>
    %concatenate3A_1464 = tpu.concatenate %select_n3A_1459, %mul3A_1463 in 1 : vector<8x1xf32>, vector<8x1xf32> -> vector<8x2xf32>
    %convert_element_type3A_1465 = arith.truncf %concatenate3A_1464 : vector<8x2xf32> to vector<8x2xbf16>
    %convert_element_type3A_1466 = arith.extf %convert_element_type3A_1465 : vector<8x2xbf16> to vector<8x2xf32>
    %dot_general3A_1467 = arith.constant dense<0.000000e+00> : vector<512x2xf32>
    %dot_general3A_1468 = tpu.matmul %select_n3A_1118, %convert_element_type3A_1466, %dot_general3A_1467 {dimension_numbers = #tpu.dot_dimension_numbers<[1], [0], [0], [1], [0, 0, 1, 1], [], []>, transpose_lhs_hint = false} : vector<512x8xf32>, vector<8x2xf32>, vector<512x2xf32> -> vector<512x2xf32>
    %sub3A_1469 = arith.subf %concatenate3A_1464, %convert_element_type3A_1466 : vector<8x2xf32>
    %dot_general3A_1470 = arith.constant dense<0.000000e+00> : vector<512x2xf32>
    %dot_general3A_1471 = tpu.matmul %select_n3A_1118, %sub3A_1469, %dot_general3A_1470 {dimension_numbers = #tpu.dot_dimension_numbers<[1], [0], [0], [1], [0, 0, 1, 1], [], []>, transpose_lhs_hint = false} : vector<512x8xf32>, vector<8x2xf32>, vector<512x2xf32> -> vector<512x2xf32>
    %add3A_1472 = arith.addf %dot_general3A_1468, %dot_general3A_1471 : vector<512x2xf32>
    %slice3A_1473 = vector.extract_strided_slice %add3A_1472 {offsets = [0, 0], sizes = [512, 1], strides = [1, 1]} : vector<512x2xf32> to vector<512x1xf32>
    %neg3A_1474 = arith.constant 0.000000e+00 : f32
    %neg3A_1475 = vector.broadcast %neg3A_1474 : f32 to vector<512x1xf32>
    %neg3A_1476 = arith.subf %neg3A_1475, %slice3A_1473 : vector<512x1xf32>
    %mul3A_1477 = arith.mulf %neg3A_1476, %add3A_1434 : vector<512x1xf32>
    %slice3A_1478 = vector.extract_strided_slice %add3A_1472 {offsets = [0, 1], sizes = [512, 1], strides = [1, 1]} : vector<512x2xf32> to vector<512x1xf32>
    %add3A_1479 = arith.addf %mul3A_1477, %slice3A_1478 : vector<512x1xf32>
    %get3A_1480 = arith.constant 0 : index
    %get3A_1481 = arith.constant 0 : index
    %get3A_1482 = arith.constant 0 : index
    %get3A_1483 = vector.load %arg26[%get3A_1480, %get3A_1481, %get3A_1482] : memref<2x256x256xf32, #tpu.memory_space<vmem>>, vector<1x256x256xf32>
    %get3A_1484 = vector.shape_cast %get3A_1483 : vector<1x256x256xf32> to vector<256x256xf32>
    %slice3A_1485 = vector.extract_strided_slice %add3A_1479 {offsets = [0, 0], sizes = [256, 1], strides = [1, 1]} : vector<512x1xf32> to vector<256x1xf32>
    %dot_general3A_1486 = arith.constant dense<0.000000e+00> : vector<256x1xf32>
    %dot_general3A_1487 = tpu.matmul %get3A_1484, %slice3A_1485, %dot_general3A_1486 {dimension_numbers = #tpu.dot_dimension_numbers<[1], [0], [0], [1], [0, 0, 1, 1], [], []>, transpose_lhs_hint = false} : vector<256x256xf32>, vector<256x1xf32>, vector<256x1xf32> -> vector<256x1xf32>
    %get3A_1488 = arith.constant 1 : index
    %get3A_1489 = arith.constant 0 : index
    %get3A_1490 = arith.constant 0 : index
    %get3A_1491 = vector.load %arg26[%get3A_1488, %get3A_1489, %get3A_1490] : memref<2x256x256xf32, #tpu.memory_space<vmem>>, vector<1x256x256xf32>
    %get3A_1492 = vector.shape_cast %get3A_1491 : vector<1x256x256xf32> to vector<256x256xf32>
    %slice3A_1493 = vector.extract_strided_slice %add3A_1479 {offsets = [256, 0], sizes = [256, 1], strides = [1, 1]} : vector<512x1xf32> to vector<256x1xf32>
    %dot_general3A_1494 = arith.constant dense<0.000000e+00> : vector<256x1xf32>
    %dot_general3A_1495 = tpu.matmul %get3A_1492, %slice3A_1493, %dot_general3A_1494 {dimension_numbers = #tpu.dot_dimension_numbers<[1], [0], [0], [1], [0, 0, 1, 1], [], []>, transpose_lhs_hint = false} : vector<256x256xf32>, vector<256x1xf32>, vector<256x1xf32> -> vector<256x1xf32>
    %concatenate3A_1496 = tpu.concatenate %dot_general3A_1487, %dot_general3A_1495 in 0 : vector<256x1xf32>, vector<256x1xf32> -> vector<512x1xf32>
    %mul3A_1497 = arith.constant 8 : i32
    %mul3A_1498 = arith.muli %mul3A_1497, %arg0 : i32
    %iota3A_1499 = tpu.iota {dimensions = array<i32: 0>} : vector<512x1xi32>
    %jit3A_1500 = arith.constant 64 : i32
    %div3A_1501 = vector.broadcast %jit3A_1500 : i32 to vector<512x1xi32>
    %div3A_1502 = arith.divsi %iota3A_1499, %div3A_1501 : vector<512x1xi32>
    %sign3A_1503 = arith.constant 0 : i32
    %sign3A_1504 = vector.broadcast %sign3A_1503 : i32 to vector<512x1xi32>
    %sign3A_1505 = arith.cmpi sgt, %iota3A_1499, %sign3A_1504 : vector<512x1xi32>
    %sign3A_1506 = arith.extui %sign3A_1505 : vector<512x1xi1> to vector<512x1xi32>
    %sign3A_1507 = arith.constant 0 : i32
    %sign3A_1508 = vector.broadcast %sign3A_1507 : i32 to vector<512x1xi32>
    %sign3A_1509 = arith.cmpi slt, %iota3A_1499, %sign3A_1508 : vector<512x1xi32>
    %sign3A_1510 = arith.extui %sign3A_1509 : vector<512x1xi1> to vector<512x1xi32>
    %sign3A_1511 = arith.subi %sign3A_1506, %sign3A_1510 : vector<512x1xi32>
    %sign3A_1512 = arith.constant 0 : i32
    %sign3A_1513 = arith.cmpi sgt, %jit3A_1500, %sign3A_1512 : i32
    %sign3A_1514 = arith.extui %sign3A_1513 : i1 to i32
    %sign3A_1515 = arith.constant 0 : i32
    %sign3A_1516 = arith.cmpi slt, %jit3A_1500, %sign3A_1515 : i32
    %sign3A_1517 = arith.extui %sign3A_1516 : i1 to i32
    %sign3A_1518 = arith.subi %sign3A_1514, %sign3A_1517 : i32
    %ne3A_1519 = vector.broadcast %sign3A_1518 : i32 to vector<512x1xi32>
    %ne3A_1520 = arith.cmpi ne, %sign3A_1511, %ne3A_1519 : vector<512x1xi32>
    %rem3A_1521 = vector.broadcast %jit3A_1500 : i32 to vector<512x1xi32>
    %rem3A_1522 = arith.remsi %iota3A_1499, %rem3A_1521 : vector<512x1xi32>
    %ne3A_1523 = arith.constant 0 : i32
    %ne3A_1524 = vector.broadcast %ne3A_1523 : i32 to vector<512x1xi32>
    %ne3A_1525 = arith.cmpi ne, %rem3A_1522, %ne3A_1524 : vector<512x1xi32>
    %and3A_1526 = arith.andi %ne3A_1520, %ne3A_1525 : vector<512x1xi1>
    %sub3A_1527 = arith.constant 1 : i32
    %sub3A_1528 = vector.broadcast %sub3A_1527 : i32 to vector<512x1xi32>
    %sub3A_1529 = arith.subi %div3A_1502, %sub3A_1528 : vector<512x1xi32>
    %select_n3A_1530 = arith.select %and3A_1526, %sub3A_1529, %div3A_1502 : vector<512x1xi1>, vector<512x1xi32>
    %add3A_1531 = vector.broadcast %mul3A_1498 : i32 to vector<512x1xi32>
    %add3A_1532 = arith.addi %add3A_1531, %select_n3A_1530 : vector<512x1xi32>
    %convert_element_type3A_1533 = arith.sitofp %add3A_1532 : vector<512x1xi32> to vector<512x1xf32>
    %broadcast_in_dim3A_1534 = arith.constant 0.000000e+00 : f32
    %broadcast_in_dim3A_1535 = vector.broadcast %broadcast_in_dim3A_1534 : f32 to vector<512x61xf32>
    %concatenate3A_1536 = tpu.concatenate %tanh3A_1146, %tanh3A_1338, %add3A_1479, %concatenate3A_1496, %convert_element_type3A_1533, %broadcast_in_dim3A_1535 in 1 : vector<512x384xf32>, vector<512x64xf32>, vector<512x1xf32>, vector<512x1xf32>, vector<512x1xf32>, vector<512x61xf32> -> vector<512x512xf32>
    %slice3A_1537 = vector.extract_strided_slice %concatenate3A_1536 {offsets = [0, 0], sizes = [512, 256], strides = [1, 1]} : vector<512x512xf32> to vector<512x256xf32>
    %convert_element_type3A_1538 = arith.truncf %slice3A_1537 : vector<512x256xf32> to vector<512x256xbf16>
    %convert_element_type3A_1539 = arith.extf %convert_element_type3A_1538 : vector<512x256xbf16> to vector<512x256xf32>
    %bitcast_convert_type3A = tpu.bitcast %convert_element_type3A_1539 : vector<512x256xf32> -> vector<512x256xi32>
    %slice3A_1540 = vector.extract_strided_slice %concatenate3A_1536 {offsets = [0, 256], sizes = [512, 256], strides = [1, 1]} : vector<512x512xf32> to vector<512x256xf32>
    %convert_element_type3A_1541 = arith.truncf %slice3A_1540 : vector<512x256xf32> to vector<512x256xbf16>
    %convert_element_type3A_1542 = arith.extf %convert_element_type3A_1541 : vector<512x256xbf16> to vector<512x256xf32>
    %bitcast_convert_type3A_1543 = tpu.bitcast %convert_element_type3A_1542 : vector<512x256xf32> -> vector<512x256xi32>
    %and3A_1544 = arith.constant -65536 : i32
    %and3A_1545 = vector.broadcast %and3A_1544 : i32 to vector<512x256xi32>
    %and3A_1546 = arith.andi %bitcast_convert_type3A, %and3A_1545 : vector<512x256xi32>
    %shift_right_logical3A = arith.constant 16 : i32
    %shift_right_logical3A_1547 = vector.broadcast %shift_right_logical3A : i32 to vector<512x256xi32>
    %shift_right_logical3A_1548 = arith.shrui %bitcast_convert_type3A_1543, %shift_right_logical3A_1547 : vector<512x256xi32>
    %or3A = arith.ori %and3A_1546, %shift_right_logical3A_1548 : vector<512x256xi32>
    %swap3A_1549 = arith.constant 0 : index
    %swap3A_1550 = arith.constant 0 : index
    %swap3A_1551 = arith.constant 0 : index
    %swap3A_1552 = vector.load %arg20[%swap3A_1549, %swap3A_1550, %swap3A_1551] : memref<1x512x256xi32, #tpu.memory_space<vmem>>, vector<1x512x256xi32>
    %swap3A_1553 = vector.shape_cast %swap3A_1552 : vector<1x512x256xi32> to vector<512x256xi32>
    %swap3A_1554 = vector.shape_cast %or3A : vector<512x256xi32> to vector<1x512x256xi32>
    tpu.vector_store %arg20[%swap3A_1549, %swap3A_1550, %swap3A_1551], %swap3A_1554 {strides = array<i32>} : memref<1x512x256xi32, #tpu.memory_space<vmem>>, vector<1x512x256xi32>,
    %mul3A_1555 = arith.mulf %add3A_1479, %concatenate3A_1496 : vector<512x1xf32>
    %dot_general3A_1556 = arith.constant dense<0.000000e+00> : vector<8x1xf32>
    %dot_general3A_1557 = tpu.matmul %select_n3A_1079, %mul3A_1555, %dot_general3A_1556 {dimension_numbers = #tpu.dot_dimension_numbers<[1], [0], [0], [1], [0, 0, 1, 1], [], []>, transpose_lhs_hint = false} : vector<8x512xf32>, vector<512x1xf32>, vector<8x1xf32> -> vector<8x1xf32>
    %mul3A_1558 = arith.constant 5.000000e-01 : f32
    %mul3A_1559 = vector.broadcast %mul3A_1558 : f32 to vector<8x1xf32>
    %mul3A_1560 = arith.mulf %mul3A_1559, %dot_general3A_1557 : vector<8x1xf32>
    %swap3A_1561 = arith.constant 0 : index
    %swap3A_1562 = arith.constant 0 : index
    %swap3A_1563 = arith.constant 0 : index
    %swap3A_1564 = vector.load %arg21[%swap3A_1561, %swap3A_1562, %swap3A_1563] : memref<1x8x1xf32, #tpu.memory_space<vmem>>, vector<1x8x1xf32>
    %swap3A_1565 = vector.shape_cast %swap3A_1564 : vector<1x8x1xf32> to vector<8x1xf32>
    %swap3A_1566 = vector.shape_cast %mul3A_1560 : vector<8x1xf32> to vector<1x8x1xf32>
    tpu.vector_store %arg21[%swap3A_1561, %swap3A_1562, %swap3A_1563], %swap3A_1566 {strides = array<i32>} : memref<1x8x1xf32, #tpu.memory_space<vmem>>, vector<1x8x1xf32>,
    %swap3A_1567 = arith.constant 0 : index
    %swap3A_1568 = arith.constant 0 : index
    %swap3A_1569 = arith.constant 0 : index
    %swap3A_1570 = vector.load %arg22[%swap3A_1567, %swap3A_1568, %swap3A_1569] : memref<1x512x1xf32, #tpu.memory_space<vmem>>, vector<1x512x1xf32>
    %swap3A_1571 = vector.shape_cast %swap3A_1570 : vector<1x512x1xf32> to vector<512x1xf32>
    %swap3A_1572 = vector.shape_cast %add3A_1479 : vector<512x1xf32> to vector<1x512x1xf32>
    tpu.vector_store %arg22[%swap3A_1567, %swap3A_1568, %swap3A_1569], %swap3A_1572 {strides = array<i32>} : memref<1x512x1xf32, #tpu.memory_space<vmem>>, vector<1x512x1xf32>,
    return
  }
  func.func @transform_0(%arg0: i32) -> (i32, i32, i32) {
    %c0_i32 = arith.constant 0 : i32
    %c0_i32_0 = arith.constant 0 : i32
    %c0_i32_1 = arith.constant 0 : i32
    return %arg0, %c0_i32, %c0_i32_0 : i32, i32, i32
  }
  func.func @transform_1(%arg0: i32) -> (i32, i32, i32) {
    %c0_i32 = arith.constant 0 : i32
    %c0_i32_0 = arith.constant 0 : i32
    %c0_i32_1 = arith.constant 0 : i32
    return %arg0, %c0_i32, %c0_i32_0 : i32, i32, i32
  }
  func.func @transform_2(%arg0: i32) -> (i32, i32, i32) {
    %c0_i32 = arith.constant 0 : i32
    %c0_i32_0 = arith.constant 0 : i32
    %c0_i32_1 = arith.constant 0 : i32
    return %arg0, %c0_i32, %c0_i32_0 : i32, i32, i32
  }
  func.func @transform_3(%arg0: i32) -> (i32, i32, i32) {
    %c0_i32 = arith.constant 0 : i32
    %c0_i32_0 = arith.constant 0 : i32
    %c0_i32_1 = arith.constant 0 : i32
    return %arg0, %c0_i32, %c0_i32_0 : i32, i32, i32
  }
  func.func @transform_4(%arg0: i32) -> (i32, i32, i32) {
    %c0_i32 = arith.constant 0 : i32
    %c0_i32_0 = arith.constant 0 : i32
    %c0_i32_1 = arith.constant 0 : i32
    return %arg0, %c0_i32, %c0_i32_0 : i32, i32, i32
  }
  func.func @transform_5(%arg0: i32) -> (i32, i32) {
    %c0_i32 = arith.constant 0 : i32
    %c0_i32_0 = arith.constant 0 : i32
    %c0_i32_1 = arith.constant 0 : i32
    return %c0_i32, %c0_i32_0 : i32, i32
  }
  func.func @transform_6(%arg0: i32) -> (i32, i32) {
    %c0_i32 = arith.constant 0 : i32
    %c0_i32_0 = arith.constant 0 : i32
    %c0_i32_1 = arith.constant 0 : i32
    return %c0_i32, %c0_i32_0 : i32, i32
  }
  func.func @transform_7(%arg0: i32) -> (i32, i32) {
    %c0_i32 = arith.constant 0 : i32
    %c0_i32_0 = arith.constant 0 : i32
    %c0_i32_1 = arith.constant 0 : i32
    return %c0_i32, %c0_i32_0 : i32, i32
  }
  func.func @transform_8(%arg0: i32) -> (i32, i32) {
    %c0_i32 = arith.constant 0 : i32
    %c0_i32_0 = arith.constant 0 : i32
    %c0_i32_1 = arith.constant 0 : i32
    return %c0_i32, %c0_i32_0 : i32, i32
  }
  func.func @transform_9(%arg0: i32) -> (i32, i32) {
    %c0_i32 = arith.constant 0 : i32
    %c0_i32_0 = arith.constant 0 : i32
    %c0_i32_1 = arith.constant 0 : i32
    return %c0_i32, %c0_i32_0 : i32, i32
  }
  func.func @transform_10(%arg0: i32) -> (i32, i32) {
    %c0_i32 = arith.constant 0 : i32
    %c0_i32_0 = arith.constant 0 : i32
    %c0_i32_1 = arith.constant 0 : i32
    return %c0_i32, %c0_i32_0 : i32, i32
  }
  func.func @transform_11(%arg0: i32) -> (i32, i32) {
    %c0_i32 = arith.constant 0 : i32
    %c0_i32_0 = arith.constant 0 : i32
    %c0_i32_1 = arith.constant 0 : i32
    return %c0_i32, %c0_i32_0 : i32, i32
  }
  func.func @transform_12(%arg0: i32) -> (i32, i32) {
    %c0_i32 = arith.constant 0 : i32
    %c0_i32_0 = arith.constant 0 : i32
    %c0_i32_1 = arith.constant 0 : i32
    return %c0_i32, %c0_i32_0 : i32, i32
  }
  func.func @transform_13(%arg0: i32) -> (i32, i32) {
    %c0_i32 = arith.constant 0 : i32
    %c0_i32_0 = arith.constant 0 : i32
    %c0_i32_1 = arith.constant 0 : i32
    return %c0_i32, %c0_i32_0 : i32, i32
  }
  func.func @transform_14(%arg0: i32) -> (i32, i32) {
    %c0_i32 = arith.constant 0 : i32
    %c0_i32_0 = arith.constant 0 : i32
    %c0_i32_1 = arith.constant 0 : i32
    return %c0_i32, %c0_i32_0 : i32, i32
  }
  func.func @transform_15(%arg0: i32) -> (i32, i32) {
    %c0_i32 = arith.constant 0 : i32
    %c0_i32_0 = arith.constant 0 : i32
    %c0_i32_1 = arith.constant 0 : i32
    return %c0_i32, %c0_i32_0 : i32, i32
  }
  func.func @transform_16(%arg0: i32) -> (i32, i32) {
    %c0_i32 = arith.constant 0 : i32
    %c0_i32_0 = arith.constant 0 : i32
    %c0_i32_1 = arith.constant 0 : i32
    return %c0_i32, %c0_i32_0 : i32, i32
  }
  func.func @transform_17(%arg0: i32) -> (i32, i32) {
    %c0_i32 = arith.constant 0 : i32
    %c0_i32_0 = arith.constant 0 : i32
    %c0_i32_1 = arith.constant 0 : i32
    return %c0_i32, %c0_i32_0 : i32, i32
  }
  func.func @transform_18(%arg0: i32) -> (i32, i32) {
    %c0_i32 = arith.constant 0 : i32
    %c0_i32_0 = arith.constant 0 : i32
    %c0_i32_1 = arith.constant 0 : i32
    return %c0_i32, %c0_i32_0 : i32, i32
  }
  func.func @transform_19(%arg0: i32) -> (i32, i32, i32) {
    %c0_i32 = arith.constant 0 : i32
    %c0_i32_0 = arith.constant 0 : i32
    %c0_i32_1 = arith.constant 0 : i32
    return %arg0, %c0_i32, %c0_i32_0 : i32, i32, i32
  }
  func.func @transform_20(%arg0: i32) -> (i32, i32, i32) {
    %c0_i32 = arith.constant 0 : i32
    %c0_i32_0 = arith.constant 0 : i32
    %c0_i32_1 = arith.constant 0 : i32
    return %arg0, %c0_i32, %c0_i32_0 : i32, i32, i32
  }
  func.func @transform_21(%arg0: i32) -> (i32, i32, i32) {
    %c0_i32 = arith.constant 0 : i32
    %c0_i32_0 = arith.constant 0 : i32
    %c0_i32_1 = arith.constant 0 : i32
    return %arg0, %c0_i32, %c0_i32_0 : i32, i32, i32
  }
  func.func @transform_22(%arg0: i32) -> (i32, i32, i32) {
    %c0_i32 = arith.constant 0 : i32
    %c0_i32_0 = arith.constant 0 : i32
    %c0_i32_1 = arith.constant 0 : i32
    return %arg0, %c0_i32, %c0_i32_0 : i32, i32, i32
  }
  func.func @transform_23(%arg0: i32) -> (i32, i32) {
    %c0_i32 = arith.constant 0 : i32
    %c0_i32_0 = arith.constant 0 : i32
    %c0_i32_1 = arith.constant 0 : i32
    return %c0_i32, %c0_i32_0 : i32, i32
  }
}

module attributes {stable_mosaic.version = 14 : i64} {
  func.func @_body_b(%arg0: i32, %arg1: memref<256x256xi32, #tpu.memory_space<vmem>>, %arg2: memref<1x16xi32, #tpu.memory_space<vmem>>, %arg3: memref<1x128xf32, #tpu.memory_space<vmem>>, %arg4: memref<8x512x256xf32, #tpu.memory_space<vmem>>, %arg5: memref<8x256x192xf32, #tpu.memory_space<vmem>>, %arg6: memref<8x192x160xf32, #tpu.memory_space<vmem>>, %arg7: memref<8x160x1xf32, #tpu.memory_space<vmem>>, %arg8: memref<8x1x256xf32, #tpu.memory_space<vmem>>, %arg9: memref<8x1x192xf32, #tpu.memory_space<vmem>>, %arg10: memref<8x1x160xf32, #tpu.memory_space<vmem>>, %arg11: memref<8x1x1xf32, #tpu.memory_space<vmem>>, %arg12: memref<1x128xf32, #tpu.memory_space<vmem>>) attributes {dimension_semantics = [#tpu.dimension_semantics<arbitrary>], iteration_bounds = array<i64: 32>, scalar_prefetch = 0 : i64, scratch_operands = 0 : i64, tpu.core_type = #tpu.core_type<tc>, window_params = [{transform_indices = @transform_0, window_bounds = array<i64: 256, 256>}, {pipeline_mode = #tpu.pipeline_mode<synchronous>, transform_indices = @transform_1, window_bounds = array<i64: 1, 16>}, {pipeline_mode = #tpu.pipeline_mode<synchronous>, transform_indices = @transform_2, window_bounds = array<i64: 1, 128>}, {pipeline_mode = #tpu.pipeline_mode<synchronous>, transform_indices = @transform_3, window_bounds = array<i64: 8, 512, 256>}, {pipeline_mode = #tpu.pipeline_mode<synchronous>, transform_indices = @transform_4, window_bounds = array<i64: 8, 256, 192>}, {pipeline_mode = #tpu.pipeline_mode<synchronous>, transform_indices = @transform_5, window_bounds = array<i64: 8, 192, 160>}, {pipeline_mode = #tpu.pipeline_mode<synchronous>, transform_indices = @transform_6, window_bounds = array<i64: 8, 160, 1>}, {pipeline_mode = #tpu.pipeline_mode<synchronous>, transform_indices = @transform_7, window_bounds = array<i64: 8, 1, 256>}, {pipeline_mode = #tpu.pipeline_mode<synchronous>, transform_indices = @transform_8, window_bounds = array<i64: 8, 1, 192>}, {pipeline_mode = #tpu.pipeline_mode<synchronous>, transform_indices = @transform_9, window_bounds = array<i64: 8, 1, 160>}, {pipeline_mode = #tpu.pipeline_mode<synchronous>, transform_indices = @transform_10, window_bounds = array<i64: 8, 1, 1>}, {pipeline_mode = #tpu.pipeline_mode<synchronous>, transform_indices = @transform_11, window_bounds = array<i64: 1, 128>}]} {
    %eq3A = arith.constant 0 : i32
    %eq3A_0 = arith.cmpi eq, %arg0, %eq3A : i32
    %convert_element_type3A = arith.extui %eq3A_0 : i1 to i32
    %cond3A = arith.constant 0 : i32
    %cond3A_1 = arith.cmpi ne, %convert_element_type3A, %cond3A : i32
    scf.if %cond3A_1 {
      %get3A_82 = arith.constant 0 : index
      %get3A_83 = arith.constant 0 : index
      %get3A_84 = vector.load %arg3[%get3A_82, %get3A_83] : memref<1x128xf32, #tpu.memory_space<vmem>>, vector<1x128xf32>
      %swap3A_85 = arith.constant 0 : index
      %swap3A_86 = arith.constant 0 : index
      %swap3A_87 = vector.load %arg12[%swap3A_85, %swap3A_86] : memref<1x128xf32, #tpu.memory_space<vmem>>, vector<1x128xf32>
      tpu.vector_store %arg12[%swap3A_85, %swap3A_86], %get3A_84 {strides = array<i32>} : memref<1x128xf32, #tpu.memory_space<vmem>>, vector<1x128xf32>,
    } else {
    }
    %get3A = arith.constant 0 : index
    %get3A_2 = arith.constant 0 : index
    %get3A_3 = vector.load %arg1[%get3A, %get3A_2] : memref<256x256xi32, #tpu.memory_space<vmem>>, vector<256x256xi32>
    %and3A = arith.constant -65536 : i32
    %and3A_4 = vector.broadcast %and3A : i32 to vector<256x256xi32>
    %and3A_5 = arith.andi %get3A_3, %and3A_4 : vector<256x256xi32>
    %bitcast_convert_type3A = tpu.bitcast %and3A_5 : vector<256x256xi32> -> vector<256x256xf32>
    %shift_left3A = arith.constant 16 : i32
    %shift_left3A_6 = vector.broadcast %shift_left3A : i32 to vector<256x256xi32>
    %shift_left3A_7 = arith.shli %get3A_3, %shift_left3A_6 : vector<256x256xi32>
    %bitcast_convert_type3A_8 = tpu.bitcast %shift_left3A_7 : vector<256x256xi32> -> vector<256x256xf32>
    %slice3A = vector.extract_strided_slice %bitcast_convert_type3A_8 {offsets = [0, 194], sizes = [256, 1], strides = [1, 1]} : vector<256x256xf32> to vector<256x1xf32>
    %get3A_9 = arith.constant 0 : index
    %get3A_10 = arith.constant 0 : index
    %get3A_11 = vector.load %arg2[%get3A_9, %get3A_10] : memref<1x16xi32, #tpu.memory_space<vmem>>, vector<1x16xi32>
    %convert_element_type3A_12 = arith.sitofp %get3A_11 : vector<1x16xi32> to vector<1x16xf32>
    %slice3A_13 = vector.extract_strided_slice %convert_element_type3A_12 {offsets = [0, 0], sizes = [1, 9], strides = [1, 1]} : vector<1x16xf32> to vector<1x9xf32>
    %mul3A = arith.constant 256 : i32
    %mul3A_14 = arith.muli %mul3A, %arg0 : i32
    %iota3A = tpu.iota {dimensions = array<i32: 0>} : vector<256x1xi32>
    %add3A = vector.broadcast %mul3A_14 : i32 to vector<256x1xi32>
    %add3A_15 = arith.addi %add3A, %iota3A : vector<256x1xi32>
    %convert_element_type3A_16 = arith.sitofp %add3A_15 : vector<256x1xi32> to vector<256x1xf32>
    %convert_element_type3A_17 = arith.sitofp %arg0 : i32 to f32
    %mul3A_18 = arith.constant 2.560000e+02 : f32
    %mul3A_19 = arith.mulf %mul3A_18, %convert_element_type3A_17 : f32
    %add3A_20 = arith.constant 2.550000e+02 : f32
    %add3A_21 = arith.addf %mul3A_19, %add3A_20 : f32
    %slice3A_22 = vector.extract_strided_slice %slice3A_13 {offsets = [0, 0], sizes = [1, 8], strides = [1, 1]} : vector<1x9xf32> to vector<1x8xf32>
    %le3A = vector.broadcast %mul3A_19 : f32 to vector<1x8xf32>
    %le3A_23 = arith.cmpf ole, %slice3A_22, %le3A : vector<1x8xf32>
    %jit3A = arith.constant 1.000000e+00 : f32
    %jit3A_24 = arith.constant 0.000000e+00 : f32
    %broadcast_in_dim3A = vector.broadcast %jit3A : f32 to vector<1x8xf32>
    %broadcast_in_dim3A_25 = vector.broadcast %jit3A_24 : f32 to vector<1x8xf32>
    %select_n3A = arith.select %le3A_23, %broadcast_in_dim3A, %broadcast_in_dim3A_25 : vector<1x8xi1>, vector<1x8xf32>
    %reduce_sum3A = vector.shape_cast %select_n3A : vector<1x8xf32> to vector<1x1x8xf32>
    %reduce_sum3A_26 = arith.constant dense<0.000000e+00> : vector<1xf32>
    %reduce_sum3A_27 = vector.multi_reduction <add>, %reduce_sum3A, %reduce_sum3A_26 [1, 2] : vector<1x1x8xf32> to vector<1xf32>
    %reduce_sum3A_28 = vector.shape_cast %reduce_sum3A_27 : vector<1xf32> to vector<1x1x1xf32>
    %reduce_sum3A_29 = vector.extract %reduce_sum3A_28[0, 0, 0] : f32 from vector<1x1x1xf32>
    %sub3A = arith.constant 1.000000e+00 : f32
    %sub3A_30 = arith.subf %reduce_sum3A_29, %sub3A : f32
    %convert_element_type3A_31 = arith.fptosi %sub3A_30 : f32 to i32
    %le3A_32 = vector.broadcast %add3A_21 : f32 to vector<1x8xf32>
    %le3A_33 = arith.cmpf ole, %slice3A_22, %le3A_32 : vector<1x8xf32>
    %jit3A_34 = arith.constant 1.000000e+00 : f32
    %jit3A_35 = arith.constant 0.000000e+00 : f32
    %broadcast_in_dim3A_36 = vector.broadcast %jit3A_34 : f32 to vector<1x8xf32>
    %broadcast_in_dim3A_37 = vector.broadcast %jit3A_35 : f32 to vector<1x8xf32>
    %select_n3A_38 = arith.select %le3A_33, %broadcast_in_dim3A_36, %broadcast_in_dim3A_37 : vector<1x8xi1>, vector<1x8xf32>
    %reduce_sum3A_39 = vector.shape_cast %select_n3A_38 : vector<1x8xf32> to vector<1x1x8xf32>
    %reduce_sum3A_40 = arith.constant dense<0.000000e+00> : vector<1xf32>
    %reduce_sum3A_41 = vector.multi_reduction <add>, %reduce_sum3A_39, %reduce_sum3A_40 [1, 2] : vector<1x1x8xf32> to vector<1xf32>
    %reduce_sum3A_42 = vector.shape_cast %reduce_sum3A_41 : vector<1xf32> to vector<1x1x1xf32>
    %reduce_sum3A_43 = vector.extract %reduce_sum3A_42[0, 0, 0] : f32 from vector<1x1x1xf32>
    %sub3A_44 = arith.constant 1.000000e+00 : f32
    %sub3A_45 = arith.subf %reduce_sum3A_43, %sub3A_44 : f32
    %convert_element_type3A_46 = arith.fptosi %sub3A_45 : f32 to i32
    %sub3A_47 = arith.subi %convert_element_type3A_46, %convert_element_type3A_31 : i32
    %add3A_48 = arith.constant 1 : i32
    %add3A_49 = arith.addi %sub3A_47, %add3A_48 : i32
    %broadcast_in_dim3A_50 = arith.constant 0.000000e+00 : f32
    %broadcast_in_dim3A_51 = vector.broadcast %broadcast_in_dim3A_50 : f32 to vector<256x1xf32>
    %while3A = arith.constant 0 : i32
    %while3A_52 = arith.subi %add3A_49, %while3A : i32
    %while3A_53 = arith.addi %while3A, %while3A_52 : i32
    %while3A_54 = arith.constant 1 : i32
    %while3A_55 = arith.divsi %while3A_52, %while3A_54 : i32
    %while3A_56 = arith.muli %while3A_55, %while3A_54 : i32
    %while3A_57 = arith.addi %while3A, %while3A_56 : i32
    %while3A_58 = arith.constant 1 : i32
    %while3A_59 = scf.for %while3A_82 = %while3A to %while3A_57 step %while3A_58 iter_args(%while3A_83 = %broadcast_in_dim3A_51) -> (vector<256x1xf32>)  : i32 {
      %add3A_84 = arith.addi %convert_element_type3A_31, %while3A_82 : i32
      %iota3A_85 = tpu.iota {dimensions = array<i32: 1>} : vector<1x9xi32>
      %eq3A_86 = vector.broadcast %add3A_84 : i32 to vector<1x9xi32>
      %eq3A_87 = arith.cmpi eq, %iota3A_85, %eq3A_86 : vector<1x9xi32>
      %jit3A_88 = arith.constant 0.000000e+00 : f32
      %broadcast_in_dim3A_89 = vector.broadcast %jit3A_88 : f32 to vector<1x9xf32>
      %select_n3A_90 = arith.select %eq3A_87, %slice3A_13, %broadcast_in_dim3A_89 : vector<1x9xi1>, vector<1x9xf32>
      %reduce_sum3A_91 = vector.shape_cast %select_n3A_90 : vector<1x9xf32> to vector<1x1x9xf32>
      %reduce_sum3A_92 = arith.constant dense<0.000000e+00> : vector<1xf32>
      %reduce_sum3A_93 = vector.multi_reduction <add>, %reduce_sum3A_91, %reduce_sum3A_92 [1, 2] : vector<1x1x9xf32> to vector<1xf32>
      %reduce_sum3A_94 = vector.shape_cast %reduce_sum3A_93 : vector<1xf32> to vector<1x1x1xf32>
      %reduce_sum3A_95 = vector.extract %reduce_sum3A_94[0, 0, 0] : f32 from vector<1x1x1xf32>
      %iota3A_96 = tpu.iota {dimensions = array<i32: 1>} : vector<1x9xi32>
      %add3A_97 = arith.constant 1 : i32
      %add3A_98 = arith.addi %add3A_84, %add3A_97 : i32
      %eq3A_99 = vector.broadcast %add3A_98 : i32 to vector<1x9xi32>
      %eq3A_100 = arith.cmpi eq, %iota3A_96, %eq3A_99 : vector<1x9xi32>
      %jit3A_101 = arith.constant 0.000000e+00 : f32
      %broadcast_in_dim3A_102 = vector.broadcast %jit3A_101 : f32 to vector<1x9xf32>
      %select_n3A_103 = arith.select %eq3A_100, %slice3A_13, %broadcast_in_dim3A_102 : vector<1x9xi1>, vector<1x9xf32>
      %reduce_sum3A_104 = vector.shape_cast %select_n3A_103 : vector<1x9xf32> to vector<1x1x9xf32>
      %reduce_sum3A_105 = arith.constant dense<0.000000e+00> : vector<1xf32>
      %reduce_sum3A_106 = vector.multi_reduction <add>, %reduce_sum3A_104, %reduce_sum3A_105 [1, 2] : vector<1x1x9xf32> to vector<1xf32>
      %reduce_sum3A_107 = vector.shape_cast %reduce_sum3A_106 : vector<1xf32> to vector<1x1x1xf32>
      %reduce_sum3A_108 = vector.extract %reduce_sum3A_107[0, 0, 0] : f32 from vector<1x1x1xf32>
      %ge3A = vector.broadcast %reduce_sum3A_95 : f32 to vector<256x1xf32>
      %ge3A_109 = arith.cmpf oge, %convert_element_type3A_16, %ge3A : vector<256x1xf32>
      %lt3A = vector.broadcast %reduce_sum3A_108 : f32 to vector<256x1xf32>
      %lt3A_110 = arith.cmpf olt, %convert_element_type3A_16, %lt3A : vector<256x1xf32>
      %and3A_111 = arith.andi %ge3A_109, %lt3A_110 : vector<256x1xi1>
      %get3A_112 = arith.index_cast %add3A_84 : i32 to index
      %get3A_113 = arith.constant 0 : index
      %get3A_114 = arith.constant 0 : index
      %get3A_115 = vector.load %arg4[%get3A_112, %get3A_113, %get3A_114] : memref<8x512x256xf32, #tpu.memory_space<vmem>>, vector<1x256x256xf32>
      %get3A_116 = vector.shape_cast %get3A_115 : vector<1x256x256xf32> to vector<256x256xf32>
      %dot_general3A = arith.constant dense<0.000000e+00> : vector<256x256xf32>
      %dot_general3A_117 = tpu.matmul %bitcast_convert_type3A, %get3A_116, %dot_general3A {dimension_numbers = #tpu.dot_dimension_numbers<[1], [0], [0], [1], [0, 0, 1, 1], [], []>, transpose_lhs_hint = false} : vector<256x256xf32>, vector<256x256xf32>, vector<256x256xf32> -> vector<256x256xf32>
      %get3A_118 = arith.index_cast %add3A_84 : i32 to index
      %get3A_119 = arith.constant 256 : index
      %get3A_120 = arith.constant 0 : index
      %get3A_121 = vector.load %arg4[%get3A_118, %get3A_119, %get3A_120] : memref<8x512x256xf32, #tpu.memory_space<vmem>>, vector<1x256x256xf32>
      %get3A_122 = vector.shape_cast %get3A_121 : vector<1x256x256xf32> to vector<256x256xf32>
      %dot_general3A_123 = arith.constant dense<0.000000e+00> : vector<256x256xf32>
      %dot_general3A_124 = tpu.matmul %bitcast_convert_type3A_8, %get3A_122, %dot_general3A_123 {dimension_numbers = #tpu.dot_dimension_numbers<[1], [0], [0], [1], [0, 0, 1, 1], [], []>, transpose_lhs_hint = false} : vector<256x256xf32>, vector<256x256xf32>, vector<256x256xf32> -> vector<256x256xf32>
      %add3A_125 = arith.addf %dot_general3A_117, %dot_general3A_124 : vector<256x256xf32>
      %get3A_126 = arith.index_cast %add3A_84 : i32 to index
      %get3A_127 = arith.constant 0 : index
      %get3A_128 = arith.constant 0 : index
      %get3A_129 = vector.load %arg8[%get3A_126, %get3A_127, %get3A_128] : memref<8x1x256xf32, #tpu.memory_space<vmem>>, vector<1x1x256xf32>
      %get3A_130 = vector.shape_cast %get3A_129 : vector<1x1x256xf32> to vector<1x256xf32>
      %add3A_131 = vector.broadcast %get3A_130 : vector<1x256xf32> to vector<256x256xf32>
      %add3A_132 = arith.addf %add3A_125, %add3A_131 : vector<256x256xf32>
      %max3A = arith.constant 0.000000e+00 : f32
      %max3A_133 = vector.broadcast %max3A : f32 to vector<256x256xf32>
      %max3A_134 = arith.maximumf %add3A_132, %max3A_133 : vector<256x256xf32>
      %mul3A_135 = arith.constant 1.000000e+01 : f32
      %mul3A_136 = vector.broadcast %mul3A_135 : f32 to vector<256x256xf32>
      %mul3A_137 = arith.mulf %add3A_132, %mul3A_136 : vector<256x256xf32>
      %min3A = arith.constant 0.000000e+00 : f32
      %min3A_138 = vector.broadcast %min3A : f32 to vector<256x256xf32>
      %min3A_139 = arith.minimumf %mul3A_137, %min3A_138 : vector<256x256xf32>
      %exp3A = math.exp %min3A_139 : vector<256x256xf32>
      %sub3A_140 = arith.constant 1.000000e+00 : f32
      %sub3A_141 = vector.broadcast %sub3A_140 : f32 to vector<256x256xf32>
      %sub3A_142 = arith.subf %exp3A, %sub3A_141 : vector<256x256xf32>
      %mul3A_143 = arith.constant 1.000000e-01 : f32
      %mul3A_144 = vector.broadcast %mul3A_143 : f32 to vector<256x256xf32>
      %mul3A_145 = arith.mulf %mul3A_144, %sub3A_142 : vector<256x256xf32>
      %add3A_146 = arith.addf %max3A_134, %mul3A_145 : vector<256x256xf32>
      %get3A_147 = arith.index_cast %add3A_84 : i32 to index
      %get3A_148 = arith.constant 0 : index
      %get3A_149 = arith.constant 0 : index
      %get3A_150 = vector.load %arg5[%get3A_147, %get3A_148, %get3A_149] : memref<8x256x192xf32, #tpu.memory_space<vmem>>, vector<1x256x192xf32>
      %get3A_151 = vector.shape_cast %get3A_150 : vector<1x256x192xf32> to vector<256x192xf32>
      %dot_general3A_152 = arith.constant dense<0.000000e+00> : vector<256x192xf32>
      %dot_general3A_153 = tpu.matmul %add3A_146, %get3A_151, %dot_general3A_152 {dimension_numbers = #tpu.dot_dimension_numbers<[1], [0], [0], [1], [0, 0, 1, 1], [], []>, transpose_lhs_hint = false} : vector<256x256xf32>, vector<256x192xf32>, vector<256x192xf32> -> vector<256x192xf32>
      %get3A_154 = arith.index_cast %add3A_84 : i32 to index
      %get3A_155 = arith.constant 0 : index
      %get3A_156 = arith.constant 0 : index
      %get3A_157 = vector.load %arg9[%get3A_154, %get3A_155, %get3A_156] : memref<8x1x192xf32, #tpu.memory_space<vmem>>, vector<1x1x192xf32>
      %get3A_158 = vector.shape_cast %get3A_157 : vector<1x1x192xf32> to vector<1x192xf32>
      %add3A_159 = vector.broadcast %get3A_158 : vector<1x192xf32> to vector<256x192xf32>
      %add3A_160 = arith.addf %dot_general3A_153, %add3A_159 : vector<256x192xf32>
      %max3A_161 = arith.constant 0.000000e+00 : f32
      %max3A_162 = vector.broadcast %max3A_161 : f32 to vector<256x192xf32>
      %max3A_163 = arith.maximumf %add3A_160, %max3A_162 : vector<256x192xf32>
      %mul3A_164 = arith.constant 1.000000e+01 : f32
      %mul3A_165 = vector.broadcast %mul3A_164 : f32 to vector<256x192xf32>
      %mul3A_166 = arith.mulf %add3A_160, %mul3A_165 : vector<256x192xf32>
      %min3A_167 = arith.constant 0.000000e+00 : f32
      %min3A_168 = vector.broadcast %min3A_167 : f32 to vector<256x192xf32>
      %min3A_169 = arith.minimumf %mul3A_166, %min3A_168 : vector<256x192xf32>
      %exp3A_170 = math.exp %min3A_169 : vector<256x192xf32>
      %sub3A_171 = arith.constant 1.000000e+00 : f32
      %sub3A_172 = vector.broadcast %sub3A_171 : f32 to vector<256x192xf32>
      %sub3A_173 = arith.subf %exp3A_170, %sub3A_172 : vector<256x192xf32>
      %mul3A_174 = arith.constant 1.000000e-01 : f32
      %mul3A_175 = vector.broadcast %mul3A_174 : f32 to vector<256x192xf32>
      %mul3A_176 = arith.mulf %mul3A_175, %sub3A_173 : vector<256x192xf32>
      %add3A_177 = arith.addf %max3A_163, %mul3A_176 : vector<256x192xf32>
      %get3A_178 = arith.index_cast %add3A_84 : i32 to index
      %get3A_179 = arith.constant 0 : index
      %get3A_180 = arith.constant 0 : index
      %get3A_181 = vector.load %arg6[%get3A_178, %get3A_179, %get3A_180] : memref<8x192x160xf32, #tpu.memory_space<vmem>>, vector<1x192x160xf32>
      %get3A_182 = vector.shape_cast %get3A_181 : vector<1x192x160xf32> to vector<192x160xf32>
      %dot_general3A_183 = arith.constant dense<0.000000e+00> : vector<256x160xf32>
      %dot_general3A_184 = tpu.matmul %add3A_177, %get3A_182, %dot_general3A_183 {dimension_numbers = #tpu.dot_dimension_numbers<[1], [0], [0], [1], [0, 0, 1, 1], [], []>, transpose_lhs_hint = false} : vector<256x192xf32>, vector<192x160xf32>, vector<256x160xf32> -> vector<256x160xf32>
      %get3A_185 = arith.index_cast %add3A_84 : i32 to index
      %get3A_186 = arith.constant 0 : index
      %get3A_187 = arith.constant 0 : index
      %get3A_188 = vector.load %arg10[%get3A_185, %get3A_186, %get3A_187] : memref<8x1x160xf32, #tpu.memory_space<vmem>>, vector<1x1x160xf32>
      %get3A_189 = vector.shape_cast %get3A_188 : vector<1x1x160xf32> to vector<1x160xf32>
      %add3A_190 = vector.broadcast %get3A_189 : vector<1x160xf32> to vector<256x160xf32>
      %add3A_191 = arith.addf %dot_general3A_184, %add3A_190 : vector<256x160xf32>
      %max3A_192 = arith.constant 0.000000e+00 : f32
      %max3A_193 = vector.broadcast %max3A_192 : f32 to vector<256x160xf32>
      %max3A_194 = arith.maximumf %add3A_191, %max3A_193 : vector<256x160xf32>
      %mul3A_195 = arith.constant 1.000000e+01 : f32
      %mul3A_196 = vector.broadcast %mul3A_195 : f32 to vector<256x160xf32>
      %mul3A_197 = arith.mulf %add3A_191, %mul3A_196 : vector<256x160xf32>
      %min3A_198 = arith.constant 0.000000e+00 : f32
      %min3A_199 = vector.broadcast %min3A_198 : f32 to vector<256x160xf32>
      %min3A_200 = arith.minimumf %mul3A_197, %min3A_199 : vector<256x160xf32>
      %exp3A_201 = math.exp %min3A_200 : vector<256x160xf32>
      %sub3A_202 = arith.constant 1.000000e+00 : f32
      %sub3A_203 = vector.broadcast %sub3A_202 : f32 to vector<256x160xf32>
      %sub3A_204 = arith.subf %exp3A_201, %sub3A_203 : vector<256x160xf32>
      %mul3A_205 = arith.constant 1.000000e-01 : f32
      %mul3A_206 = vector.broadcast %mul3A_205 : f32 to vector<256x160xf32>
      %mul3A_207 = arith.mulf %mul3A_206, %sub3A_204 : vector<256x160xf32>
      %add3A_208 = arith.addf %max3A_194, %mul3A_207 : vector<256x160xf32>
      %get3A_209 = arith.index_cast %add3A_84 : i32 to index
      %get3A_210 = arith.constant 0 : index
      %get3A_211 = arith.constant 0 : index
      %get3A_212 = vector.load %arg7[%get3A_209, %get3A_210, %get3A_211] : memref<8x160x1xf32, #tpu.memory_space<vmem>>, vector<1x160x1xf32>
      %get3A_213 = vector.shape_cast %get3A_212 : vector<1x160x1xf32> to vector<160x1xf32>
      %dot_general3A_214 = arith.constant dense<0.000000e+00> : vector<256x1xf32>
      %dot_general3A_215 = tpu.matmul %add3A_208, %get3A_213, %dot_general3A_214 {dimension_numbers = #tpu.dot_dimension_numbers<[1], [0], [0], [1], [0, 0, 1, 1], [], []>, transpose_lhs_hint = false} : vector<256x160xf32>, vector<160x1xf32>, vector<256x1xf32> -> vector<256x1xf32>
      %get3A_216 = arith.index_cast %add3A_84 : i32 to index
      %get3A_217 = arith.constant 0 : index
      %get3A_218 = arith.constant 0 : index
      %get3A_219 = vector.load %arg11[%get3A_216, %get3A_217, %get3A_218] : memref<8x1x1xf32, #tpu.memory_space<vmem>>, vector<1x1x1xf32>
      %get3A_220 = vector.shape_cast %get3A_219 : vector<1x1x1xf32> to vector<1x1xf32>
      %add3A_221 = vector.broadcast %get3A_220 : vector<1x1xf32> to vector<256x1xf32>
      %add3A_222 = arith.addf %dot_general3A_215, %add3A_221 : vector<256x1xf32>
      %jit3A_223 = arith.constant 0.000000e+00 : f32
      %broadcast_in_dim3A_224 = vector.broadcast %jit3A_223 : f32 to vector<256x1xf32>
      %select_n3A_225 = arith.select %and3A_111, %add3A_222, %broadcast_in_dim3A_224 : vector<256x1xi1>, vector<256x1xf32>
      %add3A_226 = arith.addf %while3A_83, %select_n3A_225 : vector<256x1xf32>
      scf.yield %add3A_226 : vector<256x1xf32>
    }
    %while3A_60 = arith.constant 1 : i32
    %while3A_61 = scf.for %while3A_82 = %while3A_57 to %while3A_53 step %while3A_60 iter_args(%while3A_83 = %while3A_59) -> (vector<256x1xf32>)  : i32 {
      %add3A_84 = arith.addi %convert_element_type3A_31, %while3A_82 : i32
      %iota3A_85 = tpu.iota {dimensions = array<i32: 1>} : vector<1x9xi32>
      %eq3A_86 = vector.broadcast %add3A_84 : i32 to vector<1x9xi32>
      %eq3A_87 = arith.cmpi eq, %iota3A_85, %eq3A_86 : vector<1x9xi32>
      %jit3A_88 = arith.constant 0.000000e+00 : f32
      %broadcast_in_dim3A_89 = vector.broadcast %jit3A_88 : f32 to vector<1x9xf32>
      %select_n3A_90 = arith.select %eq3A_87, %slice3A_13, %broadcast_in_dim3A_89 : vector<1x9xi1>, vector<1x9xf32>
      %reduce_sum3A_91 = vector.shape_cast %select_n3A_90 : vector<1x9xf32> to vector<1x1x9xf32>
      %reduce_sum3A_92 = arith.constant dense<0.000000e+00> : vector<1xf32>
      %reduce_sum3A_93 = vector.multi_reduction <add>, %reduce_sum3A_91, %reduce_sum3A_92 [1, 2] : vector<1x1x9xf32> to vector<1xf32>
      %reduce_sum3A_94 = vector.shape_cast %reduce_sum3A_93 : vector<1xf32> to vector<1x1x1xf32>
      %reduce_sum3A_95 = vector.extract %reduce_sum3A_94[0, 0, 0] : f32 from vector<1x1x1xf32>
      %iota3A_96 = tpu.iota {dimensions = array<i32: 1>} : vector<1x9xi32>
      %add3A_97 = arith.constant 1 : i32
      %add3A_98 = arith.addi %add3A_84, %add3A_97 : i32
      %eq3A_99 = vector.broadcast %add3A_98 : i32 to vector<1x9xi32>
      %eq3A_100 = arith.cmpi eq, %iota3A_96, %eq3A_99 : vector<1x9xi32>
      %jit3A_101 = arith.constant 0.000000e+00 : f32
      %broadcast_in_dim3A_102 = vector.broadcast %jit3A_101 : f32 to vector<1x9xf32>
      %select_n3A_103 = arith.select %eq3A_100, %slice3A_13, %broadcast_in_dim3A_102 : vector<1x9xi1>, vector<1x9xf32>
      %reduce_sum3A_104 = vector.shape_cast %select_n3A_103 : vector<1x9xf32> to vector<1x1x9xf32>
      %reduce_sum3A_105 = arith.constant dense<0.000000e+00> : vector<1xf32>
      %reduce_sum3A_106 = vector.multi_reduction <add>, %reduce_sum3A_104, %reduce_sum3A_105 [1, 2] : vector<1x1x9xf32> to vector<1xf32>
      %reduce_sum3A_107 = vector.shape_cast %reduce_sum3A_106 : vector<1xf32> to vector<1x1x1xf32>
      %reduce_sum3A_108 = vector.extract %reduce_sum3A_107[0, 0, 0] : f32 from vector<1x1x1xf32>
      %ge3A = vector.broadcast %reduce_sum3A_95 : f32 to vector<256x1xf32>
      %ge3A_109 = arith.cmpf oge, %convert_element_type3A_16, %ge3A : vector<256x1xf32>
      %lt3A = vector.broadcast %reduce_sum3A_108 : f32 to vector<256x1xf32>
      %lt3A_110 = arith.cmpf olt, %convert_element_type3A_16, %lt3A : vector<256x1xf32>
      %and3A_111 = arith.andi %ge3A_109, %lt3A_110 : vector<256x1xi1>
      %get3A_112 = arith.index_cast %add3A_84 : i32 to index
      %get3A_113 = arith.constant 0 : index
      %get3A_114 = arith.constant 0 : index
      %get3A_115 = vector.load %arg4[%get3A_112, %get3A_113, %get3A_114] : memref<8x512x256xf32, #tpu.memory_space<vmem>>, vector<1x256x256xf32>
      %get3A_116 = vector.shape_cast %get3A_115 : vector<1x256x256xf32> to vector<256x256xf32>
      %dot_general3A = arith.constant dense<0.000000e+00> : vector<256x256xf32>
      %dot_general3A_117 = tpu.matmul %bitcast_convert_type3A, %get3A_116, %dot_general3A {dimension_numbers = #tpu.dot_dimension_numbers<[1], [0], [0], [1], [0, 0, 1, 1], [], []>, transpose_lhs_hint = false} : vector<256x256xf32>, vector<256x256xf32>, vector<256x256xf32> -> vector<256x256xf32>
      %get3A_118 = arith.index_cast %add3A_84 : i32 to index
      %get3A_119 = arith.constant 256 : index
      %get3A_120 = arith.constant 0 : index
      %get3A_121 = vector.load %arg4[%get3A_118, %get3A_119, %get3A_120] : memref<8x512x256xf32, #tpu.memory_space<vmem>>, vector<1x256x256xf32>
      %get3A_122 = vector.shape_cast %get3A_121 : vector<1x256x256xf32> to vector<256x256xf32>
      %dot_general3A_123 = arith.constant dense<0.000000e+00> : vector<256x256xf32>
      %dot_general3A_124 = tpu.matmul %bitcast_convert_type3A_8, %get3A_122, %dot_general3A_123 {dimension_numbers = #tpu.dot_dimension_numbers<[1], [0], [0], [1], [0, 0, 1, 1], [], []>, transpose_lhs_hint = false} : vector<256x256xf32>, vector<256x256xf32>, vector<256x256xf32> -> vector<256x256xf32>
      %add3A_125 = arith.addf %dot_general3A_117, %dot_general3A_124 : vector<256x256xf32>
      %get3A_126 = arith.index_cast %add3A_84 : i32 to index
      %get3A_127 = arith.constant 0 : index
      %get3A_128 = arith.constant 0 : index
      %get3A_129 = vector.load %arg8[%get3A_126, %get3A_127, %get3A_128] : memref<8x1x256xf32, #tpu.memory_space<vmem>>, vector<1x1x256xf32>
      %get3A_130 = vector.shape_cast %get3A_129 : vector<1x1x256xf32> to vector<1x256xf32>
      %add3A_131 = vector.broadcast %get3A_130 : vector<1x256xf32> to vector<256x256xf32>
      %add3A_132 = arith.addf %add3A_125, %add3A_131 : vector<256x256xf32>
      %max3A = arith.constant 0.000000e+00 : f32
      %max3A_133 = vector.broadcast %max3A : f32 to vector<256x256xf32>
      %max3A_134 = arith.maximumf %add3A_132, %max3A_133 : vector<256x256xf32>
      %mul3A_135 = arith.constant 1.000000e+01 : f32
      %mul3A_136 = vector.broadcast %mul3A_135 : f32 to vector<256x256xf32>
      %mul3A_137 = arith.mulf %add3A_132, %mul3A_136 : vector<256x256xf32>
      %min3A = arith.constant 0.000000e+00 : f32
      %min3A_138 = vector.broadcast %min3A : f32 to vector<256x256xf32>
      %min3A_139 = arith.minimumf %mul3A_137, %min3A_138 : vector<256x256xf32>
      %exp3A = math.exp %min3A_139 : vector<256x256xf32>
      %sub3A_140 = arith.constant 1.000000e+00 : f32
      %sub3A_141 = vector.broadcast %sub3A_140 : f32 to vector<256x256xf32>
      %sub3A_142 = arith.subf %exp3A, %sub3A_141 : vector<256x256xf32>
      %mul3A_143 = arith.constant 1.000000e-01 : f32
      %mul3A_144 = vector.broadcast %mul3A_143 : f32 to vector<256x256xf32>
      %mul3A_145 = arith.mulf %mul3A_144, %sub3A_142 : vector<256x256xf32>
      %add3A_146 = arith.addf %max3A_134, %mul3A_145 : vector<256x256xf32>
      %get3A_147 = arith.index_cast %add3A_84 : i32 to index
      %get3A_148 = arith.constant 0 : index
      %get3A_149 = arith.constant 0 : index
      %get3A_150 = vector.load %arg5[%get3A_147, %get3A_148, %get3A_149] : memref<8x256x192xf32, #tpu.memory_space<vmem>>, vector<1x256x192xf32>
      %get3A_151 = vector.shape_cast %get3A_150 : vector<1x256x192xf32> to vector<256x192xf32>
      %dot_general3A_152 = arith.constant dense<0.000000e+00> : vector<256x192xf32>
      %dot_general3A_153 = tpu.matmul %add3A_146, %get3A_151, %dot_general3A_152 {dimension_numbers = #tpu.dot_dimension_numbers<[1], [0], [0], [1], [0, 0, 1, 1], [], []>, transpose_lhs_hint = false} : vector<256x256xf32>, vector<256x192xf32>, vector<256x192xf32> -> vector<256x192xf32>
      %get3A_154 = arith.index_cast %add3A_84 : i32 to index
      %get3A_155 = arith.constant 0 : index
      %get3A_156 = arith.constant 0 : index
      %get3A_157 = vector.load %arg9[%get3A_154, %get3A_155, %get3A_156] : memref<8x1x192xf32, #tpu.memory_space<vmem>>, vector<1x1x192xf32>
      %get3A_158 = vector.shape_cast %get3A_157 : vector<1x1x192xf32> to vector<1x192xf32>
      %add3A_159 = vector.broadcast %get3A_158 : vector<1x192xf32> to vector<256x192xf32>
      %add3A_160 = arith.addf %dot_general3A_153, %add3A_159 : vector<256x192xf32>
      %max3A_161 = arith.constant 0.000000e+00 : f32
      %max3A_162 = vector.broadcast %max3A_161 : f32 to vector<256x192xf32>
      %max3A_163 = arith.maximumf %add3A_160, %max3A_162 : vector<256x192xf32>
      %mul3A_164 = arith.constant 1.000000e+01 : f32
      %mul3A_165 = vector.broadcast %mul3A_164 : f32 to vector<256x192xf32>
      %mul3A_166 = arith.mulf %add3A_160, %mul3A_165 : vector<256x192xf32>
      %min3A_167 = arith.constant 0.000000e+00 : f32
      %min3A_168 = vector.broadcast %min3A_167 : f32 to vector<256x192xf32>
      %min3A_169 = arith.minimumf %mul3A_166, %min3A_168 : vector<256x192xf32>
      %exp3A_170 = math.exp %min3A_169 : vector<256x192xf32>
      %sub3A_171 = arith.constant 1.000000e+00 : f32
      %sub3A_172 = vector.broadcast %sub3A_171 : f32 to vector<256x192xf32>
      %sub3A_173 = arith.subf %exp3A_170, %sub3A_172 : vector<256x192xf32>
      %mul3A_174 = arith.constant 1.000000e-01 : f32
      %mul3A_175 = vector.broadcast %mul3A_174 : f32 to vector<256x192xf32>
      %mul3A_176 = arith.mulf %mul3A_175, %sub3A_173 : vector<256x192xf32>
      %add3A_177 = arith.addf %max3A_163, %mul3A_176 : vector<256x192xf32>
      %get3A_178 = arith.index_cast %add3A_84 : i32 to index
      %get3A_179 = arith.constant 0 : index
      %get3A_180 = arith.constant 0 : index
      %get3A_181 = vector.load %arg6[%get3A_178, %get3A_179, %get3A_180] : memref<8x192x160xf32, #tpu.memory_space<vmem>>, vector<1x192x160xf32>
      %get3A_182 = vector.shape_cast %get3A_181 : vector<1x192x160xf32> to vector<192x160xf32>
      %dot_general3A_183 = arith.constant dense<0.000000e+00> : vector<256x160xf32>
      %dot_general3A_184 = tpu.matmul %add3A_177, %get3A_182, %dot_general3A_183 {dimension_numbers = #tpu.dot_dimension_numbers<[1], [0], [0], [1], [0, 0, 1, 1], [], []>, transpose_lhs_hint = false} : vector<256x192xf32>, vector<192x160xf32>, vector<256x160xf32> -> vector<256x160xf32>
      %get3A_185 = arith.index_cast %add3A_84 : i32 to index
      %get3A_186 = arith.constant 0 : index
      %get3A_187 = arith.constant 0 : index
      %get3A_188 = vector.load %arg10[%get3A_185, %get3A_186, %get3A_187] : memref<8x1x160xf32, #tpu.memory_space<vmem>>, vector<1x1x160xf32>
      %get3A_189 = vector.shape_cast %get3A_188 : vector<1x1x160xf32> to vector<1x160xf32>
      %add3A_190 = vector.broadcast %get3A_189 : vector<1x160xf32> to vector<256x160xf32>
      %add3A_191 = arith.addf %dot_general3A_184, %add3A_190 : vector<256x160xf32>
      %max3A_192 = arith.constant 0.000000e+00 : f32
      %max3A_193 = vector.broadcast %max3A_192 : f32 to vector<256x160xf32>
      %max3A_194 = arith.maximumf %add3A_191, %max3A_193 : vector<256x160xf32>
      %mul3A_195 = arith.constant 1.000000e+01 : f32
      %mul3A_196 = vector.broadcast %mul3A_195 : f32 to vector<256x160xf32>
      %mul3A_197 = arith.mulf %add3A_191, %mul3A_196 : vector<256x160xf32>
      %min3A_198 = arith.constant 0.000000e+00 : f32
      %min3A_199 = vector.broadcast %min3A_198 : f32 to vector<256x160xf32>
      %min3A_200 = arith.minimumf %mul3A_197, %min3A_199 : vector<256x160xf32>
      %exp3A_201 = math.exp %min3A_200 : vector<256x160xf32>
      %sub3A_202 = arith.constant 1.000000e+00 : f32
      %sub3A_203 = vector.broadcast %sub3A_202 : f32 to vector<256x160xf32>
      %sub3A_204 = arith.subf %exp3A_201, %sub3A_203 : vector<256x160xf32>
      %mul3A_205 = arith.constant 1.000000e-01 : f32
      %mul3A_206 = vector.broadcast %mul3A_205 : f32 to vector<256x160xf32>
      %mul3A_207 = arith.mulf %mul3A_206, %sub3A_204 : vector<256x160xf32>
      %add3A_208 = arith.addf %max3A_194, %mul3A_207 : vector<256x160xf32>
      %get3A_209 = arith.index_cast %add3A_84 : i32 to index
      %get3A_210 = arith.constant 0 : index
      %get3A_211 = arith.constant 0 : index
      %get3A_212 = vector.load %arg7[%get3A_209, %get3A_210, %get3A_211] : memref<8x160x1xf32, #tpu.memory_space<vmem>>, vector<1x160x1xf32>
      %get3A_213 = vector.shape_cast %get3A_212 : vector<1x160x1xf32> to vector<160x1xf32>
      %dot_general3A_214 = arith.constant dense<0.000000e+00> : vector<256x1xf32>
      %dot_general3A_215 = tpu.matmul %add3A_208, %get3A_213, %dot_general3A_214 {dimension_numbers = #tpu.dot_dimension_numbers<[1], [0], [0], [1], [0, 0, 1, 1], [], []>, transpose_lhs_hint = false} : vector<256x160xf32>, vector<160x1xf32>, vector<256x1xf32> -> vector<256x1xf32>
      %get3A_216 = arith.index_cast %add3A_84 : i32 to index
      %get3A_217 = arith.constant 0 : index
      %get3A_218 = arith.constant 0 : index
      %get3A_219 = vector.load %arg11[%get3A_216, %get3A_217, %get3A_218] : memref<8x1x1xf32, #tpu.memory_space<vmem>>, vector<1x1x1xf32>
      %get3A_220 = vector.shape_cast %get3A_219 : vector<1x1x1xf32> to vector<1x1xf32>
      %add3A_221 = vector.broadcast %get3A_220 : vector<1x1xf32> to vector<256x1xf32>
      %add3A_222 = arith.addf %dot_general3A_215, %add3A_221 : vector<256x1xf32>
      %jit3A_223 = arith.constant 0.000000e+00 : f32
      %broadcast_in_dim3A_224 = vector.broadcast %jit3A_223 : f32 to vector<256x1xf32>
      %select_n3A_225 = arith.select %and3A_111, %add3A_222, %broadcast_in_dim3A_224 : vector<256x1xi1>, vector<256x1xf32>
      %add3A_226 = arith.addf %while3A_83, %select_n3A_225 : vector<256x1xf32>
      scf.yield %add3A_226 : vector<256x1xf32>
    }
    %iota3A_62 = tpu.iota {dimensions = array<i32: 1>} : vector<256x128xi32>
    %convert_element_type3A_63 = arith.sitofp %iota3A_62 : vector<256x128xi32> to vector<256x128xf32>
    %eq3A_64 = vector.broadcast %slice3A : vector<256x1xf32> to vector<256x128xf32>
    %eq3A_65 = arith.cmpf oeq, %eq3A_64, %convert_element_type3A_63 : vector<256x128xf32>
    %jit3A_66 = arith.constant 1.000000e+00 : f32
    %jit3A_67 = arith.constant 0.000000e+00 : f32
    %broadcast_in_dim3A_68 = vector.broadcast %jit3A_66 : f32 to vector<256x128xf32>
    %broadcast_in_dim3A_69 = vector.broadcast %jit3A_67 : f32 to vector<256x128xf32>
    %select_n3A_70 = arith.select %eq3A_65, %broadcast_in_dim3A_68, %broadcast_in_dim3A_69 : vector<256x128xi1>, vector<256x128xf32>
    %get3A_71 = arith.constant 0 : index
    %get3A_72 = arith.constant 0 : index
    %get3A_73 = vector.load %arg12[%get3A_71, %get3A_72] : memref<1x128xf32, #tpu.memory_space<vmem>>, vector<1x128xf32>
    %mul3A_74 = vector.broadcast %while3A_61 : vector<256x1xf32> to vector<256x128xf32>
    %mul3A_75 = arith.mulf %mul3A_74, %select_n3A_70 : vector<256x128xf32>
    %reduce_sum3A_76 = arith.constant dense<0.000000e+00> : vector<128xf32>
    %reduce_sum3A_77 = vector.multi_reduction <add>, %mul3A_75, %reduce_sum3A_76 [0] : vector<256x128xf32> to vector<128xf32>
    %broadcast_in_dim3A_78 = vector.shape_cast %reduce_sum3A_77 : vector<128xf32> to vector<1x128xf32>
    %add3A_79 = arith.addf %get3A_73, %broadcast_in_dim3A_78 : vector<1x128xf32>
    %swap3A = arith.constant 0 : index
    %swap3A_80 = arith.constant 0 : index
    %swap3A_81 = vector.load %arg12[%swap3A, %swap3A_80] : memref<1x128xf32, #tpu.memory_space<vmem>>, vector<1x128xf32>
    tpu.vector_store %arg12[%swap3A, %swap3A_80], %add3A_79 {strides = array<i32>} : memref<1x128xf32, #tpu.memory_space<vmem>>, vector<1x128xf32>,
    return
  }
  func.func @transform_0(%arg0: i32) -> (i32, i32) {
    %c0_i32 = arith.constant 0 : i32
    %c0_i32_0 = arith.constant 0 : i32
    return %arg0, %c0_i32 : i32, i32
  }
  func.func @transform_1(%arg0: i32) -> (i32, i32) {
    %c0_i32 = arith.constant 0 : i32
    %c0_i32_0 = arith.constant 0 : i32
    %c0_i32_1 = arith.constant 0 : i32
    return %c0_i32, %c0_i32_0 : i32, i32
  }
  func.func @transform_2(%arg0: i32) -> (i32, i32) {
    %c0_i32 = arith.constant 0 : i32
    %c0_i32_0 = arith.constant 0 : i32
    %c0_i32_1 = arith.constant 0 : i32
    return %c0_i32, %c0_i32_0 : i32, i32
  }
  func.func @transform_3(%arg0: i32) -> (i32, i32, i32) {
    %c0_i32 = arith.constant 0 : i32
    %c0_i32_0 = arith.constant 0 : i32
    %c0_i32_1 = arith.constant 0 : i32
    %c0_i32_2 = arith.constant 0 : i32
    return %c0_i32, %c0_i32_0, %c0_i32_1 : i32, i32, i32
  }
  func.func @transform_4(%arg0: i32) -> (i32, i32, i32) {
    %c0_i32 = arith.constant 0 : i32
    %c0_i32_0 = arith.constant 0 : i32
    %c0_i32_1 = arith.constant 0 : i32
    %c0_i32_2 = arith.constant 0 : i32
    return %c0_i32, %c0_i32_0, %c0_i32_1 : i32, i32, i32
  }
  func.func @transform_5(%arg0: i32) -> (i32, i32, i32) {
    %c0_i32 = arith.constant 0 : i32
    %c0_i32_0 = arith.constant 0 : i32
    %c0_i32_1 = arith.constant 0 : i32
    %c0_i32_2 = arith.constant 0 : i32
    return %c0_i32, %c0_i32_0, %c0_i32_1 : i32, i32, i32
  }
  func.func @transform_6(%arg0: i32) -> (i32, i32, i32) {
    %c0_i32 = arith.constant 0 : i32
    %c0_i32_0 = arith.constant 0 : i32
    %c0_i32_1 = arith.constant 0 : i32
    %c0_i32_2 = arith.constant 0 : i32
    return %c0_i32, %c0_i32_0, %c0_i32_1 : i32, i32, i32
  }
  func.func @transform_7(%arg0: i32) -> (i32, i32, i32) {
    %c0_i32 = arith.constant 0 : i32
    %c0_i32_0 = arith.constant 0 : i32
    %c0_i32_1 = arith.constant 0 : i32
    %c0_i32_2 = arith.constant 0 : i32
    return %c0_i32, %c0_i32_0, %c0_i32_1 : i32, i32, i32
  }
  func.func @transform_8(%arg0: i32) -> (i32, i32, i32) {
    %c0_i32 = arith.constant 0 : i32
    %c0_i32_0 = arith.constant 0 : i32
    %c0_i32_1 = arith.constant 0 : i32
    %c0_i32_2 = arith.constant 0 : i32
    return %c0_i32, %c0_i32_0, %c0_i32_1 : i32, i32, i32
  }
  func.func @transform_9(%arg0: i32) -> (i32, i32, i32) {
    %c0_i32 = arith.constant 0 : i32
    %c0_i32_0 = arith.constant 0 : i32
    %c0_i32_1 = arith.constant 0 : i32
    %c0_i32_2 = arith.constant 0 : i32
    return %c0_i32, %c0_i32_0, %c0_i32_1 : i32, i32, i32
  }
  func.func @transform_10(%arg0: i32) -> (i32, i32, i32) {
    %c0_i32 = arith.constant 0 : i32
    %c0_i32_0 = arith.constant 0 : i32
    %c0_i32_1 = arith.constant 0 : i32
    %c0_i32_2 = arith.constant 0 : i32
    return %c0_i32, %c0_i32_0, %c0_i32_1 : i32, i32, i32
  }
  func.func @transform_11(%arg0: i32) -> (i32, i32) {
    %c0_i32 = arith.constant 0 : i32
    %c0_i32_0 = arith.constant 0 : i32
    %c0_i32_1 = arith.constant 0 : i32
    return %c0_i32, %c0_i32_0 : i32, i32
  }
}

</mosaic_0001>

<sc_bundles>
// kernel: kernel.5.cloned.1.call-start
scs
__scs_entry_jumppad:
0x0: {  	(pc) =	sbr.rel $0x88, $3  }
0x1: {  	(tag) =	ssettag $0x0;
	lr =	simm.s32 $0x1  }
0x2: {  	[smem:$0x3F8C] =	sst lr;
	_ =	strace $0xD0000000  }
0x3: {  	_ = 	snop  }
0x4: {  	_ = 	snop  }
0x5: {  	_ = 	snop  }
0x6: {  	_ = 	snop  }
0x7: {  	_ = 	snop  }
__scs_overlays_trampoline_lowered:
0x8: {  	[smem:$0x3F9B] =	sst s0  }
0x9: {  	[smem:$0x3F9C] =	sst s1  }
0xa: {  	[smem:$0x3F9D] =	sst s2  }
0xb: {  	[smem:$0x3F9E] =	sst s3  }
0xc: {  	[smem:$0x3F9F] =	sst s4  }
0xd: {  	[smem:$0x3FA0] =	sst s5  }
0xe: {  	[smem:$0x3FA1] =	sst s6  }
0xf: {  	[smem:$0x3FA2] =	sst s7  }
0x10: {  	[smem:$0x3FA3] =	sst s8  }
0x11: {  	[smem:$0x3FA4] =	sst s9;
	s0 =	simm.s32 @!p0 $0x0  }
0x12: {  	s1 =	sld [smem:$0x3F8A];
	s0 =	simm.s32 @p0 $0x1  }
0x13: {  	[smem:$0x3FA5] =	sst s0;
	s0 =	simm.s32 @!p1 $0x0  }
0x14: {  	s2 =	sld [smem:$0x3F89];
	s0 =	simm.s32 @p1 $0x1  }
0x15: {  	[smem:$0x3FA6] =	sst s0;
	s0 =	simm.s32 @!p2 $0x0  }
0x16: {  	s3 =	sld [smem:$0x3FDB];
	s0 =	simm.s32 @p2 $0x1  }
0x17: {  	s4 =	simm.s32 $0x1BF5;
	[smem:$0x3FA8] =	sst s0  }
0x18: {  	s0 =	sld [smem:$0x3F8B];
	_ =	swait.ge [sflag:s4], $0x0  }
0x19: {  	s7 =	sld [smem:$0x3F8C]  }
0x1a: {  	s8 =	sadd.s32 $0xFFFFE003, lr  }
0x1b: {  	s9 =	sadd.s32 $0xFFFFFEF7, lr;
	s5 =	simm.s32 $0xFFFFFFFF;
	p2 =	slt.u32 s8, $0xFFFFF086  }
0x1c: {  	p1 =	slt.u32 s9, $0xF7A;
	s5 =	simm.s32 @!p2 $0x0  }
0x1d: {  	s5 =	simm.s32 @p1 $0x1;
	p0 =	seq.s32 s7, s2  }
0x1e: {  	s7 =	smul.u32 @!p0 $0xF7A, s2;
	p2 =	seq.s32 @!p0 s5, $0x0  }
0x1f: {  	s9 =	smul.u32 $0xF7A, s1;
	s8 =	simm.s32 @!p0 $0x1BF5;
	p2 =	por !p2, p0  }
0x20: {  	[sflag:s8] =	ssyncset.s32 @!p0 $0xFFFFF086;
	s6 =	sadd.s32 @!p0 s3, s7;
	s7 =	simm.s32 @!p0 $0x108  }
0x21: {  	s3 =	sadd.s32 s3, s9;
	s6 =	sadd.s32 @!p0 $0x88, s6;
	s7 =	simm.s32 @p2 $0x1082  }
0x22: {  	[simem:s7], [sflag:s8] =	dma.local @!p0 [hbm:s6], $0xF7A  }
0x23: {  	s9 =	sor.u32 $0xD0000000, s2;
	s6 =	simm.s32 $0x108;
	_ =	swait.ge @!p0 [sflag:s8], $0x0  }
0x24: {  	s3 =	sadd.s32 $0x88, s3;
	s6 =	simm.s32 @!p1 $0x1082;
	[sflag:s4] =	ssyncset.s32 $0xFFFFF086  }
0x25: {  	[simem:s6], [sflag:s4] =	dma.local [hbm:s3], $0xF7A  }
0x26: {  	[smem:$0x3F8C] =	sst s1;
	(tag) =	ssettag s2;
	_ =	strace s9  }
0x27: {  	s1 =	sld [smem:$0x3F9C]  }
0x28: {  	s2 =	sld [smem:$0x3F9D]  }
0x29: {  	s4 =	sld [smem:$0x3F9F]  }
0x2a: {  	p0 =	seq.s32 s5, $0x0;
	s5 =	sld [smem:$0x3FA0]  }
0x2b: {  	s6 =	sld [smem:$0x3FA1]  }
0x2c: {  	s7 =	sld [smem:$0x3FA2]  }
0x2d: {  	s3 =	simm.s32 $0x108;
	s8 =	sld [smem:$0x3FA3]  }
0x2e: {  	s3 =	simm.s32 @!p0 $0x1082;
	s9 =	sld [smem:$0x3FA4]  }
0x2f: {  	lr =	sadd.s32 s0, s3;
	s0 =	sld [smem:$0x3F9B]  }
0x30: {  	s3 =	sld [smem:$0x3F9E]  }
0x31: {  	[smem:$0x3FA7] =	sst s10  }
0x32: {  	s10 =	sld [smem:$0x3FA5];
	_ =	sdelay $0x3  }
0x33: {  	p0 =	seq.s32 s10, $0x1;
	s10 =	sld [smem:$0x3FA7];
	_ =	sdelay $0x3  }
0x34: {  	[smem:$0x3FA7] =	sst s10  }
0x35: {  	s10 =	sld [smem:$0x3FA6];
	_ =	sdelay $0x3  }
0x36: {  	p1 =	seq.s32 s10, $0x1;
	s10 =	sld [smem:$0x3FA7];
	_ =	sdelay $0x3  }
0x37: {  	[smem:$0x3FA7] =	sst s10  }
0x38: {  	s10 =	sld [smem:$0x3FA8]  }
0x39: {  	_ = 	snop;
	(pc) =	sbr.ind lr, $3  }
0x3a: {  	_ = 	snop  }
0x3b: {  	_ = 	snop  }
0x3c: {  	p2 =	seq.s32 s10, $0x1;
	s10 =	sld [smem:$0x3FA7]  }
0x3d: {  	_ =	shalt  }
0x3e: {  	_ =	shalt  }
0x3f: {  	_ =	shalt  }
0x40: {  	_ =	shalt  }
0x41: {  	_ =	shalt  }
0x42: {  	_ =	shalt  }
0x43: {  	_ =	shalt  }
0x44: {  	_ =	shalt  }
0x45: {  	_ =	shalt  }
0x46: {  	_ =	shalt  }
0x47: {  	_ =	shalt  }
0x48: {  	_ =	shalt  }
0x49: {  	_ =	shalt  }
0x4a: {  	_ =	shalt  }
0x4b: {  	_ =	shalt  }
0x4c: {  	_ =	shalt  }
0x4d: {  	_ =	shalt  }
0x4e: {  	_ =	shalt  }
0x4f: {  	_ =	shalt  }
0x50: {  	_ =	shalt  }
0x51: {  	_ =	shalt  }
0x52: {  	_ =	shalt  }
0x53: {  	_ =	shalt  }
0x54: {  	_ =	shalt  }
0x55: {  	_ =	shalt  }
0x56: {  	_ =	shalt  }
0x57: {  	_ =	shalt  }
0x58: {  	_ =	shalt  }
0x59: {  	_ =	shalt  }
0x5a: {  	_ =	shalt  }
0x5b: {  	_ =	shalt  }
0x5c: {  	_ =	shalt  }
0x5d: {  	_ =	shalt  }
0x5e: {  	_ =	shalt  }
0x5f: {  	_ =	shalt  }
0x60: {  	_ =	shalt  }
0x61: {  	_ =	shalt  }
0x62: {  	_ =	shalt  }
0x63: {  	_ =	shalt  }
0x64: {  	_ =	shalt  }
0x65: {  	_ =	shalt  }
0x66: {  	_ =	shalt  }
0x67: {  	_ =	shalt  }
0x68: {  	_ =	shalt  }
0x69: {  	_ =	shalt  }
0x6a: {  	_ =	shalt  }
0x6b: {  	_ =	shalt  }
0x6c: {  	_ =	shalt  }
0x6d: {  	_ =	shalt  }
0x6e: {  	_ =	shalt  }
0x6f: {  	_ =	shalt  }
0x70: {  	_ =	shalt  }
0x71: {  	_ =	shalt  }
0x72: {  	_ =	shalt  }
0x73: {  	_ =	shalt  }
0x74: {  	_ =	shalt  }
0x75: {  	_ =	shalt  }
0x76: {  	_ =	shalt  }
0x77: {  	_ =	shalt  }
0x78: {  	_ =	shalt  }
0x79: {  	_ =	shalt  }
0x7a: {  	_ =	shalt  }
0x7b: {  	_ =	shalt  }
0x7c: {  	_ =	shalt  }
0x7d: {  	_ =	shalt  }
0x7e: {  	_ =	shalt  }
0x7f: {  	_ =	shalt  }
0x80: {  	_ =	shalt  }
0x81: {  	_ =	shalt  }
0x82: {  	_ =	shalt  }
0x83: {  	_ =	shalt  }
0x84: {  	_ =	shalt  }
0x85: {  	_ =	shalt  }
0x86: {  	_ =	shalt  }
0x87: {  	_ =	shalt  }
.Lfunc_end0:
.L_simem_size_0:
called_computation_lowered:
.L_overlay_start_0:
0x88: {  	s2 =	sld [smem:$0x3FD9]  }
0x89: {  	s3 =	sld [smem:$0x3FFE];
	_ =	sdelay $0x1  }
0x8a: {  	s1 =	srdreg.scid  }
0x8b: {  	s0 =	sand.u32 $0x1, s1  }
0x8c: {  	s14 =	sshll.u32 s0, $0xA;
	s2 =	sadd.s32 s3, s2  }
0x8d: {  	s2 =	sadd.s32 s2, s14  }
0x8e: {  	[smem:$0x3FB3] =	sst s2  }
0x8f: {  	_ = 	snop  }
0x90: {  	s2 =	sld [smem:$0x3FD0];
	_ =	sdelay $0x2  }
0x91: {  	s15 =	simm.s32 $0xA;
	s4 =	simm.s32 $0x10  }
0x92: {  	[smem:s4], [sflag:s15] =	dma.local [hbm:s2], $0x1  }
0x93: {  	_ =	swait.eq [sflag:s15], $0x1  }
0x94: {  	[sflag:s15] =	ssyncset.done $0x0  }
0x95: {  	s16 =	sld [smem:$0x10];
	[sflag:s15] =	ssyncadd.s32 $0xFFFFFFFF  }
0x96: {  	s17 =	sld [smem:$0x11];
	(tm) =	ssettm $0x1  }
0x97: {  	s18 =	sld [smem:$0x3FFB];
	_ =	sdelay $0x3  }
0x98: {  	_ =	strace s18  }
0x99: {  	s4 =	sld [smem:$0x3FFC];
	_ =	sdelay $0x3  }
0x9a: {  	_ =	strace s4  }
0x9b: {  	s4 =	sld [smem:$0x3FFD];
	_ =	sdelay $0x3  }
0x9c: {  	_ =	strace s4  }
0x9d: {  	_ =	strace $0x8FFFFFFF  }
0x9e: {  	s19 =	sld [smem:$0x3FDB];
	_ =	sdelay $0x1  }
0x9f: {  	s5 =	simm.s32 $_scs_section_size  }
0xa0: {  	s6 =	simm.s32 $_size__tile_overlayer_lowered;
	s7 =	simm.s32 $_tile_overlayer_lowered  }
0xa1: {  	s22 =	simm.s32 $0x1BFF;
	s21 =	sshll.u32 s7, $0x1;
	s4 =	sadd.s32 s5, s19  }
0xa2: {  	s8 =	simm.s32 $0x0;
	s20 =	sshll.u32 s6, $0x1;
	s6 =	sadd.s32 s21, s4  }
0xa3: {  	[timem:s8], [sflag:s22] =	dma.local [hbm:s6], s20  }
0xa4: {  	_ =	swait.ge [sflag:s22], s20  }
0xa5: {  	s5 =	ssub.s32 $0x0, s20;
	[sflag:s22] =	ssyncset.done $0x0  }
0xa6: {  	[sflag:s22] =	ssyncadd.s32 s5;
	_ =	sdelay $0x1  }
0xa7: {  	s23 =	simm.s32 $0x1B8B  }
0xa8: {  	_ =	swait.ge [sflag:s23], $0x1  }
0xa9: {  	[sflag:s23] =	ssyncset.done $0x0  }
0xaa: {  	s25 =	simm.s32 $0x1B8E;
	s24 =	sld [smem:$0x3FFE];
	[sflag:s23] =	ssyncadd.s32 $0xFFFFFFFF  }
0xab: {  	s26 =	simm.s32 $execute0_lowered;
	[smem:$0x3FD2] =	sst s25  }
0xac: {  	s6 =	sshll.u32 s26, $0x1;
	_ =	strace $0x80000046;
	[dreg:$0x1] =	wrdreg $0xFFFFFFFF  }
0xad: {  	s28 =	simm.s32 $_size_execute0_lowered;
	s4 =	sadd.s32 s4, s6;
	[dreg:$0x0] =	wrdreg $0x0  }
0xae: {  	s6 =	sshll.u32 s28, $0x1;
	[dreg:$0x2] =	wrdreg s4  }
0xaf: {  	[dreg:$0x3] =	wrdreg s6  }
0xb0: {  	[dreg:$0x4] =	wrdreg $0xC0  }
0xb1: {  	_ =	task [dreg:s8], $0x5FFFF  }
0xb2: {  	[dreg:$0x1] =	wrdreg $0xFFFFFFFF  }
0xb3: {  	[dreg:$0x0] =	wrdreg $0x60  }
0xb4: {  	[dreg:$0x2] =	wrdreg s24  }
0xb5: {  	[dreg:$0x3] =	wrdreg s16  }
0xb6: {  	[dreg:$0x4] =	wrdreg s17  }
0xb7: {  	[dreg:$0x5] =	wrdreg $0x9  }
0xb8: {  	_ =	task.clear_ibuf [dreg:s8], $0x6FFFF;
	_ =	strace $0x90000046  }
0xb9: {  	s29 =	simm.s32 $0x9;
	_ =	strace $0x80000048  }
0xba: {  	_ =	swait.ge [sflag:s29], $0x1  }
0xbb: {  	[sflag:s29] =	ssyncadd.s32 $0xFFFFFFFF  }
0xbc: {  	_ =	strace $0x90000048  }
0xbd: {  	_ =	sfence  }
0xbe: {  	s30 =	sld [smem:$0x0];
	_ =	sdelay $0x2  }
0xbf: {  	s31 =	sshll.u32 s1, $0xD;
	s1 =	sshrl.u32 s1, $0x2  }
0xc0: {  	s3 =	sand.u32 $0x4000, s31;
	s1 =	sadd.s32 s1, s30  }
0xc1: {  	s0 =	sor.u32 s3, s0;
	s1 =	sshll.u32 s1, $0x11  }
0xc2: {  	s0 =	sor.u32 s1, s0  }
0xc3: {  	s0 =	sadd.s32 $0x8F2B, s0  }
0xc4: {  	[sflag:s0] =	ssyncadd.remote.s32 $0x1  }
0xc5: {  	_ =	sfence.sel $0xFFFF  }
0xc6: {  	[dreg:$0x0] =	wrdreg $0xFFFFFFFF;
	(pc) =	sbr.abs _section_cstart, $3  }
0xc7: {  	[dreg:$0x1] =	wrdreg $0xFFFFFFFF  }
0xc8: {  	_ =	task.clear_ibuf [dreg:s8], $0x2FFFF;
	_ =	strace $0x9FFFFFFF  }
0xc9: {  	(tm) =	ssettm $0x7FFFFFFF  }
tec
execute0_lowered:
.L_overlay_start_1:
0x0: {  	(tag) =	ssettag $0x1  }
0x1: {  	s1 =	rddreg [dreg:$0x0];
	s2 =	srdreg.scid  }
0x2: {  	s4 =	rddreg [dreg:$0x1];
	s0 =	stileid.u32  }
0x3: {  	s18 =	rddreg [dreg:$0x2];
	s25 =	simm.s32 $0x100;
	s10 =	simm.s32 $0x1  }
0x4: {  	s11 =	simm.s32 $0xC80;
	s12 =	simm.s32 $0x1480;
	s13 =	simm.s32 $0x1C80  }
0x5: {  	s14 =	simm.s32 $0x2480;
	s15 =	simm.s32 $0x2C80;
	s16 =	simm.s32 $0x3480  }
0x6: {  	s17 =	simm.s32 $0x3C80;
	s26 =	simm.s32 $0x4C80;
	s28 =	simm.s32 $0x9C80  }
0x7: {  	s29 =	simm.s32 $0xA480;
	s30 =	simm.s32 $0xAC80;
	s31 =	simm.s32 $0xB480  }
0x8: {  	s5 =	sand.u32 $0x1, s2;
	s3 =	sshll.u32 s0, $0x9;
	[dreg:$0x4] =	wrdreg s18  }
0x9: {  	s2 =	simm.s32 $0x0;
	s18 =	simm.s32 $0x2;
	s6 =	sshll.u32 s5, $0x8  }
0xa: {  	[smem:$0x7FF] =	sst s2;
	s5 =	ssub.s32 $0x2, s5;
	s3 =	sor.u32 s6, s3  }
0xb: {  	_ =	strace $0x80000047;
	s22 =	sshrl.u32 s5, $0x1;
	[dreg:$0xb] =	wrdreg s25  }
0xc: {  	[dreg:$0xc] =	wrdreg s26;
	s25 =	simm.s32 $0x8C80;
	s26 =	simm.s32 $0x9480  }
0xd: {  	s6 =	sshll.u32 s3, $0x5;
	s7 =	sshrl.u32 s3, $0x3;
	s3 =	sadd.s32 $0x43200, s1  }
0xe: {  	s6 =	sadd.s32 s6, s1;
	s8 =	sadd.s32 s7, s1;
	s21 =	sadd.s32 s4, s7  }
0xf: {  	s4 =	ssub.s32 s5, s22;
	s5 =	simm.s32 $0x480;
	s7 =	simm.s32 $0x8480  }
0x10: {  	s22 =	simm.s32 $0x6C80;
	s19 =	sadd.s32 $0x2E00, s6;
	[dreg:$0x8] =	wrdreg s21  }
0x11: {  	s1 =	simm.s32 $0xBC80;
	s9 =	sadd.s32 $0x3600, s6;
	[dreg:$0x5] =	wrdreg s19  }
0x12: {  	s20 =	sadd.s32 $0x3E00, s6;
	s23 =	sadd.s32 $0x42E00, s8;
	[dreg:$0x6] =	wrdreg s9  }
0x13: {  	s24 =	sadd.s32 $0x4600, s6;
	s4 =	smax.u32 s4, $0x1;
	[dreg:$0x7] =	wrdreg s20  }
0x14: {  	v2 =	vlaneseq.u32;
	s6 =	simm.s32 $0x4480;
	s8 =	simm.s32 $0x3;
	[dreg:$0x9] =	wrdreg s23  }
0x15: {  	vm0 =	vmmov $0xffff;
	v1 =	vshrl.u32 v2, $0x3;
	s21 =	simm.s32 $0x6480;
	[dreg:$0xa] =	wrdreg s24;
	s9 =	simm.s32 $0x200  }
0x16: {  	v0 =	vand.u32 $0x7, v2;
	v2 =	vor.u32 $0x8, v2;
	v1 =	vmul.u32 $0x8, v1;
	s20 =	simm.s32 $0x5C80;
	s23 =	simm.s32 $0x7480;
	s24 =	simm.s32 $0x7C80  }
.LBB2_1:
0x17: {  	s0 =	rddreg [dreg:$0x5]  }
0x18: {  	[tilespmem:s5], [sflag:$0x1] =	stream.linear.gather [hbm4b:s0+s2], $0x4000, $0x38;
	[tilespmem:$0xC480] =	vst v63  }
0x19: {  	s19 =	rddreg [dreg:$0x6]  }
0x1a: {  	[tilespmem:s6], [sflag:$0x1] =	stream.linear.gather [hbm4b:s19+s2], $0x4000, $0x38;
	[tilespmem:$0xC480] =	vst v63  }
0x1b: {  	s0 =	rddreg [dreg:$0x7]  }
0x1c: {  	[tilespmem:s7], [sflag:$0x1] =	stream.linear.gather [hbm4b:s0+s2], $0x4000, $0x38;
	[tilespmem:$0xC480] =	vst v63  }
0x1d: {  	s19 =	rddreg [dreg:$0x8]  }
0x1e: {  	[tilespmem:s2], [sflag:$0x3] =	stream.linear.gather [hbm4b:s19+s2], $0x100, $0x38;
	[tilespmem:$0xC480] =	vst v63  }
0x1f: {  	_ =	swait.ge [sflag:s8], $0x100  }
0x20: {  	s0 =	rddreg [dreg:$0x9];
	[sflag:s8] =	ssyncset.done $0x0  }
0x21: {  	s19 =	rddreg [dreg:$0xb];
	[sflag:s8] =	ssyncadd.s32 $0xFFFFFF00  }
0x22: {  	[tilespmem:s19], [sflag:$0x3] =	stream.linear.gather [hbm4b:s0+s2], $0x100, $0x38;
	[tilespmem:$0xC480] =	vst v63  }
0x23: {  	_ =	swait.ge [sflag:s8], $0x100  }
0x24: {  	[sflag:s8] =	ssyncset.done $0x0  }
0x25: {  	s19 =	rddreg [dreg:$0x4];
	[sflag:s8] =	ssyncadd.s32 $0xFFFFFF00  }
0x26: {  	[tilespmem:s9], [sflag:$0x3] =	stream.linear.gather [hbm4b:s19+s2], $0x80, $0x38;
	[tilespmem:$0xC480] =	vst v63  }
0x27: {  	_ =	swait.ge [sflag:s8], $0x80  }
0x28: {  	[sflag:s8] =	ssyncset.done $0x0  }
0x29: {  	[sflag:s8] =	ssyncadd.s32 $0xFFFFFF80  }
0x2a: {  	v3 =	vld [tilespmem:$0x0];
	_ =	sdelay $0x5  }
0x2b: {  	v4 =	vld [tilespmem:$0x100]  }
0x2c: {  	v5 =	vld [tilespmem:$0x10]  }
0x2d: {  	v3 =	vld.idx.msk [tilespmem:v3+s9+$0x0], $0xffff;
	_ =	sdelay $0x4  }
0x2e: {  	v19 =	vld [tilespmem:$0x110];
	v3 =	vadd.s32 v4, v3  }
0x2f: {  	v6 =	vld [tilespmem:$0x20];
	[tilespmem:$0x280] =	vst v3  }
0x30: {  	v5 =	vld.idx.msk [tilespmem:v5+s9+$0x0], $0xffff;
	_ =	sdelay $0x4  }
0x31: {  	v20 =	vld [tilespmem:$0x120];
	v4 =	vadd.s32 v19, v5  }
0x32: {  	v21 =	vld [tilespmem:$0x30];
	[tilespmem:$0x290] =	vst v4  }
0x33: {  	v6 =	vld.idx.msk [tilespmem:v6+s9+$0x0], $0xffff;
	_ =	sdelay $0x4  }
0x34: {  	v22 =	vld [tilespmem:$0x130];
	v5 =	vadd.s32 v20, v6  }
0x35: {  	v23 =	vld [tilespmem:$0x40];
	[tilespmem:$0x2A0] =	vst v5  }
0x36: {  	v4 =	vld.idx.msk [tilespmem:v21+s9+$0x0], $0xffff;
	_ =	sdelay $0x4  }
0x37: {  	v24 =	vld [tilespmem:$0x140];
	v4 =	vadd.s32 v22, v4  }
0x38: {  	v25 =	vld [tilespmem:$0x50];
	[tilespmem:$0x2B0] =	vst v4  }
0x39: {  	v5 =	vld.idx.msk [tilespmem:v23+s9+$0x0], $0xffff;
	_ =	sdelay $0x4  }
0x3a: {  	v26 =	vld [tilespmem:$0x150];
	v5 =	vadd.s32 v24, v5  }
0x3b: {  	v27 =	vld [tilespmem:$0x60];
	[tilespmem:$0x300] =	vst v5  }
0x3c: {  	v4 =	vld.idx.msk [tilespmem:v25+s9+$0x0], $0xffff;
	_ =	sdelay $0x4  }
0x3d: {  	v28 =	vld [tilespmem:$0x160];
	v4 =	vadd.s32 v26, v4  }
0x3e: {  	v29 =	vld [tilespmem:$0x70];
	[tilespmem:$0x310] =	vst v4  }
0x3f: {  	v5 =	vld.idx.msk [tilespmem:v27+s9+$0x0], $0xffff;
	_ =	sdelay $0x4  }
0x40: {  	v30 =	vld [tilespmem:$0x170];
	v5 =	vadd.s32 v28, v5  }
0x41: {  	v31 =	vld [tilespmem:$0x80];
	[tilespmem:$0x320] =	vst v5  }
0x42: {  	v4 =	vld.idx.msk [tilespmem:v29+s9+$0x0], $0xffff;
	_ =	sdelay $0x4  }
0x43: {  	v32 =	vld [tilespmem:$0x180];
	v4 =	vadd.s32 v30, v4  }
0x44: {  	v33 =	vld [tilespmem:$0x90];
	[tilespmem:$0x330] =	vst v4  }
0x45: {  	v5 =	vld.idx.msk [tilespmem:v31+s9+$0x0], $0xffff;
	_ =	sdelay $0x4  }
0x46: {  	v34 =	vld [tilespmem:$0x190];
	v5 =	vadd.s32 v32, v5  }
0x47: {  	v35 =	vld [tilespmem:$0xA0];
	[tilespmem:$0x380] =	vst v5  }
0x48: {  	v4 =	vld.idx.msk [tilespmem:v33+s9+$0x0], $0xffff;
	_ =	sdelay $0x4  }
0x49: {  	v36 =	vld [tilespmem:$0x1A0];
	v4 =	vadd.s32 v34, v4  }
0x4a: {  	v37 =	vld [tilespmem:$0xB0];
	[tilespmem:$0x390] =	vst v4  }
0x4b: {  	v5 =	vld.idx.msk [tilespmem:v35+s9+$0x0], $0xffff;
	_ =	sdelay $0x4  }
0x4c: {  	v38 =	vld [tilespmem:$0x1B0];
	v5 =	vadd.s32 v36, v5  }
0x4d: {  	v39 =	vld [tilespmem:$0xC0];
	[tilespmem:$0x3A0] =	vst v5  }
0x4e: {  	v4 =	vld.idx.msk [tilespmem:v37+s9+$0x0], $0xffff;
	_ =	sdelay $0x4  }
0x4f: {  	v40 =	vld [tilespmem:$0x1C0];
	v4 =	vadd.s32 v38, v4  }
0x50: {  	v41 =	vld [tilespmem:$0xD0];
	[tilespmem:$0x3B0] =	vst v4  }
0x51: {  	v5 =	vld.idx.msk [tilespmem:v39+s9+$0x0], $0xffff;
	_ =	sdelay $0x4  }
0x52: {  	v42 =	vld [tilespmem:$0x1D0];
	v5 =	vadd.s32 v40, v5  }
0x53: {  	v43 =	vld [tilespmem:$0xE0];
	[tilespmem:$0x400] =	vst v5  }
0x54: {  	v4 =	vld.idx.msk [tilespmem:v41+s9+$0x0], $0xffff;
	_ =	sdelay $0x4  }
0x55: {  	v44 =	vld [tilespmem:$0x1E0];
	v4 =	vadd.s32 v42, v4  }
0x56: {  	v45 =	vld [tilespmem:$0xF0];
	[tilespmem:$0x410] =	vst v4  }
0x57: {  	v5 =	vld.idx.msk [tilespmem:v43+s9+$0x0], $0xffff;
	_ =	sdelay $0x4  }
0x58: {  	v5 =	vadd.s32 v44, v5  }
0x59: {  	v46 =	vld [tilespmem:$0x1F0];
	[tilespmem:$0x420] =	vst v5  }
0x5a: {  	v47 =	vshll.u32 v3, $0x1;
	v4 =	vld.idx.msk [tilespmem:v45+s9+$0x0], $0xffff  }
0x5b: {  	v3 =	vand.u32 $0x7, v3;
	v6 =	vand.u32 $0xFFFFFFF0, v47  }
0x5c: {  	v3 =	vor.u32 v3, v6  }
0x5d: {  	v6 =	vperm.xlane v3, v0;
	_ =	sdelay $0x1  }
0x5e: {  	v3 =	vperm.xlane v3, v2;
	v48 =	vadd.s32 v1, v6;
	v4 =	vadd.s32 v46, v4  }
0x5f: {  	[tilespmem:$0x430] =	vst v4  }
0x60: {  	v3 =	vadd.s32 v1, v3;
	_ =	swait.ge [sflag:s10], $0x4000  }
0x61: {  	[sflag:s10] =	ssyncset.done $0x0  }
0x62: {  	[sflag:s10] =	ssyncadd.s32 $0xFFFFC000  }
0x63: {  	[hbm4b:s3+s2] =	stream.indirect_vreg.scatter [tilespmem:s5], [sflag:$0x2], $0x80, v48, vm0, $0xb8;
	[tilespmem:$0xC480] =	vst v63  }
0x64: {  	_ = 	snop  }
0x65: {  	[hbm4b:s3+s2] =	stream.indirect_vreg.scatter [tilespmem:s11], [sflag:$0x2], $0x80, v3, vm0, $0xb8;
	[tilespmem:$0xC480] =	vst v63  }
0x66: {  	v3 =	vld [tilespmem:$0x290];
	_ =	sdelay $0x4  }
0x67: {  	v49 =	vshll.u32 v3, $0x1  }
0x68: {  	v3 =	vand.u32 $0x7, v3;
	v4 =	vand.u32 $0xFFFFFFF0, v49  }
0x69: {  	v3 =	vor.u32 v3, v4  }
0x6a: {  	v4 =	vperm.xlane v3, v0;
	_ =	sdelay $0x1  }
0x6b: {  	v3 =	vperm.xlane v3, v2;
	v4 =	vadd.s32 v1, v4;
	_ =	sdelay $0x1  }
0x6c: {  	v3 =	vadd.s32 v1, v3;
	_ =	sdelay $0x2  }
0x6d: {  	[hbm4b:s3+s2] =	stream.indirect_vreg.scatter [tilespmem:s12], [sflag:$0x2], $0x80, v4, vm0, $0xb8;
	[tilespmem:$0xC480] =	vst v63  }
0x6e: {  	_ = 	snop  }
0x6f: {  	[hbm4b:s3+s2] =	stream.indirect_vreg.scatter [tilespmem:s13], [sflag:$0x2], $0x80, v3, vm0, $0xb8;
	[tilespmem:$0xC480] =	vst v63  }
0x70: {  	v3 =	vld [tilespmem:$0x2A0];
	_ =	sdelay $0x4  }
0x71: {  	v50 =	vshll.u32 v3, $0x1  }
0x72: {  	v3 =	vand.u32 $0x7, v3;
	v4 =	vand.u32 $0xFFFFFFF0, v50  }
0x73: {  	v3 =	vor.u32 v3, v4  }
0x74: {  	v4 =	vperm.xlane v3, v0;
	_ =	sdelay $0x1  }
0x75: {  	v3 =	vperm.xlane v3, v2;
	v4 =	vadd.s32 v1, v4;
	_ =	sdelay $0x1  }
0x76: {  	v3 =	vadd.s32 v1, v3;
	_ =	sdelay $0x2  }
0x77: {  	[hbm4b:s3+s2] =	stream.indirect_vreg.scatter [tilespmem:s14], [sflag:$0x2], $0x80, v4, vm0, $0xb8;
	[tilespmem:$0xC480] =	vst v63  }
0x78: {  	_ = 	snop  }
0x79: {  	[hbm4b:s3+s2] =	stream.indirect_vreg.scatter [tilespmem:s15], [sflag:$0x2], $0x80, v3, vm0, $0xb8;
	[tilespmem:$0xC480] =	vst v63  }
0x7a: {  	v3 =	vld [tilespmem:$0x2B0];
	_ =	sdelay $0x4  }
0x7b: {  	v51 =	vshll.u32 v3, $0x1  }
0x7c: {  	v3 =	vand.u32 $0x7, v3;
	v4 =	vand.u32 $0xFFFFFFF0, v51  }
0x7d: {  	v3 =	vor.u32 v3, v4  }
0x7e: {  	v4 =	vperm.xlane v3, v0;
	_ =	sdelay $0x1  }
0x7f: {  	v3 =	vperm.xlane v3, v2;
	v4 =	vadd.s32 v1, v4;
	_ =	sdelay $0x1  }
0x80: {  	v3 =	vadd.s32 v1, v3;
	_ =	sdelay $0x2  }
0x81: {  	[hbm4b:s3+s2] =	stream.indirect_vreg.scatter [tilespmem:s16], [sflag:$0x2], $0x80, v4, vm0, $0xb8;
	[tilespmem:$0xC480] =	vst v63  }
0x82: {  	_ = 	snop  }
0x83: {  	[hbm4b:s3+s2] =	stream.indirect_vreg.scatter [tilespmem:s17], [sflag:$0x2], $0x80, v3, vm0, $0xb8;
	[tilespmem:$0xC480] =	vst v63  }
0x84: {  	_ =	swait.ge [sflag:s18], $0x4000  }
0x85: {  	[sflag:s18] =	ssyncset.done $0x0  }
0x86: {  	s19 =	rddreg [dreg:$0xa];
	[sflag:s18] =	ssyncadd.s32 $0xFFFFC000  }
0x87: {  	[tilespmem:s5], [sflag:$0x1] =	stream.linear.gather [hbm4b:s19+s2], $0x4000, $0x38;
	[tilespmem:$0xC480] =	vst v63  }
0x88: {  	_ =	swait.ge [sflag:s10], $0x4000  }
0x89: {  	[sflag:s10] =	ssyncset.done $0x0  }
0x8a: {  	[sflag:s10] =	ssyncadd.s32 $0xFFFFC000  }
0x8b: {  	v3 =	vld [tilespmem:$0x300];
	_ =	sdelay $0x4  }
0x8c: {  	v52 =	vshll.u32 v3, $0x1  }
0x8d: {  	v3 =	vand.u32 $0x7, v3;
	v4 =	vand.u32 $0xFFFFFFF0, v52  }
0x8e: {  	v3 =	vor.u32 v3, v4  }
0x8f: {  	v4 =	vperm.xlane v3, v0;
	_ =	sdelay $0x1  }
0x90: {  	v3 =	vperm.xlane v3, v2;
	v4 =	vadd.s32 v1, v4;
	_ =	sdelay $0x1  }
0x91: {  	v3 =	vadd.s32 v1, v3;
	_ =	sdelay $0x2  }
0x92: {  	[hbm4b:s3+s2] =	stream.indirect_vreg.scatter [tilespmem:s6], [sflag:$0x2], $0x80, v4, vm0, $0xb8;
	[tilespmem:$0xC480] =	vst v63  }
0x93: {  	s19 =	rddreg [dreg:$0xc]  }
0x94: {  	[hbm4b:s3+s2] =	stream.indirect_vreg.scatter [tilespmem:s19], [sflag:$0x2], $0x80, v3, vm0, $0xb8;
	[tilespmem:$0xC480] =	vst v63  }
0x95: {  	v3 =	vld [tilespmem:$0x310];
	_ =	sdelay $0x4  }
0x96: {  	v53 =	vshll.u32 v3, $0x1  }
0x97: {  	v3 =	vand.u32 $0x7, v3;
	v4 =	vand.u32 $0xFFFFFFF0, v53  }
0x98: {  	v3 =	vor.u32 v3, v4  }
0x99: {  	v4 =	vperm.xlane v3, v0;
	_ =	sdelay $0x1  }
0x9a: {  	v3 =	vperm.xlane v3, v2;
	v4 =	vadd.s32 v1, v4;
	_ =	sdelay $0x1  }
0x9b: {  	v3 =	vadd.s32 v1, v3;
	_ =	sdelay $0x1  }
0x9c: {  	s19 =	simm.s32 $0x5480  }
0x9d: {  	[hbm4b:s3+s2] =	stream.indirect_vreg.scatter [tilespmem:s19], [sflag:$0x2], $0x80, v4, vm0, $0xb8;
	[tilespmem:$0xC480] =	vst v63  }
0x9e: {  	_ = 	snop  }
0x9f: {  	[hbm4b:s3+s2] =	stream.indirect_vreg.scatter [tilespmem:s20], [sflag:$0x2], $0x80, v3, vm0, $0xb8;
	[tilespmem:$0xC480] =	vst v63  }
0xa0: {  	v3 =	vld [tilespmem:$0x320];
	_ =	sdelay $0x4  }
0xa1: {  	v54 =	vshll.u32 v3, $0x1  }
0xa2: {  	v3 =	vand.u32 $0x7, v3;
	v4 =	vand.u32 $0xFFFFFFF0, v54  }
0xa3: {  	v3 =	vor.u32 v3, v4  }
0xa4: {  	v4 =	vperm.xlane v3, v0;
	_ =	sdelay $0x1  }
0xa5: {  	v3 =	vperm.xlane v3, v2;
	v4 =	vadd.s32 v1, v4;
	_ =	sdelay $0x1  }
0xa6: {  	v3 =	vadd.s32 v1, v3;
	_ =	sdelay $0x2  }
0xa7: {  	[hbm4b:s3+s2] =	stream.indirect_vreg.scatter [tilespmem:s21], [sflag:$0x2], $0x80, v4, vm0, $0xb8;
	[tilespmem:$0xC480] =	vst v63  }
0xa8: {  	_ = 	snop  }
0xa9: {  	[hbm4b:s3+s2] =	stream.indirect_vreg.scatter [tilespmem:s22], [sflag:$0x2], $0x80, v3, vm0, $0xb8;
	[tilespmem:$0xC480] =	vst v63  }
0xaa: {  	v3 =	vld [tilespmem:$0x330];
	_ =	sdelay $0x4  }
0xab: {  	v55 =	vshll.u32 v3, $0x1  }
0xac: {  	v3 =	vand.u32 $0x7, v3;
	v4 =	vand.u32 $0xFFFFFFF0, v55  }
0xad: {  	v3 =	vor.u32 v3, v4  }
0xae: {  	v4 =	vperm.xlane v3, v0;
	_ =	sdelay $0x1  }
0xaf: {  	v3 =	vperm.xlane v3, v2;
	v4 =	vadd.s32 v1, v4;
	_ =	sdelay $0x1  }
0xb0: {  	v3 =	vadd.s32 v1, v3;
	_ =	sdelay $0x2  }
0xb1: {  	[hbm4b:s3+s2] =	stream.indirect_vreg.scatter [tilespmem:s23], [sflag:$0x2], $0x80, v4, vm0, $0xb8;
	[tilespmem:$0xC480] =	vst v63  }
0xb2: {  	_ = 	snop  }
0xb3: {  	[hbm4b:s3+s2] =	stream.indirect_vreg.scatter [tilespmem:s24], [sflag:$0x2], $0x80, v3, vm0, $0xb8;
	[tilespmem:$0xC480] =	vst v63  }
0xb4: {  	_ =	swait.ge [sflag:s10], $0x4000  }
0xb5: {  	[sflag:s10] =	ssyncset.done $0x0  }
0xb6: {  	[sflag:s10] =	ssyncadd.s32 $0xFFFFC000  }
0xb7: {  	v3 =	vld [tilespmem:$0x380];
	_ =	sdelay $0x4  }
0xb8: {  	v56 =	vshll.u32 v3, $0x1  }
0xb9: {  	v3 =	vand.u32 $0x7, v3;
	v4 =	vand.u32 $0xFFFFFFF0, v56  }
0xba: {  	v3 =	vor.u32 v3, v4  }
0xbb: {  	v4 =	vperm.xlane v3, v0;
	_ =	sdelay $0x1  }
0xbc: {  	v3 =	vperm.xlane v3, v2;
	v4 =	vadd.s32 v1, v4;
	_ =	sdelay $0x1  }
0xbd: {  	v3 =	vadd.s32 v1, v3;
	_ =	sdelay $0x2  }
0xbe: {  	[hbm4b:s3+s2] =	stream.indirect_vreg.scatter [tilespmem:s7], [sflag:$0x2], $0x80, v4, vm0, $0xb8;
	[tilespmem:$0xC480] =	vst v63  }
0xbf: {  	_ = 	snop  }
0xc0: {  	[hbm4b:s3+s2] =	stream.indirect_vreg.scatter [tilespmem:s25], [sflag:$0x2], $0x80, v3, vm0, $0xb8;
	[tilespmem:$0xC480] =	vst v63  }
0xc1: {  	v3 =	vld [tilespmem:$0x390];
	_ =	sdelay $0x4  }
0xc2: {  	v57 =	vshll.u32 v3, $0x1  }
0xc3: {  	v3 =	vand.u32 $0x7, v3;
	v4 =	vand.u32 $0xFFFFFFF0, v57  }
0xc4: {  	v3 =	vor.u32 v3, v4  }
0xc5: {  	v4 =	vperm.xlane v3, v0;
	_ =	sdelay $0x1  }
0xc6: {  	v3 =	vperm.xlane v3, v2;
	v4 =	vadd.s32 v1, v4;
	_ =	sdelay $0x1  }
0xc7: {  	v3 =	vadd.s32 v1, v3;
	_ =	sdelay $0x2  }
0xc8: {  	[hbm4b:s3+s2] =	stream.indirect_vreg.scatter [tilespmem:s26], [sflag:$0x2], $0x80, v4, vm0, $0xb8;
	[tilespmem:$0xC480] =	vst v63  }
0xc9: {  	_ = 	snop  }
0xca: {  	[hbm4b:s3+s2] =	stream.indirect_vreg.scatter [tilespmem:s28], [sflag:$0x2], $0x80, v3, vm0, $0xb8;
	[tilespmem:$0xC480] =	vst v63  }
0xcb: {  	v3 =	vld [tilespmem:$0x3A0];
	_ =	sdelay $0x4  }
0xcc: {  	v58 =	vshll.u32 v3, $0x1  }
0xcd: {  	v3 =	vand.u32 $0x7, v3;
	v4 =	vand.u32 $0xFFFFFFF0, v58  }
0xce: {  	v3 =	vor.u32 v3, v4  }
0xcf: {  	v4 =	vperm.xlane v3, v0;
	_ =	sdelay $0x1  }
0xd0: {  	v3 =	vperm.xlane v3, v2;
	v4 =	vadd.s32 v1, v4;
	_ =	sdelay $0x1  }
0xd1: {  	v3 =	vadd.s32 v1, v3;
	_ =	sdelay $0x2  }
0xd2: {  	[hbm4b:s3+s2] =	stream.indirect_vreg.scatter [tilespmem:s29], [sflag:$0x2], $0x80, v4, vm0, $0xb8;
	[tilespmem:$0xC480] =	vst v63  }
0xd3: {  	_ = 	snop  }
0xd4: {  	[hbm4b:s3+s2] =	stream.indirect_vreg.scatter [tilespmem:s30], [sflag:$0x2], $0x80, v3, vm0, $0xb8;
	[tilespmem:$0xC480] =	vst v63  }
0xd5: {  	v3 =	vld [tilespmem:$0x3B0];
	_ =	sdelay $0x4  }
0xd6: {  	v59 =	vshll.u32 v3, $0x1  }
0xd7: {  	v3 =	vand.u32 $0x7, v3;
	v4 =	vand.u32 $0xFFFFFFF0, v59  }
0xd8: {  	v3 =	vor.u32 v3, v4  }
0xd9: {  	v4 =	vperm.xlane v3, v0;
	_ =	sdelay $0x1  }
0xda: {  	v3 =	vperm.xlane v3, v2;
	v4 =	vadd.s32 v1, v4;
	_ =	sdelay $0x1  }
0xdb: {  	v3 =	vadd.s32 v1, v3;
	_ =	sdelay $0x2  }
0xdc: {  	[hbm4b:s3+s2] =	stream.indirect_vreg.scatter [tilespmem:s31], [sflag:$0x2], $0x80, v4, vm0, $0xb8;
	[tilespmem:$0xC480] =	vst v63  }
0xdd: {  	_ = 	snop  }
0xde: {  	[hbm4b:s3+s2] =	stream.indirect_vreg.scatter [tilespmem:s1], [sflag:$0x2], $0x80, v3, vm0, $0xb8;
	[tilespmem:$0xC480] =	vst v63  }
0xdf: {  	_ =	swait.ge [sflag:s10], $0x4000  }
0xe0: {  	[sflag:s10] =	ssyncset.done $0x0  }
0xe1: {  	[sflag:s10] =	ssyncadd.s32 $0xFFFFC000  }
0xe2: {  	v3 =	vld [tilespmem:$0x400];
	_ =	sdelay $0x4  }
0xe3: {  	v60 =	vshll.u32 v3, $0x1  }
0xe4: {  	v3 =	vand.u32 $0x7, v3;
	v4 =	vand.u32 $0xFFFFFFF0, v60  }
0xe5: {  	v3 =	vor.u32 v3, v4  }
0xe6: {  	v4 =	vperm.xlane v3, v0;
	_ =	sdelay $0x1  }
0xe7: {  	v3 =	vperm.xlane v3, v2;
	v4 =	vadd.s32 v1, v4;
	_ =	sdelay $0x1  }
0xe8: {  	v3 =	vadd.s32 v1, v3;
	_ =	sdelay $0x2  }
0xe9: {  	[hbm4b:s3+s2] =	stream.indirect_vreg.scatter [tilespmem:s5], [sflag:$0x2], $0x80, v4, vm0, $0xb8;
	[tilespmem:$0xC480] =	vst v63  }
0xea: {  	_ = 	snop  }
0xeb: {  	[hbm4b:s3+s2] =	stream.indirect_vreg.scatter [tilespmem:s11], [sflag:$0x2], $0x80, v3, vm0, $0xb8;
	[tilespmem:$0xC480] =	vst v63  }
0xec: {  	v3 =	vld [tilespmem:$0x410];
	_ =	sdelay $0x4  }
0xed: {  	v61 =	vshll.u32 v3, $0x1  }
0xee: {  	v3 =	vand.u32 $0x7, v3;
	v4 =	vand.u32 $0xFFFFFFF0, v61  }
0xef: {  	v3 =	vor.u32 v3, v4  }
0xf0: {  	v4 =	vperm.xlane v3, v0;
	_ =	sdelay $0x1  }
0xf1: {  	v3 =	vperm.xlane v3, v2;
	v4 =	vadd.s32 v1, v4;
	_ =	sdelay $0x1  }
0xf2: {  	v3 =	vadd.s32 v1, v3;
	_ =	sdelay $0x2  }
0xf3: {  	[hbm4b:s3+s2] =	stream.indirect_vreg.scatter [tilespmem:s12], [sflag:$0x2], $0x80, v4, vm0, $0xb8;
	[tilespmem:$0xC480] =	vst v63  }
0xf4: {  	_ = 	snop  }
0xf5: {  	[hbm4b:s3+s2] =	stream.indirect_vreg.scatter [tilespmem:s13], [sflag:$0x2], $0x80, v3, vm0, $0xb8;
	[tilespmem:$0xC480] =	vst v63  }
0xf6: {  	v3 =	vld [tilespmem:$0x420];
	_ =	sdelay $0x4  }
0xf7: {  	v62 =	vshll.u32 v3, $0x1  }
0xf8: {  	v3 =	vand.u32 $0x7, v3;
	v4 =	vand.u32 $0xFFFFFFF0, v62  }
0xf9: {  	v3 =	vor.u32 v3, v4  }
0xfa: {  	v4 =	vperm.xlane v3, v0;
	_ =	sdelay $0x1  }
0xfb: {  	v3 =	vperm.xlane v3, v2;
	v4 =	vadd.s32 v1, v4;
	_ =	sdelay $0x1  }
0xfc: {  	v3 =	vadd.s32 v1, v3;
	_ =	sdelay $0x2  }
0xfd: {  	[hbm4b:s3+s2] =	stream.indirect_vreg.scatter [tilespmem:s14], [sflag:$0x2], $0x80, v4, vm0, $0xb8;
	[tilespmem:$0xC480] =	vst v63  }
0xfe: {  	_ = 	snop  }
0xff: {  	[hbm4b:s3+s2] =	stream.indirect_vreg.scatter [tilespmem:s15], [sflag:$0x2], $0x80, v3, vm0, $0xb8;
	[tilespmem:$0xC480] =	vst v63  }
0x100: {  	v3 =	vld [tilespmem:$0x430];
	_ =	sdelay $0x4  }
0x101: {  	v63 =	vshll.u32 v3, $0x1  }
0x102: {  	v3 =	vand.u32 $0x7, v3;
	v4 =	vand.u32 $0xFFFFFFF0, v63  }
0x103: {  	v3 =	vor.u32 v3, v4  }
0x104: {  	v4 =	vperm.xlane v3, v0;
	_ =	sdelay $0x1  }
0x105: {  	v3 =	vperm.xlane v3, v2;
	v4 =	vadd.s32 v1, v4;
	_ =	sdelay $0x1  }
0x106: {  	v3 =	vadd.s32 v1, v3;
	_ =	sdelay $0x2  }
0x107: {  	[hbm4b:s3+s2] =	stream.indirect_vreg.scatter [tilespmem:s16], [sflag:$0x2], $0x80, v4, vm0, $0xb8;
	[tilespmem:$0xC480] =	vst v63  }
0x108: {  	_ = 	snop  }
0x109: {  	[hbm4b:s3+s2] =	stream.indirect_vreg.scatter [tilespmem:s17], [sflag:$0x2], $0x80, v3, vm0, $0xb8;
	[tilespmem:$0xC480] =	vst v63  }
0x10a: {  	_ =	swait.ge [sflag:s18], $0x4000  }
0x10b: {  	[sflag:s18] =	ssyncset.done $0x0  }
0x10c: {  	[sflag:s18] =	ssyncadd.s32 $0xFFFFC000  }
0x10d: {  	p0 =	sne.s32 s4, $0x1;
	_ =	swait.ge [sflag:s18], $0x4000  }
.Ltmp0:
0x10e: {  	[sflag:s18] =	ssyncset.done $0x0;
	(pc) =	sbr.rel @p0 .LBB2_1-.Ltmp0, $4  }
0x10f: {  	[sflag:s18] =	ssyncadd.s32 $0xFFFFC000  }
0x110: {  	_ =	swait.ge [sflag:s18], $0x4000  }
0x111: {  	[sflag:s18] =	ssyncset.done $0x0  }
0x112: {  	s4 =	sadd.s32 $0xFFFFFFFF, s4;
	[sflag:s18] =	ssyncadd.s32 $0xFFFFC000  }
0x113: {  	_ =	sfence.sel $0x180000  }
0x114: {  	[bflag:$0x0] =	sbarrier.arrive $0xFFFF  }
0x115: {  	_ =	strace $0x90000047  }
0x116: {  	s0 =	stileid.u32;
	[bflag:$0x2] =	sbarrier.arrive $0xFFFF  }
0x117: {  	p0 =	sne.s32 s0, $0x0;
	s0 =	rddreg [dreg:$0x3]  }
0x118: {  	s0 =	sadd.s32 @!p0 $0x100000, s0  }
0x119: {  	[sflag:s0] =	ssyncadd.tile.s32 @!p0 $0x1;
	_ =	shalt  }
.Lfunc_end2:
_tile_overlayer_lowered:
.L_overlay_start_2:
0x11a: {  	(tag) =	ssettag $0x2  }
0x11b: {  	s0 =	rddreg [dreg:$0x0];
	s2 =	stileid.u32  }
0x11c: {  	s1 =	rddreg [dreg:$0x1];
	p0 =	sne.s32 s2, $0x0  }
0x11d: {  	s3 =	rddreg [dreg:$0x2];
	[bflag:$0x3] =	sbarrier.arrive $0xFFFF;
	s2 =	simm.s32 @!p0 $0x1C03  }
0x11e: {  	[timem:s3], [sflag:s2] =	dma.local @!p0 [hbm:s0], s1  }
0x11f: {  	s0 =	simm.s32 @!p0 $0x3  }
0x120: {  	_ =	swait.ge @!p0 [sflag:s0], s1  }
0x121: {  	s1 =	ssub.s32 @!p0 $0x0, s1;
	[sflag:s0] =	ssyncset.done @!p0 $0x0  }
0x122: {  	[sflag:s0] =	ssyncadd.s32 @!p0 s1  }
0x123: {  	[bflag:$0x3] =	sbarrier.arrive $0xFFFF  }
0x124: {  	_ =	shalt  }

</sc_bundles>
